<compile_context>
chip_gen: v7x
topology: tpu7x:2x2x1
jax: 0.10.2.dev20260603
libtpu: 0.0.44.dev20260713+nightly
codegen_flags: <defaults>
</compile_context>

<pallas_src>
import functools

import jax
import jax.numpy as jnp
from jax import lax
from jax.experimental import pallas as pl
from jax.experimental.pallas import tpu as pltpu
from jax.experimental.pallas import tpu_sc as plsc

_B = 4096
_L = 200
_D = 128
_FC = 2048
_NW = 32
_RPW = _B // _NW
_NREG = _D // 16
_G = 8


def _pool_sc(h_tok, h_len, p_tok, p_len, table):
    mesh = plsc.VectorSubcoreMesh(core_axis_name="c", subcore_axis_name="s")

    @functools.partial(
        pl.kernel,
        mesh=mesh,
        out_type=(
            jax.ShapeDtypeStruct((_B, _D), jnp.float32),
            jax.ShapeDtypeStruct((_B, _D), jnp.float32),
        ),
        scratch_types=[
            pltpu.VMEM((_RPW * _L,), jnp.int32),
            pltpu.VMEM((_RPW + 16,), jnp.int32),
            pltpu.VMEM((_L, _D), jnp.float32),
            pltpu.VMEM((_L, _D), jnp.float32),
            pltpu.VMEM((_RPW, _D), jnp.float32),
            pltpu.SemaphoreType.DMA,
            pltpu.SemaphoreType.DMA,
        ],
    )
    def k(h_tok_hbm, h_len_hbm, p_tok_hbm, p_len_hbm, table_hbm,
          h_out_hbm, p_out_hbm, idx_v, len_v, buf0, buf1, out_v, sem0, sem1):
        wid = lax.axis_index("s") * 2 + lax.axis_index("c")
        base = wid * _RPW

        def do_side(tok_hbm, lens_hbm, out_hbm):
            pltpu.sync_copy(tok_hbm.at[pl.ds(base * _L, _RPW * _L)], idx_v)
            pltpu.sync_copy(lens_hbm.at[pl.ds(base, _RPW)],
                            len_v.at[pl.ds(0, _RPW)])

            def nchunks(r):
                ln = len_v[pl.ds(r, 16)][0]
                return lax.shift_right_logical(ln + (_G - 1), 3)

            def gather(r, nc, buf, sem):
                def cbody(c, _):
                    e = _L * r + _G * c
                    pltpu.async_copy(
                        table_hbm.at[idx_v.at[pl.ds(e, _G)]],
                        buf.at[pl.ds(c * _G, _G)], sem)
                    return 0
                lax.fori_loop(0, nc, cbody, 0)

            def wait(nc, buf, sem):
                def cbody(c, _):
                    pltpu.make_async_copy(
                        table_hbm.at[idx_v.at[pl.ds(0, _G)]],
                        buf.at[pl.ds(0, _G)], sem).wait()
                    return 0
                lax.fori_loop(0, nc, cbody, 0)

            def accum(r, buf):
                ln = len_v[pl.ds(r, 16)][0]

                def add_row(j, acc):
                    return tuple(acc[q] + buf[j, pl.ds(16 * q, 16)]
                                 for q in range(_NREG))

                def jbody(j2, acc):
                    return add_row(2 * j2 + 1, add_row(2 * j2, acc))

                acc = lax.fori_loop(
                    0, ln >> 1, jbody,
                    tuple(jnp.zeros((16,), jnp.float32) for _ in range(_NREG)))
                tail = jnp.broadcast_to((ln & 1).astype(jnp.float32), (16,))
                jt = (ln - 1) & ~1
                acc = tuple(acc[q] + buf[jt, pl.ds(16 * q, 16)] * tail
                            for q in range(_NREG))
                inv = 1.0 / jnp.broadcast_to(ln.astype(jnp.float32), (16,))
                for q in range(_NREG):
                    out_v[r, pl.ds(16 * q, 16)] = acc[q] * inv

            gather(0, nchunks(0), buf0, sem0)
            gather(1, nchunks(1), buf1, sem1)

            def rbody(r2, _):
                r0 = 2 * r2
                wait(nchunks(r0), buf0, sem0)
                accum(r0, buf0)

                @pl.when(r0 + 2 < _RPW)
                def _():
                    gather(r0 + 2, nchunks(r0 + 2), buf0, sem0)

                wait(nchunks(r0 + 1), buf1, sem1)
                accum(r0 + 1, buf1)

                @pl.when(r0 + 3 < _RPW)
                def _():
                    gather(r0 + 3, nchunks(r0 + 3), buf1, sem1)

                return 0

            lax.fori_loop(0, _RPW // 2, rbody, 0)
            pltpu.sync_copy(out_v, out_hbm.at[pl.ds(base, _RPW)])

        do_side(h_tok_hbm, h_len_hbm, h_out_hbm)
        do_side(p_tok_hbm, p_len_hbm, p_out_hbm)

    return k(h_tok, h_len, p_tok, p_len, table)


def _mlp_body(hp_ref, hh_ref, w1_ref, b1_ref, w2_ref, b2_ref, w3_ref, b3_ref,
              out_ref):
    hp = hp_ref[...]
    hh = hh_ref[...]
    f = jnp.concatenate([hp, hh, jnp.abs(hp - hh), hp * hh], axis=1)
    x1 = jnp.dot(f, w1_ref[...], preferred_element_type=jnp.float32) + b1_ref[...]
    x2 = jnp.dot(x1, w2_ref[...], preferred_element_type=jnp.float32) + b2_ref[...]
    out_ref[...] = (jnp.dot(x2, w3_ref[...], preferred_element_type=jnp.float32)
                    + b3_ref[...])


def _mlp_tc(hp, hh, W1, b1, W2, b2, W3p, b3p):
    BM = 512
    return pl.pallas_call(
        _mlp_body,
        grid=(_B // BM,),
        in_specs=[
            pl.BlockSpec((BM, _D), lambda i: (i, 0)),
            pl.BlockSpec((BM, _D), lambda i: (i, 0)),
            pl.BlockSpec((4 * _D, _FC), lambda i: (0, 0)),
            pl.BlockSpec((1, _FC), lambda i: (0, 0)),
            pl.BlockSpec((_FC, _FC), lambda i: (0, 0)),
            pl.BlockSpec((1, _FC), lambda i: (0, 0)),
            pl.BlockSpec((_FC, _D), lambda i: (0, 0)),
            pl.BlockSpec((1, _D), lambda i: (0, 0)),
        ],
        out_specs=pl.BlockSpec((BM, _D), lambda i: (i, 0)),
        out_shape=jax.ShapeDtypeStruct((_B, _D), jnp.float32),
    )(hp, hh, W1, b1.reshape(1, _FC), W2, b2.reshape(1, _FC), W3p, b3p)


def kernel(hypothesis_tokens, hypothesis_len, premise_tokens, premise_len,
           emb_table, W1, b1, W2, b2, W3, b3):
    h_tok = hypothesis_tokens.astype(jnp.int32).reshape(_B * _L)
    p_tok = premise_tokens.astype(jnp.int32).reshape(_B * _L)
    h_len = hypothesis_len.astype(jnp.int32)
    p_len = premise_len.astype(jnp.int32)
    hh, hp = _pool_sc(h_tok, h_len, p_tok, p_len, emb_table)
    W3p = jnp.pad(W3, ((0, 0), (0, _D - W3.shape[1])))
    b3p = jnp.pad(b3, (0, _D - b3.shape[0])).reshape(1, _D)
    out = _mlp_tc(hp, hh, W1, b1, W2, b2, W3p, b3p)
    return out[:, :W3.shape[1]]

# --- scband reference (transcript-rebuilt; emitter-appended) ---
"""Pipeline reference for scband-nlinet-24275155157129 (READ-ONLY COPY).

The authoritative reference and input builder live on the scoring server;
editing this copy changes nothing except your own understanding.
"""

import jax, jax.numpy as jnp
import numpy as np

V = 100000
D = 128
L = 200
B = 4096
FC = 2048
OUT = 3


def setup_inputs(seed: int = 0) -> dict:
    key = jax.random.key(seed)
    ks = jax.random.split(key, 12)
    hypothesis_tokens = jax.random.randint(ks[0], (B, L), 0, V)
    hypothesis_len = jax.random.randint(ks[1], (B,), 1, L + 1)
    premise_tokens = jax.random.randint(ks[2], (B, L), 0, V)
    premise_len = jax.random.randint(ks[3], (B,), 1, L + 1)
    emb_table = jax.random.normal(ks[4], (V, D), dtype=jnp.float32) * 0.1
    CIN = D * 4
    W1 = jax.random.normal(ks[5], (CIN, FC), dtype=jnp.float32) * (1.0 / np.sqrt(CIN))
    b1 = jnp.zeros((FC,), jnp.float32)
    W2 = jax.random.normal(ks[6], (FC, FC), dtype=jnp.float32) * (1.0 / np.sqrt(FC))
    b2 = jnp.zeros((FC,), jnp.float32)
    W3 = jax.random.normal(ks[7], (FC, OUT), dtype=jnp.float32) * (1.0 / np.sqrt(FC))
    b3 = jnp.zeros((OUT,), jnp.float32)
    return {
        "hypothesis_tokens": hypothesis_tokens,
        "hypothesis_len": hypothesis_len,
        "premise_tokens": premise_tokens,
        "premise_len": premise_len,
        "emb_table": emb_table,
        "W1": W1, "b1": b1,
        "W2": W2, "b2": b2,
        "W3": W3, "b3": b3,
    }


def _baseline_encode(tokens, lens, table):
    # Baseline encoder: mean of word embeddings over valid positions
    emb = jnp.take(table, tokens, axis=0)  # [B, L, D] gather
    mask = (jnp.arange(emb.shape[1])[None, :] < lens[:, None]).astype(jnp.float32)
    s = jnp.sum(emb * mask[:, :, None], axis=1)
    denom = jnp.maximum(lens, 1).astype(jnp.float32)[:, None]
    return s / denom


def reference(hypothesis_tokens, hypothesis_len, premise_tokens, premise_len,
              emb_table, W1, b1, W2, b2, W3, b3):
    hidden_hypothesis = _baseline_encode(hypothesis_tokens, hypothesis_len, emb_table)
    hidden_premise = _baseline_encode(premise_tokens, premise_len, emb_table)
    features = jnp.concatenate([
        hidden_premise,
        hidden_hypothesis,
        jnp.abs(hidden_premise - hidden_hypothesis),
        hidden_premise * hidden_hypothesis,
    ], axis=1)
    # nn.Sequential(Linear, Linear, Linear) -- no activations, faithful to module
    x = features @ W1 + b1
    x = x @ W2 + b2
    out = x @ W3 + b3
    return out

if __name__ == "__main__":
    import jax
    _d = setup_inputs()
    print(jax.jit(kernel)(*tuple(_d.values())))

</pallas_src>

<mosaic_0001>
#map = affine_map<(d0, d1) -> (0)>
#map1 = affine_map<(d0, d1) -> (0, 0)>
module attributes {stable_mosaic.version = 14 : i64} {
  func.func @k(%arg0: i32, %arg1: i32, %arg2: memref<819200xi32, #tpu.memory_space<hbm>>, %arg3: memref<4096xi32, #tpu.memory_space<hbm>>, %arg4: memref<819200xi32, #tpu.memory_space<hbm>>, %arg5: memref<4096xi32, #tpu.memory_space<hbm>>, %arg6: memref<100000x128xf32, #tpu.memory_space<hbm>>, %arg7: memref<4096x128xf32, #tpu.memory_space<hbm>>, %arg8: memref<4096x128xf32, #tpu.memory_space<hbm>>, %arg9: memref<25600xi32, #tpu.memory_space<vmem>>, %arg10: memref<144xi32, #tpu.memory_space<vmem>>, %arg11: memref<200x128xf32, #tpu.memory_space<vmem>>, %arg12: memref<200x128xf32, #tpu.memory_space<vmem>>, %arg13: memref<128x128xf32, #tpu.memory_space<vmem>>, %arg14: memref<!tpu.dma_semaphore, #tpu.memory_space<semaphore_mem>>, %arg15: memref<!tpu.dma_semaphore, #tpu.memory_space<semaphore_mem>>) attributes {dimension_semantics = [#tpu.dimension_semantics<core_parallel>, #tpu.dimension_semantics<subcore_parallel>], iteration_bounds = array<i64: 2, 16>, scalar_prefetch = 0 : i64, scratch_operands = 7 : i64, tpu.core_type = #tpu.core_type<sc_vector_subcore>, window_params = [{transform_indices = #map}, {transform_indices = #map}, {transform_indices = #map}, {transform_indices = #map}, {transform_indices = #map1}, {transform_indices = #map1}, {transform_indices = #map1}]} {
    %mul3A = arith.constant 2 : i32
    %mul3A_0 = arith.muli %arg1, %mul3A : i32
    %add3A = arith.addi %mul3A_0, %arg0 : i32
    %mul3A_1 = arith.constant 128 : i32
    %mul3A_2 = arith.muli %add3A, %mul3A_1 : i32
    %mul3A_3 = arith.constant 200 : i32
    %mul3A_4 = arith.muli %mul3A_2, %mul3A_3 : i32
    "tpu.region"() ({
      %run_scoped3A = tpu.sem_alloc : memref<!tpu.dma_semaphore, #tpu.memory_space<semaphore_mem>>
      %dma_start3A = tpu.memref_slice %arg2[%mul3A_4] : memref<819200xi32, #tpu.memory_space<hbm>> -> memref<25600xi32, #tpu.memory_space<hbm>>
      %dma_start3A_99 = tpu.memref_slice %arg2[%mul3A_4] : memref<819200xi32, #tpu.memory_space<hbm>> -> memref<25600xi32, #tpu.memory_space<hbm>>
      tpu.enqueue_dma source(%dma_start3A_99 : memref<25600xi32, #tpu.memory_space<hbm>>) target(%arg9 : memref<25600xi32, #tpu.memory_space<vmem>>) target_semaphore(%run_scoped3A : memref<!tpu.dma_semaphore, #tpu.memory_space<semaphore_mem>>)
      %dma_wait3A = tpu.memref_slice %arg2[%mul3A_4] : memref<819200xi32, #tpu.memory_space<hbm>> -> memref<25600xi32, #tpu.memory_space<hbm>>
      %dma_wait3A_100 = tpu.memref_slice %arg2[%mul3A_4] : memref<819200xi32, #tpu.memory_space<hbm>> -> memref<25600xi32, #tpu.memory_space<hbm>>
      tpu.wait_dma2 semaphore(%run_scoped3A : memref<!tpu.dma_semaphore, #tpu.memory_space<semaphore_mem>>) src(%dma_wait3A_100 : memref<25600xi32, #tpu.memory_space<hbm>>) dst(%arg9 : memref<25600xi32, #tpu.memory_space<vmem>>)
      tpu.yield
    }) : () -> ()
    "tpu.region"() ({
      %run_scoped3A = tpu.sem_alloc : memref<!tpu.dma_semaphore, #tpu.memory_space<semaphore_mem>>
      %dma_start3A = arith.constant 0 : i32
      %dma_start3A_99 = tpu.memref_slice %arg10[%dma_start3A] : memref<144xi32, #tpu.memory_space<vmem>> -> memref<128xi32, #tpu.memory_space<vmem>>
      %dma_start3A_100 = tpu.memref_slice %arg3[%mul3A_2] : memref<4096xi32, #tpu.memory_space<hbm>> -> memref<128xi32, #tpu.memory_space<hbm>>
      %dma_start3A_101 = arith.constant 0 : i32
      %dma_start3A_102 = tpu.memref_slice %arg10[%dma_start3A_101] : memref<144xi32, #tpu.memory_space<vmem>> -> memref<128xi32, #tpu.memory_space<vmem>>
      %dma_start3A_103 = tpu.memref_slice %arg3[%mul3A_2] : memref<4096xi32, #tpu.memory_space<hbm>> -> memref<128xi32, #tpu.memory_space<hbm>>
      tpu.enqueue_dma source(%dma_start3A_103 : memref<128xi32, #tpu.memory_space<hbm>>) target(%dma_start3A_102 : memref<128xi32, #tpu.memory_space<vmem>>) target_semaphore(%run_scoped3A : memref<!tpu.dma_semaphore, #tpu.memory_space<semaphore_mem>>)
      %dma_wait3A = arith.constant 0 : i32
      %dma_wait3A_104 = tpu.memref_slice %arg10[%dma_wait3A] : memref<144xi32, #tpu.memory_space<vmem>> -> memref<128xi32, #tpu.memory_space<vmem>>
      %dma_wait3A_105 = tpu.memref_slice %arg3[%mul3A_2] : memref<4096xi32, #tpu.memory_space<hbm>> -> memref<128xi32, #tpu.memory_space<hbm>>
      %dma_wait3A_106 = arith.constant 0 : i32
      %dma_wait3A_107 = tpu.memref_slice %arg10[%dma_wait3A_106] : memref<144xi32, #tpu.memory_space<vmem>> -> memref<128xi32, #tpu.memory_space<vmem>>
      %dma_wait3A_108 = tpu.memref_slice %arg3[%mul3A_2] : memref<4096xi32, #tpu.memory_space<hbm>> -> memref<128xi32, #tpu.memory_space<hbm>>
      tpu.wait_dma2 semaphore(%run_scoped3A : memref<!tpu.dma_semaphore, #tpu.memory_space<semaphore_mem>>) src(%dma_wait3A_108 : memref<128xi32, #tpu.memory_space<hbm>>) dst(%dma_wait3A_107 : memref<128xi32, #tpu.memory_space<vmem>>)
      tpu.yield
    }) : () -> ()
    %get3A = arith.constant 0 : index
    %get3A_5 = tpu.vector_load %arg10[%get3A] {strides = array<i32>} : memref<144xi32, #tpu.memory_space<vmem>>, vector<16xi32>,
    %get3A_6 = vector.shape_cast %get3A_5 : vector<16xi32> to vector<16xi32>
    %slice3A = vector.extract_strided_slice %get3A_6 {offsets = [0], sizes = [1], strides = [1]} : vector<16xi32> to vector<1xi32>
    %squeeze3A = vector.extract %slice3A[0] : i32 from vector<1xi32>
    %add3A_7 = arith.constant 7 : i32
    %add3A_8 = arith.addi %squeeze3A, %add3A_7 : i32
    %shift_right_logical3A = arith.constant 3 : i32
    %shift_right_logical3A_9 = arith.shrui %add3A_8, %shift_right_logical3A : i32
    %while3A = arith.constant 0 : i32
    %while3A_10 = arith.constant 0 : i32
    %while3A_11 = arith.subi %shift_right_logical3A_9, %while3A : i32
    %while3A_12 = arith.addi %while3A, %while3A_11 : i32
    %while3A_13 = arith.constant 1 : i32
    %while3A_14 = arith.divsi %while3A_11, %while3A_13 : i32
    %while3A_15 = arith.muli %while3A_14, %while3A_13 : i32
    %while3A_16 = arith.addi %while3A, %while3A_15 : i32
    %while3A_17 = arith.constant 1 : i32
    %while3A_18 = scf.for %while3A_99 = %while3A to %while3A_16 step %while3A_17 iter_args(%while3A_100 = %while3A_10) -> (i32)  : i32 {
      %mul3A_101 = arith.constant 8 : i32
      %mul3A_102 = arith.muli %mul3A_101, %while3A_99 : i32
      %add3A_103 = arith.constant 0 : i32
      %add3A_104 = arith.addi %add3A_103, %mul3A_102 : i32
      %mul3A_105 = arith.constant 8 : i32
      %mul3A_106 = arith.muli %while3A_99, %mul3A_105 : i32
      %dma_start3A = arith.constant 0 : i32
      %dma_start3A_107 = tpu.memref_slice %arg11[%mul3A_106, %dma_start3A] : memref<200x128xf32, #tpu.memory_space<vmem>> -> memref<8x128xf32, #tpu.memory_space<vmem>>
      %dma_start3A_108 = tpu.memref_slice %arg9[%add3A_104] : memref<25600xi32, #tpu.memory_space<vmem>> -> memref<8xi32, #tpu.memory_space<vmem>>
      %dma_start3A_109 = arith.constant 0 : i32
      %dma_start3A_110 = arith.constant 0 : i32
      %dma_start3A_111 = tpu.memref_slice %arg6[%dma_start3A_109, %dma_start3A_110] : memref<100000x128xf32, #tpu.memory_space<hbm>> -> memref<100000x128xf32, #tpu.memory_space<hbm>>
      tpu.enqueue_indirect_dma source(%dma_start3A_111 : memref<100000x128xf32, #tpu.memory_space<hbm>>) target(%dma_start3A_107 : memref<8x128xf32, #tpu.memory_space<vmem>>) offsets(%dma_start3A_108 : memref<8xi32, #tpu.memory_space<vmem>>) semaphore(%arg14 : memref<!tpu.dma_semaphore, #tpu.memory_space<semaphore_mem>>)
      %while3A_112 = arith.constant 0 : i32
      scf.yield %while3A_112 : i32
    }
    %while3A_19 = arith.constant 1 : i32
    %while3A_20 = scf.for %while3A_99 = %while3A_16 to %while3A_12 step %while3A_19 iter_args(%while3A_100 = %while3A_18) -> (i32)  : i32 {
      %mul3A_101 = arith.constant 8 : i32
      %mul3A_102 = arith.muli %mul3A_101, %while3A_99 : i32
      %add3A_103 = arith.constant 0 : i32
      %add3A_104 = arith.addi %add3A_103, %mul3A_102 : i32
      %mul3A_105 = arith.constant 8 : i32
      %mul3A_106 = arith.muli %while3A_99, %mul3A_105 : i32
      %dma_start3A = arith.constant 0 : i32
      %dma_start3A_107 = tpu.memref_slice %arg11[%mul3A_106, %dma_start3A] : memref<200x128xf32, #tpu.memory_space<vmem>> -> memref<8x128xf32, #tpu.memory_space<vmem>>
      %dma_start3A_108 = tpu.memref_slice %arg9[%add3A_104] : memref<25600xi32, #tpu.memory_space<vmem>> -> memref<8xi32, #tpu.memory_space<vmem>>
      %dma_start3A_109 = arith.constant 0 : i32
      %dma_start3A_110 = arith.constant 0 : i32
      %dma_start3A_111 = tpu.memref_slice %arg6[%dma_start3A_109, %dma_start3A_110] : memref<100000x128xf32, #tpu.memory_space<hbm>> -> memref<100000x128xf32, #tpu.memory_space<hbm>>
      tpu.enqueue_indirect_dma source(%dma_start3A_111 : memref<100000x128xf32, #tpu.memory_space<hbm>>) target(%dma_start3A_107 : memref<8x128xf32, #tpu.memory_space<vmem>>) offsets(%dma_start3A_108 : memref<8xi32, #tpu.memory_space<vmem>>) semaphore(%arg14 : memref<!tpu.dma_semaphore, #tpu.memory_space<semaphore_mem>>)
      %while3A_112 = arith.constant 0 : i32
      scf.yield %while3A_112 : i32
    }
    %get3A_21 = arith.constant 1 : index
    %get3A_22 = tpu.vector_load %arg10[%get3A_21] {strides = array<i32>} : memref<144xi32, #tpu.memory_space<vmem>>, vector<16xi32>,
    %get3A_23 = vector.shape_cast %get3A_22 : vector<16xi32> to vector<16xi32>
    %slice3A_24 = vector.extract_strided_slice %get3A_23 {offsets = [0], sizes = [1], strides = [1]} : vector<16xi32> to vector<1xi32>
    %squeeze3A_25 = vector.extract %slice3A_24[0] : i32 from vector<1xi32>
    %add3A_26 = arith.constant 7 : i32
    %add3A_27 = arith.addi %squeeze3A_25, %add3A_26 : i32
    %shift_right_logical3A_28 = arith.constant 3 : i32
    %shift_right_logical3A_29 = arith.shrui %add3A_27, %shift_right_logical3A_28 : i32
    %while3A_30 = arith.constant 0 : i32
    %while3A_31 = arith.constant 0 : i32
    %while3A_32 = arith.subi %shift_right_logical3A_29, %while3A_30 : i32
    %while3A_33 = arith.addi %while3A_30, %while3A_32 : i32
    %while3A_34 = arith.constant 1 : i32
    %while3A_35 = arith.divsi %while3A_32, %while3A_34 : i32
    %while3A_36 = arith.muli %while3A_35, %while3A_34 : i32
    %while3A_37 = arith.addi %while3A_30, %while3A_36 : i32
    %while3A_38 = arith.constant 1 : i32
    %while3A_39 = scf.for %while3A_99 = %while3A_30 to %while3A_37 step %while3A_38 iter_args(%while3A_100 = %while3A_31) -> (i32)  : i32 {
      %mul3A_101 = arith.constant 8 : i32
      %mul3A_102 = arith.muli %mul3A_101, %while3A_99 : i32
      %add3A_103 = arith.constant 200 : i32
      %add3A_104 = arith.addi %add3A_103, %mul3A_102 : i32
      %mul3A_105 = arith.constant 8 : i32
      %mul3A_106 = arith.muli %while3A_99, %mul3A_105 : i32
      %dma_start3A = arith.constant 0 : i32
      %dma_start3A_107 = tpu.memref_slice %arg12[%mul3A_106, %dma_start3A] : memref<200x128xf32, #tpu.memory_space<vmem>> -> memref<8x128xf32, #tpu.memory_space<vmem>>
      %dma_start3A_108 = tpu.memref_slice %arg9[%add3A_104] : memref<25600xi32, #tpu.memory_space<vmem>> -> memref<8xi32, #tpu.memory_space<vmem>>
      %dma_start3A_109 = arith.constant 0 : i32
      %dma_start3A_110 = arith.constant 0 : i32
      %dma_start3A_111 = tpu.memref_slice %arg6[%dma_start3A_109, %dma_start3A_110] : memref<100000x128xf32, #tpu.memory_space<hbm>> -> memref<100000x128xf32, #tpu.memory_space<hbm>>
      tpu.enqueue_indirect_dma source(%dma_start3A_111 : memref<100000x128xf32, #tpu.memory_space<hbm>>) target(%dma_start3A_107 : memref<8x128xf32, #tpu.memory_space<vmem>>) offsets(%dma_start3A_108 : memref<8xi32, #tpu.memory_space<vmem>>) semaphore(%arg15 : memref<!tpu.dma_semaphore, #tpu.memory_space<semaphore_mem>>)
      %while3A_112 = arith.constant 0 : i32
      scf.yield %while3A_112 : i32
    }
    %while3A_40 = arith.constant 1 : i32
    %while3A_41 = scf.for %while3A_99 = %while3A_37 to %while3A_33 step %while3A_40 iter_args(%while3A_100 = %while3A_39) -> (i32)  : i32 {
      %mul3A_101 = arith.constant 8 : i32
      %mul3A_102 = arith.muli %mul3A_101, %while3A_99 : i32
      %add3A_103 = arith.constant 200 : i32
      %add3A_104 = arith.addi %add3A_103, %mul3A_102 : i32
      %mul3A_105 = arith.constant 8 : i32
      %mul3A_106 = arith.muli %while3A_99, %mul3A_105 : i32
      %dma_start3A = arith.constant 0 : i32
      %dma_start3A_107 = tpu.memref_slice %arg12[%mul3A_106, %dma_start3A] : memref<200x128xf32, #tpu.memory_space<vmem>> -> memref<8x128xf32, #tpu.memory_space<vmem>>
      %dma_start3A_108 = tpu.memref_slice %arg9[%add3A_104] : memref<25600xi32, #tpu.memory_space<vmem>> -> memref<8xi32, #tpu.memory_space<vmem>>
      %dma_start3A_109 = arith.constant 0 : i32
      %dma_start3A_110 = arith.constant 0 : i32
      %dma_start3A_111 = tpu.memref_slice %arg6[%dma_start3A_109, %dma_start3A_110] : memref<100000x128xf32, #tpu.memory_space<hbm>> -> memref<100000x128xf32, #tpu.memory_space<hbm>>
      tpu.enqueue_indirect_dma source(%dma_start3A_111 : memref<100000x128xf32, #tpu.memory_space<hbm>>) target(%dma_start3A_107 : memref<8x128xf32, #tpu.memory_space<vmem>>) offsets(%dma_start3A_108 : memref<8xi32, #tpu.memory_space<vmem>>) semaphore(%arg15 : memref<!tpu.dma_semaphore, #tpu.memory_space<semaphore_mem>>)
      %while3A_112 = arith.constant 0 : i32
      scf.yield %while3A_112 : i32
    }
    %scan3A = arith.constant 0 : i32
    %scan3A_42 = arith.constant 0 : i32
    %scan3A_43 = arith.constant 64 : i32
    %scan3A_44 = arith.addi %scan3A_42, %scan3A_43 : i32
    %scan3A_45 = arith.constant 1 : i32
    %scan3A_46 = scf.for %scan3A_99 = %scan3A_42 to %scan3A_44 step %scan3A_45 iter_args(%scan3A_100 = %scan3A) -> (i32)  : i32 {
      %mul3A_101 = arith.constant 2 : i32
      %mul3A_102 = arith.muli %mul3A_101, %scan3A_99 : i32
      %get3A_103 = arith.index_cast %mul3A_102 : i32 to index
      %get3A_104 = tpu.vector_load %arg10[%get3A_103] {strides = array<i32>} : memref<144xi32, #tpu.memory_space<vmem>>, vector<16xi32>,
      %get3A_105 = vector.shape_cast %get3A_104 : vector<16xi32> to vector<16xi32>
      %slice3A_106 = vector.extract_strided_slice %get3A_105 {offsets = [0], sizes = [1], strides = [1]} : vector<16xi32> to vector<1xi32>
      %squeeze3A_107 = vector.extract %slice3A_106[0] : i32 from vector<1xi32>
      %add3A_108 = arith.constant 7 : i32
      %add3A_109 = arith.addi %squeeze3A_107, %add3A_108 : i32
      %shift_right_logical3A_110 = arith.constant 3 : i32
      %shift_right_logical3A_111 = arith.shrui %add3A_109, %shift_right_logical3A_110 : i32
      %while3A_112 = arith.constant 0 : i32
      %while3A_113 = arith.constant 0 : i32
      %while3A_114 = arith.subi %shift_right_logical3A_111, %while3A_112 : i32
      %while3A_115 = arith.addi %while3A_112, %while3A_114 : i32
      %while3A_116 = arith.constant 1 : i32
      %while3A_117 = arith.divsi %while3A_114, %while3A_116 : i32
      %while3A_118 = arith.muli %while3A_117, %while3A_116 : i32
      %while3A_119 = arith.addi %while3A_112, %while3A_118 : i32
      %while3A_120 = arith.constant 1 : i32
      %while3A_121 = scf.for %while3A_441 = %while3A_112 to %while3A_119 step %while3A_120 iter_args(%while3A_442 = %while3A_113) -> (i32)  : i32 {
        %dma_wait3A = arith.constant 0 : i32
        %dma_wait3A_443 = arith.constant 0 : i32
        %dma_wait3A_444 = tpu.memref_slice %arg11[%dma_wait3A, %dma_wait3A_443] : memref<200x128xf32, #tpu.memory_space<vmem>> -> memref<8x128xf32, #tpu.memory_space<vmem>>
        %dma_wait3A_445 = arith.constant 0 : i32
        %dma_wait3A_446 = tpu.memref_slice %arg9[%dma_wait3A_445] : memref<25600xi32, #tpu.memory_space<vmem>> -> memref<8xi32, #tpu.memory_space<vmem>>
        %dma_wait3A_447 = arith.constant 0 : i32
        %dma_wait3A_448 = arith.constant 0 : i32
        %dma_wait3A_449 = tpu.memref_slice %arg6[%dma_wait3A_447, %dma_wait3A_448] : memref<100000x128xf32, #tpu.memory_space<hbm>> -> memref<100000x128xf32, #tpu.memory_space<hbm>>
        tpu.wait_indirect_dma semaphore(%arg14 : memref<!tpu.dma_semaphore, #tpu.memory_space<semaphore_mem>>) src(%dma_wait3A_449 : memref<100000x128xf32, #tpu.memory_space<hbm>>) dst(%dma_wait3A_444 : memref<8x128xf32, #tpu.memory_space<vmem>>)
        %while3A_450 = arith.constant 0 : i32
        scf.yield %while3A_450 : i32
      }
      %while3A_122 = arith.constant 1 : i32
      %while3A_123 = scf.for %while3A_441 = %while3A_119 to %while3A_115 step %while3A_122 iter_args(%while3A_442 = %while3A_121) -> (i32)  : i32 {
        %dma_wait3A = arith.constant 0 : i32
        %dma_wait3A_443 = arith.constant 0 : i32
        %dma_wait3A_444 = tpu.memref_slice %arg11[%dma_wait3A, %dma_wait3A_443] : memref<200x128xf32, #tpu.memory_space<vmem>> -> memref<8x128xf32, #tpu.memory_space<vmem>>
        %dma_wait3A_445 = arith.constant 0 : i32
        %dma_wait3A_446 = tpu.memref_slice %arg9[%dma_wait3A_445] : memref<25600xi32, #tpu.memory_space<vmem>> -> memref<8xi32, #tpu.memory_space<vmem>>
        %dma_wait3A_447 = arith.constant 0 : i32
        %dma_wait3A_448 = arith.constant 0 : i32
        %dma_wait3A_449 = tpu.memref_slice %arg6[%dma_wait3A_447, %dma_wait3A_448] : memref<100000x128xf32, #tpu.memory_space<hbm>> -> memref<100000x128xf32, #tpu.memory_space<hbm>>
        tpu.wait_indirect_dma semaphore(%arg14 : memref<!tpu.dma_semaphore, #tpu.memory_space<semaphore_mem>>) src(%dma_wait3A_449 : memref<100000x128xf32, #tpu.memory_space<hbm>>) dst(%dma_wait3A_444 : memref<8x128xf32, #tpu.memory_space<vmem>>)
        %while3A_450 = arith.constant 0 : i32
        scf.yield %while3A_450 : i32
      }
      %get3A_124 = arith.index_cast %mul3A_102 : i32 to index
      %get3A_125 = tpu.vector_load %arg10[%get3A_124] {strides = array<i32>} : memref<144xi32, #tpu.memory_space<vmem>>, vector<16xi32>,
      %get3A_126 = vector.shape_cast %get3A_125 : vector<16xi32> to vector<16xi32>
      %slice3A_127 = vector.extract_strided_slice %get3A_126 {offsets = [0], sizes = [1], strides = [1]} : vector<16xi32> to vector<1xi32>
      %squeeze3A_128 = vector.extract %slice3A_127[0] : i32 from vector<1xi32>
      %shift_right_arithmetic3A = arith.constant 1 : i32
      %shift_right_arithmetic3A_129 = arith.shrsi %squeeze3A_128, %shift_right_arithmetic3A : i32
      %broadcast_in_dim3A = arith.constant 0.000000e+00 : f32
      %broadcast_in_dim3A_130 = vector.broadcast %broadcast_in_dim3A : f32 to vector<16xf32>
      %broadcast_in_dim3A_131 = arith.constant 0.000000e+00 : f32
      %broadcast_in_dim3A_132 = vector.broadcast %broadcast_in_dim3A_131 : f32 to vector<16xf32>
      %broadcast_in_dim3A_133 = arith.constant 0.000000e+00 : f32
      %broadcast_in_dim3A_134 = vector.broadcast %broadcast_in_dim3A_133 : f32 to vector<16xf32>
      %broadcast_in_dim3A_135 = arith.constant 0.000000e+00 : f32
      %broadcast_in_dim3A_136 = vector.broadcast %broadcast_in_dim3A_135 : f32 to vector<16xf32>
      %broadcast_in_dim3A_137 = arith.constant 0.000000e+00 : f32
      %broadcast_in_dim3A_138 = vector.broadcast %broadcast_in_dim3A_137 : f32 to vector<16xf32>
      %broadcast_in_dim3A_139 = arith.constant 0.000000e+00 : f32
      %broadcast_in_dim3A_140 = vector.broadcast %broadcast_in_dim3A_139 : f32 to vector<16xf32>
      %broadcast_in_dim3A_141 = arith.constant 0.000000e+00 : f32
      %broadcast_in_dim3A_142 = vector.broadcast %broadcast_in_dim3A_141 : f32 to vector<16xf32>
      %broadcast_in_dim3A_143 = arith.constant 0.000000e+00 : f32
      %broadcast_in_dim3A_144 = vector.broadcast %broadcast_in_dim3A_143 : f32 to vector<16xf32>
      %while3A_145 = arith.constant 0 : i32
      %while3A_146 = arith.subi %shift_right_arithmetic3A_129, %while3A_145 : i32
      %while3A_147 = arith.addi %while3A_145, %while3A_146 : i32
      %while3A_148 = arith.constant 1 : i32
      %while3A_149 = arith.divsi %while3A_146, %while3A_148 : i32
      %while3A_150 = arith.muli %while3A_149, %while3A_148 : i32
      %while3A_151 = arith.addi %while3A_145, %while3A_150 : i32
      %while3A_152 = arith.constant 1 : i32
      %while3A_153:8 = scf.for %while3A_441 = %while3A_145 to %while3A_151 step %while3A_152 iter_args(%while3A_442 = %broadcast_in_dim3A_130, %while3A_443 = %broadcast_in_dim3A_132, %while3A_444 = %broadcast_in_dim3A_134, %while3A_445 = %broadcast_in_dim3A_136, %while3A_446 = %broadcast_in_dim3A_138, %while3A_447 = %broadcast_in_dim3A_140, %while3A_448 = %broadcast_in_dim3A_142, %while3A_449 = %broadcast_in_dim3A_144) -> (vector<16xf32>, vector<16xf32>, vector<16xf32>, vector<16xf32>, vector<16xf32>, vector<16xf32>, vector<16xf32>, vector<16xf32>)  : i32 {
        %mul3A_450 = arith.constant 2 : i32
        %mul3A_451 = arith.muli %mul3A_450, %while3A_441 : i32
        %add3A_452 = arith.constant 1 : i32
        %add3A_453 = arith.addi %mul3A_451, %add3A_452 : i32
        %mul3A_454 = arith.constant 2 : i32
        %mul3A_455 = arith.muli %mul3A_454, %while3A_441 : i32
        %get3A_456 = arith.index_cast %mul3A_455 : i32 to index
        %get3A_457 = arith.constant 0 : index
        %get3A_458 = tpu.vector_load %arg11[%get3A_456, %get3A_457] {strides = array<i32>} : memref<200x128xf32, #tpu.memory_space<vmem>>, vector<1x16xf32>,
        %get3A_459 = vector.shape_cast %get3A_458 : vector<1x16xf32> to vector<16xf32>
        %add3A_460 = arith.addf %while3A_442, %get3A_459 : vector<16xf32>
        %get3A_461 = arith.index_cast %mul3A_455 : i32 to index
        %get3A_462 = arith.constant 16 : index
        %get3A_463 = tpu.vector_load %arg11[%get3A_461, %get3A_462] {strides = array<i32>} : memref<200x128xf32, #tpu.memory_space<vmem>>, vector<1x16xf32>,
        %get3A_464 = vector.shape_cast %get3A_463 : vector<1x16xf32> to vector<16xf32>
        %add3A_465 = arith.addf %while3A_443, %get3A_464 : vector<16xf32>
        %get3A_466 = arith.index_cast %mul3A_455 : i32 to index
        %get3A_467 = arith.constant 32 : index
        %get3A_468 = tpu.vector_load %arg11[%get3A_466, %get3A_467] {strides = array<i32>} : memref<200x128xf32, #tpu.memory_space<vmem>>, vector<1x16xf32>,
        %get3A_469 = vector.shape_cast %get3A_468 : vector<1x16xf32> to vector<16xf32>
        %add3A_470 = arith.addf %while3A_444, %get3A_469 : vector<16xf32>
        %get3A_471 = arith.index_cast %mul3A_455 : i32 to index
        %get3A_472 = arith.constant 48 : index
        %get3A_473 = tpu.vector_load %arg11[%get3A_471, %get3A_472] {strides = array<i32>} : memref<200x128xf32, #tpu.memory_space<vmem>>, vector<1x16xf32>,
        %get3A_474 = vector.shape_cast %get3A_473 : vector<1x16xf32> to vector<16xf32>
        %add3A_475 = arith.addf %while3A_445, %get3A_474 : vector<16xf32>
        %get3A_476 = arith.index_cast %mul3A_455 : i32 to index
        %get3A_477 = arith.constant 64 : index
        %get3A_478 = tpu.vector_load %arg11[%get3A_476, %get3A_477] {strides = array<i32>} : memref<200x128xf32, #tpu.memory_space<vmem>>, vector<1x16xf32>,
        %get3A_479 = vector.shape_cast %get3A_478 : vector<1x16xf32> to vector<16xf32>
        %add3A_480 = arith.addf %while3A_446, %get3A_479 : vector<16xf32>
        %get3A_481 = arith.index_cast %mul3A_455 : i32 to index
        %get3A_482 = arith.constant 80 : index
        %get3A_483 = tpu.vector_load %arg11[%get3A_481, %get3A_482] {strides = array<i32>} : memref<200x128xf32, #tpu.memory_space<vmem>>, vector<1x16xf32>,
        %get3A_484 = vector.shape_cast %get3A_483 : vector<1x16xf32> to vector<16xf32>
        %add3A_485 = arith.addf %while3A_447, %get3A_484 : vector<16xf32>
        %get3A_486 = arith.index_cast %mul3A_455 : i32 to index
        %get3A_487 = arith.constant 96 : index
        %get3A_488 = tpu.vector_load %arg11[%get3A_486, %get3A_487] {strides = array<i32>} : memref<200x128xf32, #tpu.memory_space<vmem>>, vector<1x16xf32>,
        %get3A_489 = vector.shape_cast %get3A_488 : vector<1x16xf32> to vector<16xf32>
        %add3A_490 = arith.addf %while3A_448, %get3A_489 : vector<16xf32>
        %get3A_491 = arith.index_cast %mul3A_455 : i32 to index
        %get3A_492 = arith.constant 112 : index
        %get3A_493 = tpu.vector_load %arg11[%get3A_491, %get3A_492] {strides = array<i32>} : memref<200x128xf32, #tpu.memory_space<vmem>>, vector<1x16xf32>,
        %get3A_494 = vector.shape_cast %get3A_493 : vector<1x16xf32> to vector<16xf32>
        %add3A_495 = arith.addf %while3A_449, %get3A_494 : vector<16xf32>
        %get3A_496 = arith.index_cast %add3A_453 : i32 to index
        %get3A_497 = arith.constant 0 : index
        %get3A_498 = tpu.vector_load %arg11[%get3A_496, %get3A_497] {strides = array<i32>} : memref<200x128xf32, #tpu.memory_space<vmem>>, vector<1x16xf32>,
        %get3A_499 = vector.shape_cast %get3A_498 : vector<1x16xf32> to vector<16xf32>
        %add3A_500 = arith.addf %add3A_460, %get3A_499 : vector<16xf32>
        %get3A_501 = arith.index_cast %add3A_453 : i32 to index
        %get3A_502 = arith.constant 16 : index
        %get3A_503 = tpu.vector_load %arg11[%get3A_501, %get3A_502] {strides = array<i32>} : memref<200x128xf32, #tpu.memory_space<vmem>>, vector<1x16xf32>,
        %get3A_504 = vector.shape_cast %get3A_503 : vector<1x16xf32> to vector<16xf32>
        %add3A_505 = arith.addf %add3A_465, %get3A_504 : vector<16xf32>
        %get3A_506 = arith.index_cast %add3A_453 : i32 to index
        %get3A_507 = arith.constant 32 : index
        %get3A_508 = tpu.vector_load %arg11[%get3A_506, %get3A_507] {strides = array<i32>} : memref<200x128xf32, #tpu.memory_space<vmem>>, vector<1x16xf32>,
        %get3A_509 = vector.shape_cast %get3A_508 : vector<1x16xf32> to vector<16xf32>
        %add3A_510 = arith.addf %add3A_470, %get3A_509 : vector<16xf32>
        %get3A_511 = arith.index_cast %add3A_453 : i32 to index
        %get3A_512 = arith.constant 48 : index
        %get3A_513 = tpu.vector_load %arg11[%get3A_511, %get3A_512] {strides = array<i32>} : memref<200x128xf32, #tpu.memory_space<vmem>>, vector<1x16xf32>,
        %get3A_514 = vector.shape_cast %get3A_513 : vector<1x16xf32> to vector<16xf32>
        %add3A_515 = arith.addf %add3A_475, %get3A_514 : vector<16xf32>
        %get3A_516 = arith.index_cast %add3A_453 : i32 to index
        %get3A_517 = arith.constant 64 : index
        %get3A_518 = tpu.vector_load %arg11[%get3A_516, %get3A_517] {strides = array<i32>} : memref<200x128xf32, #tpu.memory_space<vmem>>, vector<1x16xf32>,
        %get3A_519 = vector.shape_cast %get3A_518 : vector<1x16xf32> to vector<16xf32>
        %add3A_520 = arith.addf %add3A_480, %get3A_519 : vector<16xf32>
        %get3A_521 = arith.index_cast %add3A_453 : i32 to index
        %get3A_522 = arith.constant 80 : index
        %get3A_523 = tpu.vector_load %arg11[%get3A_521, %get3A_522] {strides = array<i32>} : memref<200x128xf32, #tpu.memory_space<vmem>>, vector<1x16xf32>,
        %get3A_524 = vector.shape_cast %get3A_523 : vector<1x16xf32> to vector<16xf32>
        %add3A_525 = arith.addf %add3A_485, %get3A_524 : vector<16xf32>
        %get3A_526 = arith.index_cast %add3A_453 : i32 to index
        %get3A_527 = arith.constant 96 : index
        %get3A_528 = tpu.vector_load %arg11[%get3A_526, %get3A_527] {strides = array<i32>} : memref<200x128xf32, #tpu.memory_space<vmem>>, vector<1x16xf32>,
        %get3A_529 = vector.shape_cast %get3A_528 : vector<1x16xf32> to vector<16xf32>
        %add3A_530 = arith.addf %add3A_490, %get3A_529 : vector<16xf32>
        %get3A_531 = arith.index_cast %add3A_453 : i32 to index
        %get3A_532 = arith.constant 112 : index
        %get3A_533 = tpu.vector_load %arg11[%get3A_531, %get3A_532] {strides = array<i32>} : memref<200x128xf32, #tpu.memory_space<vmem>>, vector<1x16xf32>,
        %get3A_534 = vector.shape_cast %get3A_533 : vector<1x16xf32> to vector<16xf32>
        %add3A_535 = arith.addf %add3A_495, %get3A_534 : vector<16xf32>
        scf.yield %add3A_500, %add3A_505, %add3A_510, %add3A_515, %add3A_520, %add3A_525, %add3A_530, %add3A_535 : vector<16xf32>, vector<16xf32>, vector<16xf32>, vector<16xf32>, vector<16xf32>, vector<16xf32>, vector<16xf32>, vector<16xf32>
      }
      %while3A_154 = arith.constant 1 : i32
      %while3A_155:8 = scf.for %while3A_441 = %while3A_151 to %while3A_147 step %while3A_154 iter_args(%while3A_442 = %while3A_153#0, %while3A_443 = %while3A_153#1, %while3A_444 = %while3A_153#2, %while3A_445 = %while3A_153#3, %while3A_446 = %while3A_153#4, %while3A_447 = %while3A_153#5, %while3A_448 = %while3A_153#6, %while3A_449 = %while3A_153#7) -> (vector<16xf32>, vector<16xf32>, vector<16xf32>, vector<16xf32>, vector<16xf32>, vector<16xf32>, vector<16xf32>, vector<16xf32>)  : i32 {
        %mul3A_450 = arith.constant 2 : i32
        %mul3A_451 = arith.muli %mul3A_450, %while3A_441 : i32
        %add3A_452 = arith.constant 1 : i32
        %add3A_453 = arith.addi %mul3A_451, %add3A_452 : i32
        %mul3A_454 = arith.constant 2 : i32
        %mul3A_455 = arith.muli %mul3A_454, %while3A_441 : i32
        %get3A_456 = arith.index_cast %mul3A_455 : i32 to index
        %get3A_457 = arith.constant 0 : index
        %get3A_458 = tpu.vector_load %arg11[%get3A_456, %get3A_457] {strides = array<i32>} : memref<200x128xf32, #tpu.memory_space<vmem>>, vector<1x16xf32>,
        %get3A_459 = vector.shape_cast %get3A_458 : vector<1x16xf32> to vector<16xf32>
        %add3A_460 = arith.addf %while3A_442, %get3A_459 : vector<16xf32>
        %get3A_461 = arith.index_cast %mul3A_455 : i32 to index
        %get3A_462 = arith.constant 16 : index
        %get3A_463 = tpu.vector_load %arg11[%get3A_461, %get3A_462] {strides = array<i32>} : memref<200x128xf32, #tpu.memory_space<vmem>>, vector<1x16xf32>,
        %get3A_464 = vector.shape_cast %get3A_463 : vector<1x16xf32> to vector<16xf32>
        %add3A_465 = arith.addf %while3A_443, %get3A_464 : vector<16xf32>
        %get3A_466 = arith.index_cast %mul3A_455 : i32 to index
        %get3A_467 = arith.constant 32 : index
        %get3A_468 = tpu.vector_load %arg11[%get3A_466, %get3A_467] {strides = array<i32>} : memref<200x128xf32, #tpu.memory_space<vmem>>, vector<1x16xf32>,
        %get3A_469 = vector.shape_cast %get3A_468 : vector<1x16xf32> to vector<16xf32>
        %add3A_470 = arith.addf %while3A_444, %get3A_469 : vector<16xf32>
        %get3A_471 = arith.index_cast %mul3A_455 : i32 to index
        %get3A_472 = arith.constant 48 : index
        %get3A_473 = tpu.vector_load %arg11[%get3A_471, %get3A_472] {strides = array<i32>} : memref<200x128xf32, #tpu.memory_space<vmem>>, vector<1x16xf32>,
        %get3A_474 = vector.shape_cast %get3A_473 : vector<1x16xf32> to vector<16xf32>
        %add3A_475 = arith.addf %while3A_445, %get3A_474 : vector<16xf32>
        %get3A_476 = arith.index_cast %mul3A_455 : i32 to index
        %get3A_477 = arith.constant 64 : index
        %get3A_478 = tpu.vector_load %arg11[%get3A_476, %get3A_477] {strides = array<i32>} : memref<200x128xf32, #tpu.memory_space<vmem>>, vector<1x16xf32>,
        %get3A_479 = vector.shape_cast %get3A_478 : vector<1x16xf32> to vector<16xf32>
        %add3A_480 = arith.addf %while3A_446, %get3A_479 : vector<16xf32>
        %get3A_481 = arith.index_cast %mul3A_455 : i32 to index
        %get3A_482 = arith.constant 80 : index
        %get3A_483 = tpu.vector_load %arg11[%get3A_481, %get3A_482] {strides = array<i32>} : memref<200x128xf32, #tpu.memory_space<vmem>>, vector<1x16xf32>,
        %get3A_484 = vector.shape_cast %get3A_483 : vector<1x16xf32> to vector<16xf32>
        %add3A_485 = arith.addf %while3A_447, %get3A_484 : vector<16xf32>
        %get3A_486 = arith.index_cast %mul3A_455 : i32 to index
        %get3A_487 = arith.constant 96 : index
        %get3A_488 = tpu.vector_load %arg11[%get3A_486, %get3A_487] {strides = array<i32>} : memref<200x128xf32, #tpu.memory_space<vmem>>, vector<1x16xf32>,
        %get3A_489 = vector.shape_cast %get3A_488 : vector<1x16xf32> to vector<16xf32>
        %add3A_490 = arith.addf %while3A_448, %get3A_489 : vector<16xf32>
        %get3A_491 = arith.index_cast %mul3A_455 : i32 to index
        %get3A_492 = arith.constant 112 : index
        %get3A_493 = tpu.vector_load %arg11[%get3A_491, %get3A_492] {strides = array<i32>} : memref<200x128xf32, #tpu.memory_space<vmem>>, vector<1x16xf32>,
        %get3A_494 = vector.shape_cast %get3A_493 : vector<1x16xf32> to vector<16xf32>
        %add3A_495 = arith.addf %while3A_449, %get3A_494 : vector<16xf32>
        %get3A_496 = arith.index_cast %add3A_453 : i32 to index
        %get3A_497 = arith.constant 0 : index
        %get3A_498 = tpu.vector_load %arg11[%get3A_496, %get3A_497] {strides = array<i32>} : memref<200x128xf32, #tpu.memory_space<vmem>>, vector<1x16xf32>,
        %get3A_499 = vector.shape_cast %get3A_498 : vector<1x16xf32> to vector<16xf32>
        %add3A_500 = arith.addf %add3A_460, %get3A_499 : vector<16xf32>
        %get3A_501 = arith.index_cast %add3A_453 : i32 to index
        %get3A_502 = arith.constant 16 : index
        %get3A_503 = tpu.vector_load %arg11[%get3A_501, %get3A_502] {strides = array<i32>} : memref<200x128xf32, #tpu.memory_space<vmem>>, vector<1x16xf32>,
        %get3A_504 = vector.shape_cast %get3A_503 : vector<1x16xf32> to vector<16xf32>
        %add3A_505 = arith.addf %add3A_465, %get3A_504 : vector<16xf32>
        %get3A_506 = arith.index_cast %add3A_453 : i32 to index
        %get3A_507 = arith.constant 32 : index
        %get3A_508 = tpu.vector_load %arg11[%get3A_506, %get3A_507] {strides = array<i32>} : memref<200x128xf32, #tpu.memory_space<vmem>>, vector<1x16xf32>,
        %get3A_509 = vector.shape_cast %get3A_508 : vector<1x16xf32> to vector<16xf32>
        %add3A_510 = arith.addf %add3A_470, %get3A_509 : vector<16xf32>
        %get3A_511 = arith.index_cast %add3A_453 : i32 to index
        %get3A_512 = arith.constant 48 : index
        %get3A_513 = tpu.vector_load %arg11[%get3A_511, %get3A_512] {strides = array<i32>} : memref<200x128xf32, #tpu.memory_space<vmem>>, vector<1x16xf32>,
        %get3A_514 = vector.shape_cast %get3A_513 : vector<1x16xf32> to vector<16xf32>
        %add3A_515 = arith.addf %add3A_475, %get3A_514 : vector<16xf32>
        %get3A_516 = arith.index_cast %add3A_453 : i32 to index
        %get3A_517 = arith.constant 64 : index
        %get3A_518 = tpu.vector_load %arg11[%get3A_516, %get3A_517] {strides = array<i32>} : memref<200x128xf32, #tpu.memory_space<vmem>>, vector<1x16xf32>,
        %get3A_519 = vector.shape_cast %get3A_518 : vector<1x16xf32> to vector<16xf32>
        %add3A_520 = arith.addf %add3A_480, %get3A_519 : vector<16xf32>
        %get3A_521 = arith.index_cast %add3A_453 : i32 to index
        %get3A_522 = arith.constant 80 : index
        %get3A_523 = tpu.vector_load %arg11[%get3A_521, %get3A_522] {strides = array<i32>} : memref<200x128xf32, #tpu.memory_space<vmem>>, vector<1x16xf32>,
        %get3A_524 = vector.shape_cast %get3A_523 : vector<1x16xf32> to vector<16xf32>
        %add3A_525 = arith.addf %add3A_485, %get3A_524 : vector<16xf32>
        %get3A_526 = arith.index_cast %add3A_453 : i32 to index
        %get3A_527 = arith.constant 96 : index
        %get3A_528 = tpu.vector_load %arg11[%get3A_526, %get3A_527] {strides = array<i32>} : memref<200x128xf32, #tpu.memory_space<vmem>>, vector<1x16xf32>,
        %get3A_529 = vector.shape_cast %get3A_528 : vector<1x16xf32> to vector<16xf32>
        %add3A_530 = arith.addf %add3A_490, %get3A_529 : vector<16xf32>
        %get3A_531 = arith.index_cast %add3A_453 : i32 to index
        %get3A_532 = arith.constant 112 : index
        %get3A_533 = tpu.vector_load %arg11[%get3A_531, %get3A_532] {strides = array<i32>} : memref<200x128xf32, #tpu.memory_space<vmem>>, vector<1x16xf32>,
        %get3A_534 = vector.shape_cast %get3A_533 : vector<1x16xf32> to vector<16xf32>
        %add3A_535 = arith.addf %add3A_495, %get3A_534 : vector<16xf32>
        scf.yield %add3A_500, %add3A_505, %add3A_510, %add3A_515, %add3A_520, %add3A_525, %add3A_530, %add3A_535 : vector<16xf32>, vector<16xf32>, vector<16xf32>, vector<16xf32>, vector<16xf32>, vector<16xf32>, vector<16xf32>, vector<16xf32>
      }
      %and3A = arith.constant 1 : i32
      %and3A_156 = arith.andi %squeeze3A_128, %and3A : i32
      %convert_element_type3A = arith.sitofp %and3A_156 : i32 to f32
      %broadcast_in_dim3A_157 = vector.broadcast %convert_element_type3A : f32 to vector<16xf32>
      %sub3A = arith.constant 1 : i32
      %sub3A_158 = arith.subi %squeeze3A_128, %sub3A : i32
      %and3A_159 = arith.constant -2 : i32
      %and3A_160 = arith.andi %sub3A_158, %and3A_159 : i32
      %get3A_161 = arith.index_cast %and3A_160 : i32 to index
      %get3A_162 = arith.constant 0 : index
      %get3A_163 = tpu.vector_load %arg11[%get3A_161, %get3A_162] {strides = array<i32>} : memref<200x128xf32, #tpu.memory_space<vmem>>, vector<1x16xf32>,
      %get3A_164 = vector.shape_cast %get3A_163 : vector<1x16xf32> to vector<16xf32>
      %mul3A_165 = arith.mulf %get3A_164, %broadcast_in_dim3A_157 : vector<16xf32>
      %add3A_166 = arith.addf %while3A_155#0, %mul3A_165 : vector<16xf32>
      %get3A_167 = arith.index_cast %and3A_160 : i32 to index
      %get3A_168 = arith.constant 16 : index
      %get3A_169 = tpu.vector_load %arg11[%get3A_167, %get3A_168] {strides = array<i32>} : memref<200x128xf32, #tpu.memory_space<vmem>>, vector<1x16xf32>,
      %get3A_170 = vector.shape_cast %get3A_169 : vector<1x16xf32> to vector<16xf32>
      %mul3A_171 = arith.mulf %get3A_170, %broadcast_in_dim3A_157 : vector<16xf32>
      %add3A_172 = arith.addf %while3A_155#1, %mul3A_171 : vector<16xf32>
      %get3A_173 = arith.index_cast %and3A_160 : i32 to index
      %get3A_174 = arith.constant 32 : index
      %get3A_175 = tpu.vector_load %arg11[%get3A_173, %get3A_174] {strides = array<i32>} : memref<200x128xf32, #tpu.memory_space<vmem>>, vector<1x16xf32>,
      %get3A_176 = vector.shape_cast %get3A_175 : vector<1x16xf32> to vector<16xf32>
      %mul3A_177 = arith.mulf %get3A_176, %broadcast_in_dim3A_157 : vector<16xf32>
      %add3A_178 = arith.addf %while3A_155#2, %mul3A_177 : vector<16xf32>
      %get3A_179 = arith.index_cast %and3A_160 : i32 to index
      %get3A_180 = arith.constant 48 : index
      %get3A_181 = tpu.vector_load %arg11[%get3A_179, %get3A_180] {strides = array<i32>} : memref<200x128xf32, #tpu.memory_space<vmem>>, vector<1x16xf32>,
      %get3A_182 = vector.shape_cast %get3A_181 : vector<1x16xf32> to vector<16xf32>
      %mul3A_183 = arith.mulf %get3A_182, %broadcast_in_dim3A_157 : vector<16xf32>
      %add3A_184 = arith.addf %while3A_155#3, %mul3A_183 : vector<16xf32>
      %get3A_185 = arith.index_cast %and3A_160 : i32 to index
      %get3A_186 = arith.constant 64 : index
      %get3A_187 = tpu.vector_load %arg11[%get3A_185, %get3A_186] {strides = array<i32>} : memref<200x128xf32, #tpu.memory_space<vmem>>, vector<1x16xf32>,
      %get3A_188 = vector.shape_cast %get3A_187 : vector<1x16xf32> to vector<16xf32>
      %mul3A_189 = arith.mulf %get3A_188, %broadcast_in_dim3A_157 : vector<16xf32>
      %add3A_190 = arith.addf %while3A_155#4, %mul3A_189 : vector<16xf32>
      %get3A_191 = arith.index_cast %and3A_160 : i32 to index
      %get3A_192 = arith.constant 80 : index
      %get3A_193 = tpu.vector_load %arg11[%get3A_191, %get3A_192] {strides = array<i32>} : memref<200x128xf32, #tpu.memory_space<vmem>>, vector<1x16xf32>,
      %get3A_194 = vector.shape_cast %get3A_193 : vector<1x16xf32> to vector<16xf32>
      %mul3A_195 = arith.mulf %get3A_194, %broadcast_in_dim3A_157 : vector<16xf32>
      %add3A_196 = arith.addf %while3A_155#5, %mul3A_195 : vector<16xf32>
      %get3A_197 = arith.index_cast %and3A_160 : i32 to index
      %get3A_198 = arith.constant 96 : index
      %get3A_199 = tpu.vector_load %arg11[%get3A_197, %get3A_198] {strides = array<i32>} : memref<200x128xf32, #tpu.memory_space<vmem>>, vector<1x16xf32>,
      %get3A_200 = vector.shape_cast %get3A_199 : vector<1x16xf32> to vector<16xf32>
      %mul3A_201 = arith.mulf %get3A_200, %broadcast_in_dim3A_157 : vector<16xf32>
      %add3A_202 = arith.addf %while3A_155#6, %mul3A_201 : vector<16xf32>
      %get3A_203 = arith.index_cast %and3A_160 : i32 to index
      %get3A_204 = arith.constant 112 : index
      %get3A_205 = tpu.vector_load %arg11[%get3A_203, %get3A_204] {strides = array<i32>} : memref<200x128xf32, #tpu.memory_space<vmem>>, vector<1x16xf32>,
      %get3A_206 = vector.shape_cast %get3A_205 : vector<1x16xf32> to vector<16xf32>
      %mul3A_207 = arith.mulf %get3A_206, %broadcast_in_dim3A_157 : vector<16xf32>
      %add3A_208 = arith.addf %while3A_155#7, %mul3A_207 : vector<16xf32>
      %convert_element_type3A_209 = arith.sitofp %squeeze3A_128 : i32 to f32
      %broadcast_in_dim3A_210 = vector.broadcast %convert_element_type3A_209 : f32 to vector<16xf32>
      %div3A = arith.constant 1.000000e+00 : f32
      %div3A_211 = vector.broadcast %div3A : f32 to vector<16xf32>
      %div3A_212 = arith.divf %div3A_211, %broadcast_in_dim3A_210 : vector<16xf32>
      %mul3A_213 = arith.mulf %add3A_166, %div3A_212 : vector<16xf32>
      %swap3A = arith.index_cast %mul3A_102 : i32 to index
      %swap3A_214 = arith.constant 0 : index
      %swap3A_215 = tpu.vector_load %arg13[%swap3A, %swap3A_214] {strides = array<i32>} : memref<128x128xf32, #tpu.memory_space<vmem>>, vector<1x16xf32>,
      %swap3A_216 = vector.shape_cast %swap3A_215 : vector<1x16xf32> to vector<16xf32>
      %swap3A_217 = vector.shape_cast %mul3A_213 : vector<16xf32> to vector<1x16xf32>
      tpu.vector_store %arg13[%swap3A, %swap3A_214], %swap3A_217 {strides = array<i32>} : memref<128x128xf32, #tpu.memory_space<vmem>>, vector<1x16xf32>,
      %mul3A_218 = arith.mulf %add3A_172, %div3A_212 : vector<16xf32>
      %swap3A_219 = arith.index_cast %mul3A_102 : i32 to index
      %swap3A_220 = arith.constant 16 : index
      %swap3A_221 = tpu.vector_load %arg13[%swap3A_219, %swap3A_220] {strides = array<i32>} : memref<128x128xf32, #tpu.memory_space<vmem>>, vector<1x16xf32>,
      %swap3A_222 = vector.shape_cast %swap3A_221 : vector<1x16xf32> to vector<16xf32>
      %swap3A_223 = vector.shape_cast %mul3A_218 : vector<16xf32> to vector<1x16xf32>
      tpu.vector_store %arg13[%swap3A_219, %swap3A_220], %swap3A_223 {strides = array<i32>} : memref<128x128xf32, #tpu.memory_space<vmem>>, vector<1x16xf32>,
      %mul3A_224 = arith.mulf %add3A_178, %div3A_212 : vector<16xf32>
      %swap3A_225 = arith.index_cast %mul3A_102 : i32 to index
      %swap3A_226 = arith.constant 32 : index
      %swap3A_227 = tpu.vector_load %arg13[%swap3A_225, %swap3A_226] {strides = array<i32>} : memref<128x128xf32, #tpu.memory_space<vmem>>, vector<1x16xf32>,
      %swap3A_228 = vector.shape_cast %swap3A_227 : vector<1x16xf32> to vector<16xf32>
      %swap3A_229 = vector.shape_cast %mul3A_224 : vector<16xf32> to vector<1x16xf32>
      tpu.vector_store %arg13[%swap3A_225, %swap3A_226], %swap3A_229 {strides = array<i32>} : memref<128x128xf32, #tpu.memory_space<vmem>>, vector<1x16xf32>,
      %mul3A_230 = arith.mulf %add3A_184, %div3A_212 : vector<16xf32>
      %swap3A_231 = arith.index_cast %mul3A_102 : i32 to index
      %swap3A_232 = arith.constant 48 : index
      %swap3A_233 = tpu.vector_load %arg13[%swap3A_231, %swap3A_232] {strides = array<i32>} : memref<128x128xf32, #tpu.memory_space<vmem>>, vector<1x16xf32>,
      %swap3A_234 = vector.shape_cast %swap3A_233 : vector<1x16xf32> to vector<16xf32>
      %swap3A_235 = vector.shape_cast %mul3A_230 : vector<16xf32> to vector<1x16xf32>
      tpu.vector_store %arg13[%swap3A_231, %swap3A_232], %swap3A_235 {strides = array<i32>} : memref<128x128xf32, #tpu.memory_space<vmem>>, vector<1x16xf32>,
      %mul3A_236 = arith.mulf %add3A_190, %div3A_212 : vector<16xf32>
      %swap3A_237 = arith.index_cast %mul3A_102 : i32 to index
      %swap3A_238 = arith.constant 64 : index
      %swap3A_239 = tpu.vector_load %arg13[%swap3A_237, %swap3A_238] {strides = array<i32>} : memref<128x128xf32, #tpu.memory_space<vmem>>, vector<1x16xf32>,
      %swap3A_240 = vector.shape_cast %swap3A_239 : vector<1x16xf32> to vector<16xf32>
      %swap3A_241 = vector.shape_cast %mul3A_236 : vector<16xf32> to vector<1x16xf32>
      tpu.vector_store %arg13[%swap3A_237, %swap3A_238], %swap3A_241 {strides = array<i32>} : memref<128x128xf32, #tpu.memory_space<vmem>>, vector<1x16xf32>,
      %mul3A_242 = arith.mulf %add3A_196, %div3A_212 : vector<16xf32>
      %swap3A_243 = arith.index_cast %mul3A_102 : i32 to index
      %swap3A_244 = arith.constant 80 : index
      %swap3A_245 = tpu.vector_load %arg13[%swap3A_243, %swap3A_244] {strides = array<i32>} : memref<128x128xf32, #tpu.memory_space<vmem>>, vector<1x16xf32>,
      %swap3A_246 = vector.shape_cast %swap3A_245 : vector<1x16xf32> to vector<16xf32>
      %swap3A_247 = vector.shape_cast %mul3A_242 : vector<16xf32> to vector<1x16xf32>
      tpu.vector_store %arg13[%swap3A_243, %swap3A_244], %swap3A_247 {strides = array<i32>} : memref<128x128xf32, #tpu.memory_space<vmem>>, vector<1x16xf32>,
      %mul3A_248 = arith.mulf %add3A_202, %div3A_212 : vector<16xf32>
      %swap3A_249 = arith.index_cast %mul3A_102 : i32 to index
      %swap3A_250 = arith.constant 96 : index
      %swap3A_251 = tpu.vector_load %arg13[%swap3A_249, %swap3A_250] {strides = array<i32>} : memref<128x128xf32, #tpu.memory_space<vmem>>, vector<1x16xf32>,
      %swap3A_252 = vector.shape_cast %swap3A_251 : vector<1x16xf32> to vector<16xf32>
      %swap3A_253 = vector.shape_cast %mul3A_248 : vector<16xf32> to vector<1x16xf32>
      tpu.vector_store %arg13[%swap3A_249, %swap3A_250], %swap3A_253 {strides = array<i32>} : memref<128x128xf32, #tpu.memory_space<vmem>>, vector<1x16xf32>,
      %mul3A_254 = arith.mulf %add3A_208, %div3A_212 : vector<16xf32>
      %swap3A_255 = arith.index_cast %mul3A_102 : i32 to index
      %swap3A_256 = arith.constant 112 : index
      %swap3A_257 = tpu.vector_load %arg13[%swap3A_255, %swap3A_256] {strides = array<i32>} : memref<128x128xf32, #tpu.memory_space<vmem>>, vector<1x16xf32>,
      %swap3A_258 = vector.shape_cast %swap3A_257 : vector<1x16xf32> to vector<16xf32>
      %swap3A_259 = vector.shape_cast %mul3A_254 : vector<16xf32> to vector<1x16xf32>
      tpu.vector_store %arg13[%swap3A_255, %swap3A_256], %swap3A_259 {strides = array<i32>} : memref<128x128xf32, #tpu.memory_space<vmem>>, vector<1x16xf32>,
      %add3A_260 = arith.constant 2 : i32
      %add3A_261 = arith.addi %mul3A_102, %add3A_260 : i32
      %lt3A = arith.constant 128 : i32
      %lt3A_262 = arith.cmpi slt, %add3A_261, %lt3A : i32
      %convert_element_type3A_263 = arith.extui %lt3A_262 : i1 to i32
      %cond3A = arith.constant 0 : i32
      %cond3A_264 = arith.cmpi ne, %convert_element_type3A_263, %cond3A : i32
      scf.if %cond3A_264 {
        %add3A_441 = arith.constant 2 : i32
        %add3A_442 = arith.addi %mul3A_102, %add3A_441 : i32
        %add3A_443 = arith.constant 2 : i32
        %add3A_444 = arith.addi %mul3A_102, %add3A_443 : i32
        %get3A_445 = arith.index_cast %add3A_444 : i32 to index
        %get3A_446 = tpu.vector_load %arg10[%get3A_445] {strides = array<i32>} : memref<144xi32, #tpu.memory_space<vmem>>, vector<16xi32>,
        %get3A_447 = vector.shape_cast %get3A_446 : vector<16xi32> to vector<16xi32>
        %slice3A_448 = vector.extract_strided_slice %get3A_447 {offsets = [0], sizes = [1], strides = [1]} : vector<16xi32> to vector<1xi32>
        %squeeze3A_449 = vector.extract %slice3A_448[0] : i32 from vector<1xi32>
        %add3A_450 = arith.constant 7 : i32
        %add3A_451 = arith.addi %squeeze3A_449, %add3A_450 : i32
        %shift_right_logical3A_452 = arith.constant 3 : i32
        %shift_right_logical3A_453 = arith.shrui %add3A_451, %shift_right_logical3A_452 : i32
        %while3A_454 = arith.constant 0 : i32
        %while3A_455 = arith.constant 0 : i32
        %while3A_456 = arith.subi %shift_right_logical3A_453, %while3A_454 : i32
        %while3A_457 = arith.addi %while3A_454, %while3A_456 : i32
        %while3A_458 = arith.constant 1 : i32
        %while3A_459 = arith.divsi %while3A_456, %while3A_458 : i32
        %while3A_460 = arith.muli %while3A_459, %while3A_458 : i32
        %while3A_461 = arith.addi %while3A_454, %while3A_460 : i32
        %while3A_462 = arith.constant 1 : i32
        %while3A_463 = scf.for %while3A_466 = %while3A_454 to %while3A_461 step %while3A_462 iter_args(%while3A_467 = %while3A_455) -> (i32)  : i32 {
          %mul3A_468 = arith.constant 200 : i32
          %mul3A_469 = arith.muli %mul3A_468, %add3A_442 : i32
          %mul3A_470 = arith.constant 8 : i32
          %mul3A_471 = arith.muli %mul3A_470, %while3A_466 : i32
          %add3A_472 = arith.addi %mul3A_469, %mul3A_471 : i32
          %mul3A_473 = arith.constant 8 : i32
          %mul3A_474 = arith.muli %while3A_466, %mul3A_473 : i32
          %dma_start3A = arith.constant 0 : i32
          %dma_start3A_475 = tpu.memref_slice %arg11[%mul3A_474, %dma_start3A] : memref<200x128xf32, #tpu.memory_space<vmem>> -> memref<8x128xf32, #tpu.memory_space<vmem>>
          %dma_start3A_476 = tpu.memref_slice %arg9[%add3A_472] : memref<25600xi32, #tpu.memory_space<vmem>> -> memref<8xi32, #tpu.memory_space<vmem>>
          %dma_start3A_477 = arith.constant 0 : i32
          %dma_start3A_478 = arith.constant 0 : i32
          %dma_start3A_479 = tpu.memref_slice %arg6[%dma_start3A_477, %dma_start3A_478] : memref<100000x128xf32, #tpu.memory_space<hbm>> -> memref<100000x128xf32, #tpu.memory_space<hbm>>
          tpu.enqueue_indirect_dma source(%dma_start3A_479 : memref<100000x128xf32, #tpu.memory_space<hbm>>) target(%dma_start3A_475 : memref<8x128xf32, #tpu.memory_space<vmem>>) offsets(%dma_start3A_476 : memref<8xi32, #tpu.memory_space<vmem>>) semaphore(%arg14 : memref<!tpu.dma_semaphore, #tpu.memory_space<semaphore_mem>>)
          %while3A_480 = arith.constant 0 : i32
          scf.yield %while3A_480 : i32
        }
        %while3A_464 = arith.constant 1 : i32
        %while3A_465 = scf.for %while3A_466 = %while3A_461 to %while3A_457 step %while3A_464 iter_args(%while3A_467 = %while3A_463) -> (i32)  : i32 {
          %mul3A_468 = arith.constant 200 : i32
          %mul3A_469 = arith.muli %mul3A_468, %add3A_442 : i32
          %mul3A_470 = arith.constant 8 : i32
          %mul3A_471 = arith.muli %mul3A_470, %while3A_466 : i32
          %add3A_472 = arith.addi %mul3A_469, %mul3A_471 : i32
          %mul3A_473 = arith.constant 8 : i32
          %mul3A_474 = arith.muli %while3A_466, %mul3A_473 : i32
          %dma_start3A = arith.constant 0 : i32
          %dma_start3A_475 = tpu.memref_slice %arg11[%mul3A_474, %dma_start3A] : memref<200x128xf32, #tpu.memory_space<vmem>> -> memref<8x128xf32, #tpu.memory_space<vmem>>
          %dma_start3A_476 = tpu.memref_slice %arg9[%add3A_472] : memref<25600xi32, #tpu.memory_space<vmem>> -> memref<8xi32, #tpu.memory_space<vmem>>
          %dma_start3A_477 = arith.constant 0 : i32
          %dma_start3A_478 = arith.constant 0 : i32
          %dma_start3A_479 = tpu.memref_slice %arg6[%dma_start3A_477, %dma_start3A_478] : memref<100000x128xf32, #tpu.memory_space<hbm>> -> memref<100000x128xf32, #tpu.memory_space<hbm>>
          tpu.enqueue_indirect_dma source(%dma_start3A_479 : memref<100000x128xf32, #tpu.memory_space<hbm>>) target(%dma_start3A_475 : memref<8x128xf32, #tpu.memory_space<vmem>>) offsets(%dma_start3A_476 : memref<8xi32, #tpu.memory_space<vmem>>) semaphore(%arg14 : memref<!tpu.dma_semaphore, #tpu.memory_space<semaphore_mem>>)
          %while3A_480 = arith.constant 0 : i32
          scf.yield %while3A_480 : i32
        }
      } else {
      }
      %add3A_265 = arith.constant 1 : i32
      %add3A_266 = arith.addi %mul3A_102, %add3A_265 : i32
      %get3A_267 = arith.index_cast %add3A_266 : i32 to index
      %get3A_268 = tpu.vector_load %arg10[%get3A_267] {strides = array<i32>} : memref<144xi32, #tpu.memory_space<vmem>>, vector<16xi32>,
      %get3A_269 = vector.shape_cast %get3A_268 : vector<16xi32> to vector<16xi32>
      %slice3A_270 = vector.extract_strided_slice %get3A_269 {offsets = [0], sizes = [1], strides = [1]} : vector<16xi32> to vector<1xi32>
      %squeeze3A_271 = vector.extract %slice3A_270[0] : i32 from vector<1xi32>
      %add3A_272 = arith.constant 7 : i32
      %add3A_273 = arith.addi %squeeze3A_271, %add3A_272 : i32
      %shift_right_logical3A_274 = arith.constant 3 : i32
      %shift_right_logical3A_275 = arith.shrui %add3A_273, %shift_right_logical3A_274 : i32
      %while3A_276 = arith.constant 0 : i32
      %while3A_277 = arith.constant 0 : i32
      %while3A_278 = arith.subi %shift_right_logical3A_275, %while3A_276 : i32
      %while3A_279 = arith.addi %while3A_276, %while3A_278 : i32
      %while3A_280 = arith.constant 1 : i32
      %while3A_281 = arith.divsi %while3A_278, %while3A_280 : i32
      %while3A_282 = arith.muli %while3A_281, %while3A_280 : i32
      %while3A_283 = arith.addi %while3A_276, %while3A_282 : i32
      %while3A_284 = arith.constant 1 : i32
      %while3A_285 = scf.for %while3A_441 = %while3A_276 to %while3A_283 step %while3A_284 iter_args(%while3A_442 = %while3A_277) -> (i32)  : i32 {
        %dma_wait3A = arith.constant 0 : i32
        %dma_wait3A_443 = arith.constant 0 : i32
        %dma_wait3A_444 = tpu.memref_slice %arg12[%dma_wait3A, %dma_wait3A_443] : memref<200x128xf32, #tpu.memory_space<vmem>> -> memref<8x128xf32, #tpu.memory_space<vmem>>
        %dma_wait3A_445 = arith.constant 0 : i32
        %dma_wait3A_446 = tpu.memref_slice %arg9[%dma_wait3A_445] : memref<25600xi32, #tpu.memory_space<vmem>> -> memref<8xi32, #tpu.memory_space<vmem>>
        %dma_wait3A_447 = arith.constant 0 : i32
        %dma_wait3A_448 = arith.constant 0 : i32
        %dma_wait3A_449 = tpu.memref_slice %arg6[%dma_wait3A_447, %dma_wait3A_448] : memref<100000x128xf32, #tpu.memory_space<hbm>> -> memref<100000x128xf32, #tpu.memory_space<hbm>>
        tpu.wait_indirect_dma semaphore(%arg15 : memref<!tpu.dma_semaphore, #tpu.memory_space<semaphore_mem>>) src(%dma_wait3A_449 : memref<100000x128xf32, #tpu.memory_space<hbm>>) dst(%dma_wait3A_444 : memref<8x128xf32, #tpu.memory_space<vmem>>)
        %while3A_450 = arith.constant 0 : i32
        scf.yield %while3A_450 : i32
      }
      %while3A_286 = arith.constant 1 : i32
      %while3A_287 = scf.for %while3A_441 = %while3A_283 to %while3A_279 step %while3A_286 iter_args(%while3A_442 = %while3A_285) -> (i32)  : i32 {
        %dma_wait3A = arith.constant 0 : i32
        %dma_wait3A_443 = arith.constant 0 : i32
        %dma_wait3A_444 = tpu.memref_slice %arg12[%dma_wait3A, %dma_wait3A_443] : memref<200x128xf32, #tpu.memory_space<vmem>> -> memref<8x128xf32, #tpu.memory_space<vmem>>
        %dma_wait3A_445 = arith.constant 0 : i32
        %dma_wait3A_446 = tpu.memref_slice %arg9[%dma_wait3A_445] : memref<25600xi32, #tpu.memory_space<vmem>> -> memref<8xi32, #tpu.memory_space<vmem>>
        %dma_wait3A_447 = arith.constant 0 : i32
        %dma_wait3A_448 = arith.constant 0 : i32
        %dma_wait3A_449 = tpu.memref_slice %arg6[%dma_wait3A_447, %dma_wait3A_448] : memref<100000x128xf32, #tpu.memory_space<hbm>> -> memref<100000x128xf32, #tpu.memory_space<hbm>>
        tpu.wait_indirect_dma semaphore(%arg15 : memref<!tpu.dma_semaphore, #tpu.memory_space<semaphore_mem>>) src(%dma_wait3A_449 : memref<100000x128xf32, #tpu.memory_space<hbm>>) dst(%dma_wait3A_444 : memref<8x128xf32, #tpu.memory_space<vmem>>)
        %while3A_450 = arith.constant 0 : i32
        scf.yield %while3A_450 : i32
      }
      %add3A_288 = arith.constant 1 : i32
      %add3A_289 = arith.addi %mul3A_102, %add3A_288 : i32
      %get3A_290 = arith.index_cast %add3A_289 : i32 to index
      %get3A_291 = tpu.vector_load %arg10[%get3A_290] {strides = array<i32>} : memref<144xi32, #tpu.memory_space<vmem>>, vector<16xi32>,
      %get3A_292 = vector.shape_cast %get3A_291 : vector<16xi32> to vector<16xi32>
      %slice3A_293 = vector.extract_strided_slice %get3A_292 {offsets = [0], sizes = [1], strides = [1]} : vector<16xi32> to vector<1xi32>
      %squeeze3A_294 = vector.extract %slice3A_293[0] : i32 from vector<1xi32>
      %shift_right_arithmetic3A_295 = arith.constant 1 : i32
      %shift_right_arithmetic3A_296 = arith.shrsi %squeeze3A_294, %shift_right_arithmetic3A_295 : i32
      %broadcast_in_dim3A_297 = arith.constant 0.000000e+00 : f32
      %broadcast_in_dim3A_298 = vector.broadcast %broadcast_in_dim3A_297 : f32 to vector<16xf32>
      %broadcast_in_dim3A_299 = arith.constant 0.000000e+00 : f32
      %broadcast_in_dim3A_300 = vector.broadcast %broadcast_in_dim3A_299 : f32 to vector<16xf32>
      %broadcast_in_dim3A_301 = arith.constant 0.000000e+00 : f32
      %broadcast_in_dim3A_302 = vector.broadcast %broadcast_in_dim3A_301 : f32 to vector<16xf32>
      %broadcast_in_dim3A_303 = arith.constant 0.000000e+00 : f32
      %broadcast_in_dim3A_304 = vector.broadcast %broadcast_in_dim3A_303 : f32 to vector<16xf32>
      %broadcast_in_dim3A_305 = arith.constant 0.000000e+00 : f32
      %broadcast_in_dim3A_306 = vector.broadcast %broadcast_in_dim3A_305 : f32 to vector<16xf32>
      %broadcast_in_dim3A_307 = arith.constant 0.000000e+00 : f32
      %broadcast_in_dim3A_308 = vector.broadcast %broadcast_in_dim3A_307 : f32 to vector<16xf32>
      %broadcast_in_dim3A_309 = arith.constant 0.000000e+00 : f32
      %broadcast_in_dim3A_310 = vector.broadcast %broadcast_in_dim3A_309 : f32 to vector<16xf32>
      %broadcast_in_dim3A_311 = arith.constant 0.000000e+00 : f32
      %broadcast_in_dim3A_312 = vector.broadcast %broadcast_in_dim3A_311 : f32 to vector<16xf32>
      %while3A_313 = arith.constant 0 : i32
      %while3A_314 = arith.subi %shift_right_arithmetic3A_296, %while3A_313 : i32
      %while3A_315 = arith.addi %while3A_313, %while3A_314 : i32
      %while3A_316 = arith.constant 1 : i32
      %while3A_317 = arith.divsi %while3A_314, %while3A_316 : i32
      %while3A_318 = arith.muli %while3A_317, %while3A_316 : i32
      %while3A_319 = arith.addi %while3A_313, %while3A_318 : i32
      %while3A_320 = arith.constant 1 : i32
      %while3A_321:8 = scf.for %while3A_441 = %while3A_313 to %while3A_319 step %while3A_320 iter_args(%while3A_442 = %broadcast_in_dim3A_298, %while3A_443 = %broadcast_in_dim3A_300, %while3A_444 = %broadcast_in_dim3A_302, %while3A_445 = %broadcast_in_dim3A_304, %while3A_446 = %broadcast_in_dim3A_306, %while3A_447 = %broadcast_in_dim3A_308, %while3A_448 = %broadcast_in_dim3A_310, %while3A_449 = %broadcast_in_dim3A_312) -> (vector<16xf32>, vector<16xf32>, vector<16xf32>, vector<16xf32>, vector<16xf32>, vector<16xf32>, vector<16xf32>, vector<16xf32>)  : i32 {
        %mul3A_450 = arith.constant 2 : i32
        %mul3A_451 = arith.muli %mul3A_450, %while3A_441 : i32
        %add3A_452 = arith.constant 1 : i32
        %add3A_453 = arith.addi %mul3A_451, %add3A_452 : i32
        %mul3A_454 = arith.constant 2 : i32
        %mul3A_455 = arith.muli %mul3A_454, %while3A_441 : i32
        %get3A_456 = arith.index_cast %mul3A_455 : i32 to index
        %get3A_457 = arith.constant 0 : index
        %get3A_458 = tpu.vector_load %arg12[%get3A_456, %get3A_457] {strides = array<i32>} : memref<200x128xf32, #tpu.memory_space<vmem>>, vector<1x16xf32>,
        %get3A_459 = vector.shape_cast %get3A_458 : vector<1x16xf32> to vector<16xf32>
        %add3A_460 = arith.addf %while3A_442, %get3A_459 : vector<16xf32>
        %get3A_461 = arith.index_cast %mul3A_455 : i32 to index
        %get3A_462 = arith.constant 16 : index
        %get3A_463 = tpu.vector_load %arg12[%get3A_461, %get3A_462] {strides = array<i32>} : memref<200x128xf32, #tpu.memory_space<vmem>>, vector<1x16xf32>,
        %get3A_464 = vector.shape_cast %get3A_463 : vector<1x16xf32> to vector<16xf32>
        %add3A_465 = arith.addf %while3A_443, %get3A_464 : vector<16xf32>
        %get3A_466 = arith.index_cast %mul3A_455 : i32 to index
        %get3A_467 = arith.constant 32 : index
        %get3A_468 = tpu.vector_load %arg12[%get3A_466, %get3A_467] {strides = array<i32>} : memref<200x128xf32, #tpu.memory_space<vmem>>, vector<1x16xf32>,
        %get3A_469 = vector.shape_cast %get3A_468 : vector<1x16xf32> to vector<16xf32>
        %add3A_470 = arith.addf %while3A_444, %get3A_469 : vector<16xf32>
        %get3A_471 = arith.index_cast %mul3A_455 : i32 to index
        %get3A_472 = arith.constant 48 : index
        %get3A_473 = tpu.vector_load %arg12[%get3A_471, %get3A_472] {strides = array<i32>} : memref<200x128xf32, #tpu.memory_space<vmem>>, vector<1x16xf32>,
        %get3A_474 = vector.shape_cast %get3A_473 : vector<1x16xf32> to vector<16xf32>
        %add3A_475 = arith.addf %while3A_445, %get3A_474 : vector<16xf32>
        %get3A_476 = arith.index_cast %mul3A_455 : i32 to index
        %get3A_477 = arith.constant 64 : index
        %get3A_478 = tpu.vector_load %arg12[%get3A_476, %get3A_477] {strides = array<i32>} : memref<200x128xf32, #tpu.memory_space<vmem>>, vector<1x16xf32>,
        %get3A_479 = vector.shape_cast %get3A_478 : vector<1x16xf32> to vector<16xf32>
        %add3A_480 = arith.addf %while3A_446, %get3A_479 : vector<16xf32>
        %get3A_481 = arith.index_cast %mul3A_455 : i32 to index
        %get3A_482 = arith.constant 80 : index
        %get3A_483 = tpu.vector_load %arg12[%get3A_481, %get3A_482] {strides = array<i32>} : memref<200x128xf32, #tpu.memory_space<vmem>>, vector<1x16xf32>,
        %get3A_484 = vector.shape_cast %get3A_483 : vector<1x16xf32> to vector<16xf32>
        %add3A_485 = arith.addf %while3A_447, %get3A_484 : vector<16xf32>
        %get3A_486 = arith.index_cast %mul3A_455 : i32 to index
        %get3A_487 = arith.constant 96 : index
        %get3A_488 = tpu.vector_load %arg12[%get3A_486, %get3A_487] {strides = array<i32>} : memref<200x128xf32, #tpu.memory_space<vmem>>, vector<1x16xf32>,
        %get3A_489 = vector.shape_cast %get3A_488 : vector<1x16xf32> to vector<16xf32>
        %add3A_490 = arith.addf %while3A_448, %get3A_489 : vector<16xf32>
        %get3A_491 = arith.index_cast %mul3A_455 : i32 to index
        %get3A_492 = arith.constant 112 : index
        %get3A_493 = tpu.vector_load %arg12[%get3A_491, %get3A_492] {strides = array<i32>} : memref<200x128xf32, #tpu.memory_space<vmem>>, vector<1x16xf32>,
        %get3A_494 = vector.shape_cast %get3A_493 : vector<1x16xf32> to vector<16xf32>
        %add3A_495 = arith.addf %while3A_449, %get3A_494 : vector<16xf32>
        %get3A_496 = arith.index_cast %add3A_453 : i32 to index
        %get3A_497 = arith.constant 0 : index
        %get3A_498 = tpu.vector_load %arg12[%get3A_496, %get3A_497] {strides = array<i32>} : memref<200x128xf32, #tpu.memory_space<vmem>>, vector<1x16xf32>,
        %get3A_499 = vector.shape_cast %get3A_498 : vector<1x16xf32> to vector<16xf32>
        %add3A_500 = arith.addf %add3A_460, %get3A_499 : vector<16xf32>
        %get3A_501 = arith.index_cast %add3A_453 : i32 to index
        %get3A_502 = arith.constant 16 : index
        %get3A_503 = tpu.vector_load %arg12[%get3A_501, %get3A_502] {strides = array<i32>} : memref<200x128xf32, #tpu.memory_space<vmem>>, vector<1x16xf32>,
        %get3A_504 = vector.shape_cast %get3A_503 : vector<1x16xf32> to vector<16xf32>
        %add3A_505 = arith.addf %add3A_465, %get3A_504 : vector<16xf32>
        %get3A_506 = arith.index_cast %add3A_453 : i32 to index
        %get3A_507 = arith.constant 32 : index
        %get3A_508 = tpu.vector_load %arg12[%get3A_506, %get3A_507] {strides = array<i32>} : memref<200x128xf32, #tpu.memory_space<vmem>>, vector<1x16xf32>,
        %get3A_509 = vector.shape_cast %get3A_508 : vector<1x16xf32> to vector<16xf32>
        %add3A_510 = arith.addf %add3A_470, %get3A_509 : vector<16xf32>
        %get3A_511 = arith.index_cast %add3A_453 : i32 to index
        %get3A_512 = arith.constant 48 : index
        %get3A_513 = tpu.vector_load %arg12[%get3A_511, %get3A_512] {strides = array<i32>} : memref<200x128xf32, #tpu.memory_space<vmem>>, vector<1x16xf32>,
        %get3A_514 = vector.shape_cast %get3A_513 : vector<1x16xf32> to vector<16xf32>
        %add3A_515 = arith.addf %add3A_475, %get3A_514 : vector<16xf32>
        %get3A_516 = arith.index_cast %add3A_453 : i32 to index
        %get3A_517 = arith.constant 64 : index
        %get3A_518 = tpu.vector_load %arg12[%get3A_516, %get3A_517] {strides = array<i32>} : memref<200x128xf32, #tpu.memory_space<vmem>>, vector<1x16xf32>,
        %get3A_519 = vector.shape_cast %get3A_518 : vector<1x16xf32> to vector<16xf32>
        %add3A_520 = arith.addf %add3A_480, %get3A_519 : vector<16xf32>
        %get3A_521 = arith.index_cast %add3A_453 : i32 to index
        %get3A_522 = arith.constant 80 : index
        %get3A_523 = tpu.vector_load %arg12[%get3A_521, %get3A_522] {strides = array<i32>} : memref<200x128xf32, #tpu.memory_space<vmem>>, vector<1x16xf32>,
        %get3A_524 = vector.shape_cast %get3A_523 : vector<1x16xf32> to vector<16xf32>
        %add3A_525 = arith.addf %add3A_485, %get3A_524 : vector<16xf32>
        %get3A_526 = arith.index_cast %add3A_453 : i32 to index
        %get3A_527 = arith.constant 96 : index
        %get3A_528 = tpu.vector_load %arg12[%get3A_526, %get3A_527] {strides = array<i32>} : memref<200x128xf32, #tpu.memory_space<vmem>>, vector<1x16xf32>,
        %get3A_529 = vector.shape_cast %get3A_528 : vector<1x16xf32> to vector<16xf32>
        %add3A_530 = arith.addf %add3A_490, %get3A_529 : vector<16xf32>
        %get3A_531 = arith.index_cast %add3A_453 : i32 to index
        %get3A_532 = arith.constant 112 : index
        %get3A_533 = tpu.vector_load %arg12[%get3A_531, %get3A_532] {strides = array<i32>} : memref<200x128xf32, #tpu.memory_space<vmem>>, vector<1x16xf32>,
        %get3A_534 = vector.shape_cast %get3A_533 : vector<1x16xf32> to vector<16xf32>
        %add3A_535 = arith.addf %add3A_495, %get3A_534 : vector<16xf32>
        scf.yield %add3A_500, %add3A_505, %add3A_510, %add3A_515, %add3A_520, %add3A_525, %add3A_530, %add3A_535 : vector<16xf32>, vector<16xf32>, vector<16xf32>, vector<16xf32>, vector<16xf32>, vector<16xf32>, vector<16xf32>, vector<16xf32>
      }
      %while3A_322 = arith.constant 1 : i32
      %while3A_323:8 = scf.for %while3A_441 = %while3A_319 to %while3A_315 step %while3A_322 iter_args(%while3A_442 = %while3A_321#0, %while3A_443 = %while3A_321#1, %while3A_444 = %while3A_321#2, %while3A_445 = %while3A_321#3, %while3A_446 = %while3A_321#4, %while3A_447 = %while3A_321#5, %while3A_448 = %while3A_321#6, %while3A_449 = %while3A_321#7) -> (vector<16xf32>, vector<16xf32>, vector<16xf32>, vector<16xf32>, vector<16xf32>, vector<16xf32>, vector<16xf32>, vector<16xf32>)  : i32 {
        %mul3A_450 = arith.constant 2 : i32
        %mul3A_451 = arith.muli %mul3A_450, %while3A_441 : i32
        %add3A_452 = arith.constant 1 : i32
        %add3A_453 = arith.addi %mul3A_451, %add3A_452 : i32
        %mul3A_454 = arith.constant 2 : i32
        %mul3A_455 = arith.muli %mul3A_454, %while3A_441 : i32
        %get3A_456 = arith.index_cast %mul3A_455 : i32 to index
        %get3A_457 = arith.constant 0 : index
        %get3A_458 = tpu.vector_load %arg12[%get3A_456, %get3A_457] {strides = array<i32>} : memref<200x128xf32, #tpu.memory_space<vmem>>, vector<1x16xf32>,
        %get3A_459 = vector.shape_cast %get3A_458 : vector<1x16xf32> to vector<16xf32>
        %add3A_460 = arith.addf %while3A_442, %get3A_459 : vector<16xf32>
        %get3A_461 = arith.index_cast %mul3A_455 : i32 to index
        %get3A_462 = arith.constant 16 : index
        %get3A_463 = tpu.vector_load %arg12[%get3A_461, %get3A_462] {strides = array<i32>} : memref<200x128xf32, #tpu.memory_space<vmem>>, vector<1x16xf32>,
        %get3A_464 = vector.shape_cast %get3A_463 : vector<1x16xf32> to vector<16xf32>
        %add3A_465 = arith.addf %while3A_443, %get3A_464 : vector<16xf32>
        %get3A_466 = arith.index_cast %mul3A_455 : i32 to index
        %get3A_467 = arith.constant 32 : index
        %get3A_468 = tpu.vector_load %arg12[%get3A_466, %get3A_467] {strides = array<i32>} : memref<200x128xf32, #tpu.memory_space<vmem>>, vector<1x16xf32>,
        %get3A_469 = vector.shape_cast %get3A_468 : vector<1x16xf32> to vector<16xf32>
        %add3A_470 = arith.addf %while3A_444, %get3A_469 : vector<16xf32>
        %get3A_471 = arith.index_cast %mul3A_455 : i32 to index
        %get3A_472 = arith.constant 48 : index
        %get3A_473 = tpu.vector_load %arg12[%get3A_471, %get3A_472] {strides = array<i32>} : memref<200x128xf32, #tpu.memory_space<vmem>>, vector<1x16xf32>,
        %get3A_474 = vector.shape_cast %get3A_473 : vector<1x16xf32> to vector<16xf32>
        %add3A_475 = arith.addf %while3A_445, %get3A_474 : vector<16xf32>
        %get3A_476 = arith.index_cast %mul3A_455 : i32 to index
        %get3A_477 = arith.constant 64 : index
        %get3A_478 = tpu.vector_load %arg12[%get3A_476, %get3A_477] {strides = array<i32>} : memref<200x128xf32, #tpu.memory_space<vmem>>, vector<1x16xf32>,
        %get3A_479 = vector.shape_cast %get3A_478 : vector<1x16xf32> to vector<16xf32>
        %add3A_480 = arith.addf %while3A_446, %get3A_479 : vector<16xf32>
        %get3A_481 = arith.index_cast %mul3A_455 : i32 to index
        %get3A_482 = arith.constant 80 : index
        %get3A_483 = tpu.vector_load %arg12[%get3A_481, %get3A_482] {strides = array<i32>} : memref<200x128xf32, #tpu.memory_space<vmem>>, vector<1x16xf32>,
        %get3A_484 = vector.shape_cast %get3A_483 : vector<1x16xf32> to vector<16xf32>
        %add3A_485 = arith.addf %while3A_447, %get3A_484 : vector<16xf32>
        %get3A_486 = arith.index_cast %mul3A_455 : i32 to index
        %get3A_487 = arith.constant 96 : index
        %get3A_488 = tpu.vector_load %arg12[%get3A_486, %get3A_487] {strides = array<i32>} : memref<200x128xf32, #tpu.memory_space<vmem>>, vector<1x16xf32>,
        %get3A_489 = vector.shape_cast %get3A_488 : vector<1x16xf32> to vector<16xf32>
        %add3A_490 = arith.addf %while3A_448, %get3A_489 : vector<16xf32>
        %get3A_491 = arith.index_cast %mul3A_455 : i32 to index
        %get3A_492 = arith.constant 112 : index
        %get3A_493 = tpu.vector_load %arg12[%get3A_491, %get3A_492] {strides = array<i32>} : memref<200x128xf32, #tpu.memory_space<vmem>>, vector<1x16xf32>,
        %get3A_494 = vector.shape_cast %get3A_493 : vector<1x16xf32> to vector<16xf32>
        %add3A_495 = arith.addf %while3A_449, %get3A_494 : vector<16xf32>
        %get3A_496 = arith.index_cast %add3A_453 : i32 to index
        %get3A_497 = arith.constant 0 : index
        %get3A_498 = tpu.vector_load %arg12[%get3A_496, %get3A_497] {strides = array<i32>} : memref<200x128xf32, #tpu.memory_space<vmem>>, vector<1x16xf32>,
        %get3A_499 = vector.shape_cast %get3A_498 : vector<1x16xf32> to vector<16xf32>
        %add3A_500 = arith.addf %add3A_460, %get3A_499 : vector<16xf32>
        %get3A_501 = arith.index_cast %add3A_453 : i32 to index
        %get3A_502 = arith.constant 16 : index
        %get3A_503 = tpu.vector_load %arg12[%get3A_501, %get3A_502] {strides = array<i32>} : memref<200x128xf32, #tpu.memory_space<vmem>>, vector<1x16xf32>,
        %get3A_504 = vector.shape_cast %get3A_503 : vector<1x16xf32> to vector<16xf32>
        %add3A_505 = arith.addf %add3A_465, %get3A_504 : vector<16xf32>
        %get3A_506 = arith.index_cast %add3A_453 : i32 to index
        %get3A_507 = arith.constant 32 : index
        %get3A_508 = tpu.vector_load %arg12[%get3A_506, %get3A_507] {strides = array<i32>} : memref<200x128xf32, #tpu.memory_space<vmem>>, vector<1x16xf32>,
        %get3A_509 = vector.shape_cast %get3A_508 : vector<1x16xf32> to vector<16xf32>
        %add3A_510 = arith.addf %add3A_470, %get3A_509 : vector<16xf32>
        %get3A_511 = arith.index_cast %add3A_453 : i32 to index
        %get3A_512 = arith.constant 48 : index
        %get3A_513 = tpu.vector_load %arg12[%get3A_511, %get3A_512] {strides = array<i32>} : memref<200x128xf32, #tpu.memory_space<vmem>>, vector<1x16xf32>,
        %get3A_514 = vector.shape_cast %get3A_513 : vector<1x16xf32> to vector<16xf32>
        %add3A_515 = arith.addf %add3A_475, %get3A_514 : vector<16xf32>
        %get3A_516 = arith.index_cast %add3A_453 : i32 to index
        %get3A_517 = arith.constant 64 : index
        %get3A_518 = tpu.vector_load %arg12[%get3A_516, %get3A_517] {strides = array<i32>} : memref<200x128xf32, #tpu.memory_space<vmem>>, vector<1x16xf32>,
        %get3A_519 = vector.shape_cast %get3A_518 : vector<1x16xf32> to vector<16xf32>
        %add3A_520 = arith.addf %add3A_480, %get3A_519 : vector<16xf32>
        %get3A_521 = arith.index_cast %add3A_453 : i32 to index
        %get3A_522 = arith.constant 80 : index
        %get3A_523 = tpu.vector_load %arg12[%get3A_521, %get3A_522] {strides = array<i32>} : memref<200x128xf32, #tpu.memory_space<vmem>>, vector<1x16xf32>,
        %get3A_524 = vector.shape_cast %get3A_523 : vector<1x16xf32> to vector<16xf32>
        %add3A_525 = arith.addf %add3A_485, %get3A_524 : vector<16xf32>
        %get3A_526 = arith.index_cast %add3A_453 : i32 to index
        %get3A_527 = arith.constant 96 : index
        %get3A_528 = tpu.vector_load %arg12[%get3A_526, %get3A_527] {strides = array<i32>} : memref<200x128xf32, #tpu.memory_space<vmem>>, vector<1x16xf32>,
        %get3A_529 = vector.shape_cast %get3A_528 : vector<1x16xf32> to vector<16xf32>
        %add3A_530 = arith.addf %add3A_490, %get3A_529 : vector<16xf32>
        %get3A_531 = arith.index_cast %add3A_453 : i32 to index
        %get3A_532 = arith.constant 112 : index
        %get3A_533 = tpu.vector_load %arg12[%get3A_531, %get3A_532] {strides = array<i32>} : memref<200x128xf32, #tpu.memory_space<vmem>>, vector<1x16xf32>,
        %get3A_534 = vector.shape_cast %get3A_533 : vector<1x16xf32> to vector<16xf32>
        %add3A_535 = arith.addf %add3A_495, %get3A_534 : vector<16xf32>
        scf.yield %add3A_500, %add3A_505, %add3A_510, %add3A_515, %add3A_520, %add3A_525, %add3A_530, %add3A_535 : vector<16xf32>, vector<16xf32>, vector<16xf32>, vector<16xf32>, vector<16xf32>, vector<16xf32>, vector<16xf32>, vector<16xf32>
      }
      %and3A_324 = arith.constant 1 : i32
      %and3A_325 = arith.andi %squeeze3A_294, %and3A_324 : i32
      %convert_element_type3A_326 = arith.sitofp %and3A_325 : i32 to f32
      %broadcast_in_dim3A_327 = vector.broadcast %convert_element_type3A_326 : f32 to vector<16xf32>
      %sub3A_328 = arith.constant 1 : i32
      %sub3A_329 = arith.subi %squeeze3A_294, %sub3A_328 : i32
      %and3A_330 = arith.constant -2 : i32
      %and3A_331 = arith.andi %sub3A_329, %and3A_330 : i32
      %get3A_332 = arith.index_cast %and3A_331 : i32 to index
      %get3A_333 = arith.constant 0 : index
      %get3A_334 = tpu.vector_load %arg12[%get3A_332, %get3A_333] {strides = array<i32>} : memref<200x128xf32, #tpu.memory_space<vmem>>, vector<1x16xf32>,
      %get3A_335 = vector.shape_cast %get3A_334 : vector<1x16xf32> to vector<16xf32>
      %mul3A_336 = arith.mulf %get3A_335, %broadcast_in_dim3A_327 : vector<16xf32>
      %add3A_337 = arith.addf %while3A_323#0, %mul3A_336 : vector<16xf32>
      %get3A_338 = arith.index_cast %and3A_331 : i32 to index
      %get3A_339 = arith.constant 16 : index
      %get3A_340 = tpu.vector_load %arg12[%get3A_338, %get3A_339] {strides = array<i32>} : memref<200x128xf32, #tpu.memory_space<vmem>>, vector<1x16xf32>,
      %get3A_341 = vector.shape_cast %get3A_340 : vector<1x16xf32> to vector<16xf32>
      %mul3A_342 = arith.mulf %get3A_341, %broadcast_in_dim3A_327 : vector<16xf32>
      %add3A_343 = arith.addf %while3A_323#1, %mul3A_342 : vector<16xf32>
      %get3A_344 = arith.index_cast %and3A_331 : i32 to index
      %get3A_345 = arith.constant 32 : index
      %get3A_346 = tpu.vector_load %arg12[%get3A_344, %get3A_345] {strides = array<i32>} : memref<200x128xf32, #tpu.memory_space<vmem>>, vector<1x16xf32>,
      %get3A_347 = vector.shape_cast %get3A_346 : vector<1x16xf32> to vector<16xf32>
      %mul3A_348 = arith.mulf %get3A_347, %broadcast_in_dim3A_327 : vector<16xf32>
      %add3A_349 = arith.addf %while3A_323#2, %mul3A_348 : vector<16xf32>
      %get3A_350 = arith.index_cast %and3A_331 : i32 to index
      %get3A_351 = arith.constant 48 : index
      %get3A_352 = tpu.vector_load %arg12[%get3A_350, %get3A_351] {strides = array<i32>} : memref<200x128xf32, #tpu.memory_space<vmem>>, vector<1x16xf32>,
      %get3A_353 = vector.shape_cast %get3A_352 : vector<1x16xf32> to vector<16xf32>
      %mul3A_354 = arith.mulf %get3A_353, %broadcast_in_dim3A_327 : vector<16xf32>
      %add3A_355 = arith.addf %while3A_323#3, %mul3A_354 : vector<16xf32>
      %get3A_356 = arith.index_cast %and3A_331 : i32 to index
      %get3A_357 = arith.constant 64 : index
      %get3A_358 = tpu.vector_load %arg12[%get3A_356, %get3A_357] {strides = array<i32>} : memref<200x128xf32, #tpu.memory_space<vmem>>, vector<1x16xf32>,
      %get3A_359 = vector.shape_cast %get3A_358 : vector<1x16xf32> to vector<16xf32>
      %mul3A_360 = arith.mulf %get3A_359, %broadcast_in_dim3A_327 : vector<16xf32>
      %add3A_361 = arith.addf %while3A_323#4, %mul3A_360 : vector<16xf32>
      %get3A_362 = arith.index_cast %and3A_331 : i32 to index
      %get3A_363 = arith.constant 80 : index
      %get3A_364 = tpu.vector_load %arg12[%get3A_362, %get3A_363] {strides = array<i32>} : memref<200x128xf32, #tpu.memory_space<vmem>>, vector<1x16xf32>,
      %get3A_365 = vector.shape_cast %get3A_364 : vector<1x16xf32> to vector<16xf32>
      %mul3A_366 = arith.mulf %get3A_365, %broadcast_in_dim3A_327 : vector<16xf32>
      %add3A_367 = arith.addf %while3A_323#5, %mul3A_366 : vector<16xf32>
      %get3A_368 = arith.index_cast %and3A_331 : i32 to index
      %get3A_369 = arith.constant 96 : index
      %get3A_370 = tpu.vector_load %arg12[%get3A_368, %get3A_369] {strides = array<i32>} : memref<200x128xf32, #tpu.memory_space<vmem>>, vector<1x16xf32>,
      %get3A_371 = vector.shape_cast %get3A_370 : vector<1x16xf32> to vector<16xf32>
      %mul3A_372 = arith.mulf %get3A_371, %broadcast_in_dim3A_327 : vector<16xf32>
      %add3A_373 = arith.addf %while3A_323#6, %mul3A_372 : vector<16xf32>
      %get3A_374 = arith.index_cast %and3A_331 : i32 to index
      %get3A_375 = arith.constant 112 : index
      %get3A_376 = tpu.vector_load %arg12[%get3A_374, %get3A_375] {strides = array<i32>} : memref<200x128xf32, #tpu.memory_space<vmem>>, vector<1x16xf32>,
      %get3A_377 = vector.shape_cast %get3A_376 : vector<1x16xf32> to vector<16xf32>
      %mul3A_378 = arith.mulf %get3A_377, %broadcast_in_dim3A_327 : vector<16xf32>
      %add3A_379 = arith.addf %while3A_323#7, %mul3A_378 : vector<16xf32>
      %convert_element_type3A_380 = arith.sitofp %squeeze3A_294 : i32 to f32
      %broadcast_in_dim3A_381 = vector.broadcast %convert_element_type3A_380 : f32 to vector<16xf32>
      %div3A_382 = arith.constant 1.000000e+00 : f32
      %div3A_383 = vector.broadcast %div3A_382 : f32 to vector<16xf32>
      %div3A_384 = arith.divf %div3A_383, %broadcast_in_dim3A_381 : vector<16xf32>
      %mul3A_385 = arith.mulf %add3A_337, %div3A_384 : vector<16xf32>
      %swap3A_386 = arith.index_cast %add3A_289 : i32 to index
      %swap3A_387 = arith.constant 0 : index
      %swap3A_388 = tpu.vector_load %arg13[%swap3A_386, %swap3A_387] {strides = array<i32>} : memref<128x128xf32, #tpu.memory_space<vmem>>, vector<1x16xf32>,
      %swap3A_389 = vector.shape_cast %swap3A_388 : vector<1x16xf32> to vector<16xf32>
      %swap3A_390 = vector.shape_cast %mul3A_385 : vector<16xf32> to vector<1x16xf32>
      tpu.vector_store %arg13[%swap3A_386, %swap3A_387], %swap3A_390 {strides = array<i32>} : memref<128x128xf32, #tpu.memory_space<vmem>>, vector<1x16xf32>,
      %mul3A_391 = arith.mulf %add3A_343, %div3A_384 : vector<16xf32>
      %swap3A_392 = arith.index_cast %add3A_289 : i32 to index
      %swap3A_393 = arith.constant 16 : index
      %swap3A_394 = tpu.vector_load %arg13[%swap3A_392, %swap3A_393] {strides = array<i32>} : memref<128x128xf32, #tpu.memory_space<vmem>>, vector<1x16xf32>,
      %swap3A_395 = vector.shape_cast %swap3A_394 : vector<1x16xf32> to vector<16xf32>
      %swap3A_396 = vector.shape_cast %mul3A_391 : vector<16xf32> to vector<1x16xf32>
      tpu.vector_store %arg13[%swap3A_392, %swap3A_393], %swap3A_396 {strides = array<i32>} : memref<128x128xf32, #tpu.memory_space<vmem>>, vector<1x16xf32>,
      %mul3A_397 = arith.mulf %add3A_349, %div3A_384 : vector<16xf32>
      %swap3A_398 = arith.index_cast %add3A_289 : i32 to index
      %swap3A_399 = arith.constant 32 : index
      %swap3A_400 = tpu.vector_load %arg13[%swap3A_398, %swap3A_399] {strides = array<i32>} : memref<128x128xf32, #tpu.memory_space<vmem>>, vector<1x16xf32>,
      %swap3A_401 = vector.shape_cast %swap3A_400 : vector<1x16xf32> to vector<16xf32>
      %swap3A_402 = vector.shape_cast %mul3A_397 : vector<16xf32> to vector<1x16xf32>
      tpu.vector_store %arg13[%swap3A_398, %swap3A_399], %swap3A_402 {strides = array<i32>} : memref<128x128xf32, #tpu.memory_space<vmem>>, vector<1x16xf32>,
      %mul3A_403 = arith.mulf %add3A_355, %div3A_384 : vector<16xf32>
      %swap3A_404 = arith.index_cast %add3A_289 : i32 to index
      %swap3A_405 = arith.constant 48 : index
      %swap3A_406 = tpu.vector_load %arg13[%swap3A_404, %swap3A_405] {strides = array<i32>} : memref<128x128xf32, #tpu.memory_space<vmem>>, vector<1x16xf32>,
      %swap3A_407 = vector.shape_cast %swap3A_406 : vector<1x16xf32> to vector<16xf32>
      %swap3A_408 = vector.shape_cast %mul3A_403 : vector<16xf32> to vector<1x16xf32>
      tpu.vector_store %arg13[%swap3A_404, %swap3A_405], %swap3A_408 {strides = array<i32>} : memref<128x128xf32, #tpu.memory_space<vmem>>, vector<1x16xf32>,
      %mul3A_409 = arith.mulf %add3A_361, %div3A_384 : vector<16xf32>
      %swap3A_410 = arith.index_cast %add3A_289 : i32 to index
      %swap3A_411 = arith.constant 64 : index
      %swap3A_412 = tpu.vector_load %arg13[%swap3A_410, %swap3A_411] {strides = array<i32>} : memref<128x128xf32, #tpu.memory_space<vmem>>, vector<1x16xf32>,
      %swap3A_413 = vector.shape_cast %swap3A_412 : vector<1x16xf32> to vector<16xf32>
      %swap3A_414 = vector.shape_cast %mul3A_409 : vector<16xf32> to vector<1x16xf32>
      tpu.vector_store %arg13[%swap3A_410, %swap3A_411], %swap3A_414 {strides = array<i32>} : memref<128x128xf32, #tpu.memory_space<vmem>>, vector<1x16xf32>,
      %mul3A_415 = arith.mulf %add3A_367, %div3A_384 : vector<16xf32>
      %swap3A_416 = arith.index_cast %add3A_289 : i32 to index
      %swap3A_417 = arith.constant 80 : index
      %swap3A_418 = tpu.vector_load %arg13[%swap3A_416, %swap3A_417] {strides = array<i32>} : memref<128x128xf32, #tpu.memory_space<vmem>>, vector<1x16xf32>,
      %swap3A_419 = vector.shape_cast %swap3A_418 : vector<1x16xf32> to vector<16xf32>
      %swap3A_420 = vector.shape_cast %mul3A_415 : vector<16xf32> to vector<1x16xf32>
      tpu.vector_store %arg13[%swap3A_416, %swap3A_417], %swap3A_420 {strides = array<i32>} : memref<128x128xf32, #tpu.memory_space<vmem>>, vector<1x16xf32>,
      %mul3A_421 = arith.mulf %add3A_373, %div3A_384 : vector<16xf32>
      %swap3A_422 = arith.index_cast %add3A_289 : i32 to index
      %swap3A_423 = arith.constant 96 : index
      %swap3A_424 = tpu.vector_load %arg13[%swap3A_422, %swap3A_423] {strides = array<i32>} : memref<128x128xf32, #tpu.memory_space<vmem>>, vector<1x16xf32>,
      %swap3A_425 = vector.shape_cast %swap3A_424 : vector<1x16xf32> to vector<16xf32>
      %swap3A_426 = vector.shape_cast %mul3A_421 : vector<16xf32> to vector<1x16xf32>
      tpu.vector_store %arg13[%swap3A_422, %swap3A_423], %swap3A_426 {strides = array<i32>} : memref<128x128xf32, #tpu.memory_space<vmem>>, vector<1x16xf32>,
      %mul3A_427 = arith.mulf %add3A_379, %div3A_384 : vector<16xf32>
      %swap3A_428 = arith.index_cast %add3A_289 : i32 to index
      %swap3A_429 = arith.constant 112 : index
      %swap3A_430 = tpu.vector_load %arg13[%swap3A_428, %swap3A_429] {strides = array<i32>} : memref<128x128xf32, #tpu.memory_space<vmem>>, vector<1x16xf32>,
      %swap3A_431 = vector.shape_cast %swap3A_430 : vector<1x16xf32> to vector<16xf32>
      %swap3A_432 = vector.shape_cast %mul3A_427 : vector<16xf32> to vector<1x16xf32>
      tpu.vector_store %arg13[%swap3A_428, %swap3A_429], %swap3A_432 {strides = array<i32>} : memref<128x128xf32, #tpu.memory_space<vmem>>, vector<1x16xf32>,
      %add3A_433 = arith.constant 3 : i32
      %add3A_434 = arith.addi %mul3A_102, %add3A_433 : i32
      %lt3A_435 = arith.constant 128 : i32
      %lt3A_436 = arith.cmpi slt, %add3A_434, %lt3A_435 : i32
      %convert_element_type3A_437 = arith.extui %lt3A_436 : i1 to i32
      %cond3A_438 = arith.constant 0 : i32
      %cond3A_439 = arith.cmpi ne, %convert_element_type3A_437, %cond3A_438 : i32
      scf.if %cond3A_439 {
        %add3A_441 = arith.constant 3 : i32
        %add3A_442 = arith.addi %mul3A_102, %add3A_441 : i32
        %add3A_443 = arith.constant 3 : i32
        %add3A_444 = arith.addi %mul3A_102, %add3A_443 : i32
        %get3A_445 = arith.index_cast %add3A_444 : i32 to index
        %get3A_446 = tpu.vector_load %arg10[%get3A_445] {strides = array<i32>} : memref<144xi32, #tpu.memory_space<vmem>>, vector<16xi32>,
        %get3A_447 = vector.shape_cast %get3A_446 : vector<16xi32> to vector<16xi32>
        %slice3A_448 = vector.extract_strided_slice %get3A_447 {offsets = [0], sizes = [1], strides = [1]} : vector<16xi32> to vector<1xi32>
        %squeeze3A_449 = vector.extract %slice3A_448[0] : i32 from vector<1xi32>
        %add3A_450 = arith.constant 7 : i32
        %add3A_451 = arith.addi %squeeze3A_449, %add3A_450 : i32
        %shift_right_logical3A_452 = arith.constant 3 : i32
        %shift_right_logical3A_453 = arith.shrui %add3A_451, %shift_right_logical3A_452 : i32
        %while3A_454 = arith.constant 0 : i32
        %while3A_455 = arith.constant 0 : i32
        %while3A_456 = arith.subi %shift_right_logical3A_453, %while3A_454 : i32
        %while3A_457 = arith.addi %while3A_454, %while3A_456 : i32
        %while3A_458 = arith.constant 1 : i32
        %while3A_459 = arith.divsi %while3A_456, %while3A_458 : i32
        %while3A_460 = arith.muli %while3A_459, %while3A_458 : i32
        %while3A_461 = arith.addi %while3A_454, %while3A_460 : i32
        %while3A_462 = arith.constant 1 : i32
        %while3A_463 = scf.for %while3A_466 = %while3A_454 to %while3A_461 step %while3A_462 iter_args(%while3A_467 = %while3A_455) -> (i32)  : i32 {
          %mul3A_468 = arith.constant 200 : i32
          %mul3A_469 = arith.muli %mul3A_468, %add3A_442 : i32
          %mul3A_470 = arith.constant 8 : i32
          %mul3A_471 = arith.muli %mul3A_470, %while3A_466 : i32
          %add3A_472 = arith.addi %mul3A_469, %mul3A_471 : i32
          %mul3A_473 = arith.constant 8 : i32
          %mul3A_474 = arith.muli %while3A_466, %mul3A_473 : i32
          %dma_start3A = arith.constant 0 : i32
          %dma_start3A_475 = tpu.memref_slice %arg12[%mul3A_474, %dma_start3A] : memref<200x128xf32, #tpu.memory_space<vmem>> -> memref<8x128xf32, #tpu.memory_space<vmem>>
          %dma_start3A_476 = tpu.memref_slice %arg9[%add3A_472] : memref<25600xi32, #tpu.memory_space<vmem>> -> memref<8xi32, #tpu.memory_space<vmem>>
          %dma_start3A_477 = arith.constant 0 : i32
          %dma_start3A_478 = arith.constant 0 : i32
          %dma_start3A_479 = tpu.memref_slice %arg6[%dma_start3A_477, %dma_start3A_478] : memref<100000x128xf32, #tpu.memory_space<hbm>> -> memref<100000x128xf32, #tpu.memory_space<hbm>>
          tpu.enqueue_indirect_dma source(%dma_start3A_479 : memref<100000x128xf32, #tpu.memory_space<hbm>>) target(%dma_start3A_475 : memref<8x128xf32, #tpu.memory_space<vmem>>) offsets(%dma_start3A_476 : memref<8xi32, #tpu.memory_space<vmem>>) semaphore(%arg15 : memref<!tpu.dma_semaphore, #tpu.memory_space<semaphore_mem>>)
          %while3A_480 = arith.constant 0 : i32
          scf.yield %while3A_480 : i32
        }
        %while3A_464 = arith.constant 1 : i32
        %while3A_465 = scf.for %while3A_466 = %while3A_461 to %while3A_457 step %while3A_464 iter_args(%while3A_467 = %while3A_463) -> (i32)  : i32 {
          %mul3A_468 = arith.constant 200 : i32
          %mul3A_469 = arith.muli %mul3A_468, %add3A_442 : i32
          %mul3A_470 = arith.constant 8 : i32
          %mul3A_471 = arith.muli %mul3A_470, %while3A_466 : i32
          %add3A_472 = arith.addi %mul3A_469, %mul3A_471 : i32
          %mul3A_473 = arith.constant 8 : i32
          %mul3A_474 = arith.muli %while3A_466, %mul3A_473 : i32
          %dma_start3A = arith.constant 0 : i32
          %dma_start3A_475 = tpu.memref_slice %arg12[%mul3A_474, %dma_start3A] : memref<200x128xf32, #tpu.memory_space<vmem>> -> memref<8x128xf32, #tpu.memory_space<vmem>>
          %dma_start3A_476 = tpu.memref_slice %arg9[%add3A_472] : memref<25600xi32, #tpu.memory_space<vmem>> -> memref<8xi32, #tpu.memory_space<vmem>>
          %dma_start3A_477 = arith.constant 0 : i32
          %dma_start3A_478 = arith.constant 0 : i32
          %dma_start3A_479 = tpu.memref_slice %arg6[%dma_start3A_477, %dma_start3A_478] : memref<100000x128xf32, #tpu.memory_space<hbm>> -> memref<100000x128xf32, #tpu.memory_space<hbm>>
          tpu.enqueue_indirect_dma source(%dma_start3A_479 : memref<100000x128xf32, #tpu.memory_space<hbm>>) target(%dma_start3A_475 : memref<8x128xf32, #tpu.memory_space<vmem>>) offsets(%dma_start3A_476 : memref<8xi32, #tpu.memory_space<vmem>>) semaphore(%arg15 : memref<!tpu.dma_semaphore, #tpu.memory_space<semaphore_mem>>)
          %while3A_480 = arith.constant 0 : i32
          scf.yield %while3A_480 : i32
        }
      } else {
      }
      %scan3A_440 = arith.constant 0 : i32
      scf.yield %scan3A_440 : i32
    }
    %scan3A_47 = arith.constant 64 : i32
    "tpu.region"() ({
      %run_scoped3A = tpu.sem_alloc : memref<!tpu.dma_semaphore, #tpu.memory_space<semaphore_mem>>
      %dma_start3A = arith.constant 0 : i32
      %dma_start3A_99 = tpu.memref_slice %arg7[%mul3A_2, %dma_start3A] : memref<4096x128xf32, #tpu.memory_space<hbm>> -> memref<128x128xf32, #tpu.memory_space<hbm>>
      %dma_start3A_100 = arith.constant 0 : i32
      %dma_start3A_101 = tpu.memref_slice %arg7[%mul3A_2, %dma_start3A_100] : memref<4096x128xf32, #tpu.memory_space<hbm>> -> memref<128x128xf32, #tpu.memory_space<hbm>>
      tpu.enqueue_dma source(%arg13 : memref<128x128xf32, #tpu.memory_space<vmem>>) target(%dma_start3A_101 : memref<128x128xf32, #tpu.memory_space<hbm>>) target_semaphore(%run_scoped3A : memref<!tpu.dma_semaphore, #tpu.memory_space<semaphore_mem>>)
      %dma_wait3A = arith.constant 0 : i32
      %dma_wait3A_102 = tpu.memref_slice %arg7[%mul3A_2, %dma_wait3A] : memref<4096x128xf32, #tpu.memory_space<hbm>> -> memref<128x128xf32, #tpu.memory_space<hbm>>
      %dma_wait3A_103 = arith.constant 0 : i32
      %dma_wait3A_104 = tpu.memref_slice %arg7[%mul3A_2, %dma_wait3A_103] : memref<4096x128xf32, #tpu.memory_space<hbm>> -> memref<128x128xf32, #tpu.memory_space<hbm>>
      tpu.wait_dma2 semaphore(%run_scoped3A : memref<!tpu.dma_semaphore, #tpu.memory_space<semaphore_mem>>) src(%arg13 : memref<128x128xf32, #tpu.memory_space<vmem>>) dst(%dma_wait3A_104 : memref<128x128xf32, #tpu.memory_space<hbm>>)
      tpu.yield
    }) : () -> ()
    %mul3A_48 = arith.constant 200 : i32
    %mul3A_49 = arith.muli %mul3A_2, %mul3A_48 : i32
    "tpu.region"() ({
      %run_scoped3A = tpu.sem_alloc : memref<!tpu.dma_semaphore, #tpu.memory_space<semaphore_mem>>
      %dma_start3A = tpu.memref_slice %arg4[%mul3A_49] : memref<819200xi32, #tpu.memory_space<hbm>> -> memref<25600xi32, #tpu.memory_space<hbm>>
      %dma_start3A_99 = tpu.memref_slice %arg4[%mul3A_49] : memref<819200xi32, #tpu.memory_space<hbm>> -> memref<25600xi32, #tpu.memory_space<hbm>>
      tpu.enqueue_dma source(%dma_start3A_99 : memref<25600xi32, #tpu.memory_space<hbm>>) target(%arg9 : memref<25600xi32, #tpu.memory_space<vmem>>) target_semaphore(%run_scoped3A : memref<!tpu.dma_semaphore, #tpu.memory_space<semaphore_mem>>)
      %dma_wait3A = tpu.memref_slice %arg4[%mul3A_49] : memref<819200xi32, #tpu.memory_space<hbm>> -> memref<25600xi32, #tpu.memory_space<hbm>>
      %dma_wait3A_100 = tpu.memref_slice %arg4[%mul3A_49] : memref<819200xi32, #tpu.memory_space<hbm>> -> memref<25600xi32, #tpu.memory_space<hbm>>
      tpu.wait_dma2 semaphore(%run_scoped3A : memref<!tpu.dma_semaphore, #tpu.memory_space<semaphore_mem>>) src(%dma_wait3A_100 : memref<25600xi32, #tpu.memory_space<hbm>>) dst(%arg9 : memref<25600xi32, #tpu.memory_space<vmem>>)
      tpu.yield
    }) : () -> ()
    "tpu.region"() ({
      %run_scoped3A = tpu.sem_alloc : memref<!tpu.dma_semaphore, #tpu.memory_space<semaphore_mem>>
      %dma_start3A = arith.constant 0 : i32
      %dma_start3A_99 = tpu.memref_slice %arg10[%dma_start3A] : memref<144xi32, #tpu.memory_space<vmem>> -> memref<128xi32, #tpu.memory_space<vmem>>
      %dma_start3A_100 = tpu.memref_slice %arg5[%mul3A_2] : memref<4096xi32, #tpu.memory_space<hbm>> -> memref<128xi32, #tpu.memory_space<hbm>>
      %dma_start3A_101 = arith.constant 0 : i32
      %dma_start3A_102 = tpu.memref_slice %arg10[%dma_start3A_101] : memref<144xi32, #tpu.memory_space<vmem>> -> memref<128xi32, #tpu.memory_space<vmem>>
      %dma_start3A_103 = tpu.memref_slice %arg5[%mul3A_2] : memref<4096xi32, #tpu.memory_space<hbm>> -> memref<128xi32, #tpu.memory_space<hbm>>
      tpu.enqueue_dma source(%dma_start3A_103 : memref<128xi32, #tpu.memory_space<hbm>>) target(%dma_start3A_102 : memref<128xi32, #tpu.memory_space<vmem>>) target_semaphore(%run_scoped3A : memref<!tpu.dma_semaphore, #tpu.memory_space<semaphore_mem>>)
      %dma_wait3A = arith.constant 0 : i32
      %dma_wait3A_104 = tpu.memref_slice %arg10[%dma_wait3A] : memref<144xi32, #tpu.memory_space<vmem>> -> memref<128xi32, #tpu.memory_space<vmem>>
      %dma_wait3A_105 = tpu.memref_slice %arg5[%mul3A_2] : memref<4096xi32, #tpu.memory_space<hbm>> -> memref<128xi32, #tpu.memory_space<hbm>>
      %dma_wait3A_106 = arith.constant 0 : i32
      %dma_wait3A_107 = tpu.memref_slice %arg10[%dma_wait3A_106] : memref<144xi32, #tpu.memory_space<vmem>> -> memref<128xi32, #tpu.memory_space<vmem>>
      %dma_wait3A_108 = tpu.memref_slice %arg5[%mul3A_2] : memref<4096xi32, #tpu.memory_space<hbm>> -> memref<128xi32, #tpu.memory_space<hbm>>
      tpu.wait_dma2 semaphore(%run_scoped3A : memref<!tpu.dma_semaphore, #tpu.memory_space<semaphore_mem>>) src(%dma_wait3A_108 : memref<128xi32, #tpu.memory_space<hbm>>) dst(%dma_wait3A_107 : memref<128xi32, #tpu.memory_space<vmem>>)
      tpu.yield
    }) : () -> ()
    %get3A_50 = arith.constant 0 : index
    %get3A_51 = tpu.vector_load %arg10[%get3A_50] {strides = array<i32>} : memref<144xi32, #tpu.memory_space<vmem>>, vector<16xi32>,
    %get3A_52 = vector.shape_cast %get3A_51 : vector<16xi32> to vector<16xi32>
    %slice3A_53 = vector.extract_strided_slice %get3A_52 {offsets = [0], sizes = [1], strides = [1]} : vector<16xi32> to vector<1xi32>
    %squeeze3A_54 = vector.extract %slice3A_53[0] : i32 from vector<1xi32>
    %add3A_55 = arith.constant 7 : i32
    %add3A_56 = arith.addi %squeeze3A_54, %add3A_55 : i32
    %shift_right_logical3A_57 = arith.constant 3 : i32
    %shift_right_logical3A_58 = arith.shrui %add3A_56, %shift_right_logical3A_57 : i32
    %while3A_59 = arith.constant 0 : i32
    %while3A_60 = arith.constant 0 : i32
    %while3A_61 = arith.subi %shift_right_logical3A_58, %while3A_59 : i32
    %while3A_62 = arith.addi %while3A_59, %while3A_61 : i32
    %while3A_63 = arith.constant 1 : i32
    %while3A_64 = arith.divsi %while3A_61, %while3A_63 : i32
    %while3A_65 = arith.muli %while3A_64, %while3A_63 : i32
    %while3A_66 = arith.addi %while3A_59, %while3A_65 : i32
    %while3A_67 = arith.constant 1 : i32
    %while3A_68 = scf.for %while3A_99 = %while3A_59 to %while3A_66 step %while3A_67 iter_args(%while3A_100 = %while3A_60) -> (i32)  : i32 {
      %mul3A_101 = arith.constant 8 : i32
      %mul3A_102 = arith.muli %mul3A_101, %while3A_99 : i32
      %add3A_103 = arith.constant 0 : i32
      %add3A_104 = arith.addi %add3A_103, %mul3A_102 : i32
      %mul3A_105 = arith.constant 8 : i32
      %mul3A_106 = arith.muli %while3A_99, %mul3A_105 : i32
      %dma_start3A = arith.constant 0 : i32
      %dma_start3A_107 = tpu.memref_slice %arg11[%mul3A_106, %dma_start3A] : memref<200x128xf32, #tpu.memory_space<vmem>> -> memref<8x128xf32, #tpu.memory_space<vmem>>
      %dma_start3A_108 = tpu.memref_slice %arg9[%add3A_104] : memref<25600xi32, #tpu.memory_space<vmem>> -> memref<8xi32, #tpu.memory_space<vmem>>
      %dma_start3A_109 = arith.constant 0 : i32
      %dma_start3A_110 = arith.constant 0 : i32
      %dma_start3A_111 = tpu.memref_slice %arg6[%dma_start3A_109, %dma_start3A_110] : memref<100000x128xf32, #tpu.memory_space<hbm>> -> memref<100000x128xf32, #tpu.memory_space<hbm>>
      tpu.enqueue_indirect_dma source(%dma_start3A_111 : memref<100000x128xf32, #tpu.memory_space<hbm>>) target(%dma_start3A_107 : memref<8x128xf32, #tpu.memory_space<vmem>>) offsets(%dma_start3A_108 : memref<8xi32, #tpu.memory_space<vmem>>) semaphore(%arg14 : memref<!tpu.dma_semaphore, #tpu.memory_space<semaphore_mem>>)
      %while3A_112 = arith.constant 0 : i32
      scf.yield %while3A_112 : i32
    }
    %while3A_69 = arith.constant 1 : i32
    %while3A_70 = scf.for %while3A_99 = %while3A_66 to %while3A_62 step %while3A_69 iter_args(%while3A_100 = %while3A_68) -> (i32)  : i32 {
      %mul3A_101 = arith.constant 8 : i32
      %mul3A_102 = arith.muli %mul3A_101, %while3A_99 : i32
      %add3A_103 = arith.constant 0 : i32
      %add3A_104 = arith.addi %add3A_103, %mul3A_102 : i32
      %mul3A_105 = arith.constant 8 : i32
      %mul3A_106 = arith.muli %while3A_99, %mul3A_105 : i32
      %dma_start3A = arith.constant 0 : i32
      %dma_start3A_107 = tpu.memref_slice %arg11[%mul3A_106, %dma_start3A] : memref<200x128xf32, #tpu.memory_space<vmem>> -> memref<8x128xf32, #tpu.memory_space<vmem>>
      %dma_start3A_108 = tpu.memref_slice %arg9[%add3A_104] : memref<25600xi32, #tpu.memory_space<vmem>> -> memref<8xi32, #tpu.memory_space<vmem>>
      %dma_start3A_109 = arith.constant 0 : i32
      %dma_start3A_110 = arith.constant 0 : i32
      %dma_start3A_111 = tpu.memref_slice %arg6[%dma_start3A_109, %dma_start3A_110] : memref<100000x128xf32, #tpu.memory_space<hbm>> -> memref<100000x128xf32, #tpu.memory_space<hbm>>
      tpu.enqueue_indirect_dma source(%dma_start3A_111 : memref<100000x128xf32, #tpu.memory_space<hbm>>) target(%dma_start3A_107 : memref<8x128xf32, #tpu.memory_space<vmem>>) offsets(%dma_start3A_108 : memref<8xi32, #tpu.memory_space<vmem>>) semaphore(%arg14 : memref<!tpu.dma_semaphore, #tpu.memory_space<semaphore_mem>>)
      %while3A_112 = arith.constant 0 : i32
      scf.yield %while3A_112 : i32
    }
    %get3A_71 = arith.constant 1 : index
    %get3A_72 = tpu.vector_load %arg10[%get3A_71] {strides = array<i32>} : memref<144xi32, #tpu.memory_space<vmem>>, vector<16xi32>,
    %get3A_73 = vector.shape_cast %get3A_72 : vector<16xi32> to vector<16xi32>
    %slice3A_74 = vector.extract_strided_slice %get3A_73 {offsets = [0], sizes = [1], strides = [1]} : vector<16xi32> to vector<1xi32>
    %squeeze3A_75 = vector.extract %slice3A_74[0] : i32 from vector<1xi32>
    %add3A_76 = arith.constant 7 : i32
    %add3A_77 = arith.addi %squeeze3A_75, %add3A_76 : i32
    %shift_right_logical3A_78 = arith.constant 3 : i32
    %shift_right_logical3A_79 = arith.shrui %add3A_77, %shift_right_logical3A_78 : i32
    %while3A_80 = arith.constant 0 : i32
    %while3A_81 = arith.constant 0 : i32
    %while3A_82 = arith.subi %shift_right_logical3A_79, %while3A_80 : i32
    %while3A_83 = arith.addi %while3A_80, %while3A_82 : i32
    %while3A_84 = arith.constant 1 : i32
    %while3A_85 = arith.divsi %while3A_82, %while3A_84 : i32
    %while3A_86 = arith.muli %while3A_85, %while3A_84 : i32
    %while3A_87 = arith.addi %while3A_80, %while3A_86 : i32
    %while3A_88 = arith.constant 1 : i32
    %while3A_89 = scf.for %while3A_99 = %while3A_80 to %while3A_87 step %while3A_88 iter_args(%while3A_100 = %while3A_81) -> (i32)  : i32 {
      %mul3A_101 = arith.constant 8 : i32
      %mul3A_102 = arith.muli %mul3A_101, %while3A_99 : i32
      %add3A_103 = arith.constant 200 : i32
      %add3A_104 = arith.addi %add3A_103, %mul3A_102 : i32
      %mul3A_105 = arith.constant 8 : i32
      %mul3A_106 = arith.muli %while3A_99, %mul3A_105 : i32
      %dma_start3A = arith.constant 0 : i32
      %dma_start3A_107 = tpu.memref_slice %arg12[%mul3A_106, %dma_start3A] : memref<200x128xf32, #tpu.memory_space<vmem>> -> memref<8x128xf32, #tpu.memory_space<vmem>>
      %dma_start3A_108 = tpu.memref_slice %arg9[%add3A_104] : memref<25600xi32, #tpu.memory_space<vmem>> -> memref<8xi32, #tpu.memory_space<vmem>>
      %dma_start3A_109 = arith.constant 0 : i32
      %dma_start3A_110 = arith.constant 0 : i32
      %dma_start3A_111 = tpu.memref_slice %arg6[%dma_start3A_109, %dma_start3A_110] : memref<100000x128xf32, #tpu.memory_space<hbm>> -> memref<100000x128xf32, #tpu.memory_space<hbm>>
      tpu.enqueue_indirect_dma source(%dma_start3A_111 : memref<100000x128xf32, #tpu.memory_space<hbm>>) target(%dma_start3A_107 : memref<8x128xf32, #tpu.memory_space<vmem>>) offsets(%dma_start3A_108 : memref<8xi32, #tpu.memory_space<vmem>>) semaphore(%arg15 : memref<!tpu.dma_semaphore, #tpu.memory_space<semaphore_mem>>)
      %while3A_112 = arith.constant 0 : i32
      scf.yield %while3A_112 : i32
    }
    %while3A_90 = arith.constant 1 : i32
    %while3A_91 = scf.for %while3A_99 = %while3A_87 to %while3A_83 step %while3A_90 iter_args(%while3A_100 = %while3A_89) -> (i32)  : i32 {
      %mul3A_101 = arith.constant 8 : i32
      %mul3A_102 = arith.muli %mul3A_101, %while3A_99 : i32
      %add3A_103 = arith.constant 200 : i32
      %add3A_104 = arith.addi %add3A_103, %mul3A_102 : i32
      %mul3A_105 = arith.constant 8 : i32
      %mul3A_106 = arith.muli %while3A_99, %mul3A_105 : i32
      %dma_start3A = arith.constant 0 : i32
      %dma_start3A_107 = tpu.memref_slice %arg12[%mul3A_106, %dma_start3A] : memref<200x128xf32, #tpu.memory_space<vmem>> -> memref<8x128xf32, #tpu.memory_space<vmem>>
      %dma_start3A_108 = tpu.memref_slice %arg9[%add3A_104] : memref<25600xi32, #tpu.memory_space<vmem>> -> memref<8xi32, #tpu.memory_space<vmem>>
      %dma_start3A_109 = arith.constant 0 : i32
      %dma_start3A_110 = arith.constant 0 : i32
      %dma_start3A_111 = tpu.memref_slice %arg6[%dma_start3A_109, %dma_start3A_110] : memref<100000x128xf32, #tpu.memory_space<hbm>> -> memref<100000x128xf32, #tpu.memory_space<hbm>>
      tpu.enqueue_indirect_dma source(%dma_start3A_111 : memref<100000x128xf32, #tpu.memory_space<hbm>>) target(%dma_start3A_107 : memref<8x128xf32, #tpu.memory_space<vmem>>) offsets(%dma_start3A_108 : memref<8xi32, #tpu.memory_space<vmem>>) semaphore(%arg15 : memref<!tpu.dma_semaphore, #tpu.memory_space<semaphore_mem>>)
      %while3A_112 = arith.constant 0 : i32
      scf.yield %while3A_112 : i32
    }
    %scan3A_92 = arith.constant 0 : i32
    %scan3A_93 = arith.constant 0 : i32
    %scan3A_94 = arith.constant 64 : i32
    %scan3A_95 = arith.addi %scan3A_93, %scan3A_94 : i32
    %scan3A_96 = arith.constant 1 : i32
    %scan3A_97 = scf.for %scan3A_99 = %scan3A_93 to %scan3A_95 step %scan3A_96 iter_args(%scan3A_100 = %scan3A_92) -> (i32)  : i32 {
      %mul3A_101 = arith.constant 2 : i32
      %mul3A_102 = arith.muli %mul3A_101, %scan3A_99 : i32
      %get3A_103 = arith.index_cast %mul3A_102 : i32 to index
      %get3A_104 = tpu.vector_load %arg10[%get3A_103] {strides = array<i32>} : memref<144xi32, #tpu.memory_space<vmem>>, vector<16xi32>,
      %get3A_105 = vector.shape_cast %get3A_104 : vector<16xi32> to vector<16xi32>
      %slice3A_106 = vector.extract_strided_slice %get3A_105 {offsets = [0], sizes = [1], strides = [1]} : vector<16xi32> to vector<1xi32>
      %squeeze3A_107 = vector.extract %slice3A_106[0] : i32 from vector<1xi32>
      %add3A_108 = arith.constant 7 : i32
      %add3A_109 = arith.addi %squeeze3A_107, %add3A_108 : i32
      %shift_right_logical3A_110 = arith.constant 3 : i32
      %shift_right_logical3A_111 = arith.shrui %add3A_109, %shift_right_logical3A_110 : i32
      %while3A_112 = arith.constant 0 : i32
      %while3A_113 = arith.constant 0 : i32
      %while3A_114 = arith.subi %shift_right_logical3A_111, %while3A_112 : i32
      %while3A_115 = arith.addi %while3A_112, %while3A_114 : i32
      %while3A_116 = arith.constant 1 : i32
      %while3A_117 = arith.divsi %while3A_114, %while3A_116 : i32
      %while3A_118 = arith.muli %while3A_117, %while3A_116 : i32
      %while3A_119 = arith.addi %while3A_112, %while3A_118 : i32
      %while3A_120 = arith.constant 1 : i32
      %while3A_121 = scf.for %while3A_441 = %while3A_112 to %while3A_119 step %while3A_120 iter_args(%while3A_442 = %while3A_113) -> (i32)  : i32 {
        %dma_wait3A = arith.constant 0 : i32
        %dma_wait3A_443 = arith.constant 0 : i32
        %dma_wait3A_444 = tpu.memref_slice %arg11[%dma_wait3A, %dma_wait3A_443] : memref<200x128xf32, #tpu.memory_space<vmem>> -> memref<8x128xf32, #tpu.memory_space<vmem>>
        %dma_wait3A_445 = arith.constant 0 : i32
        %dma_wait3A_446 = tpu.memref_slice %arg9[%dma_wait3A_445] : memref<25600xi32, #tpu.memory_space<vmem>> -> memref<8xi32, #tpu.memory_space<vmem>>
        %dma_wait3A_447 = arith.constant 0 : i32
        %dma_wait3A_448 = arith.constant 0 : i32
        %dma_wait3A_449 = tpu.memref_slice %arg6[%dma_wait3A_447, %dma_wait3A_448] : memref<100000x128xf32, #tpu.memory_space<hbm>> -> memref<100000x128xf32, #tpu.memory_space<hbm>>
        tpu.wait_indirect_dma semaphore(%arg14 : memref<!tpu.dma_semaphore, #tpu.memory_space<semaphore_mem>>) src(%dma_wait3A_449 : memref<100000x128xf32, #tpu.memory_space<hbm>>) dst(%dma_wait3A_444 : memref<8x128xf32, #tpu.memory_space<vmem>>)
        %while3A_450 = arith.constant 0 : i32
        scf.yield %while3A_450 : i32
      }
      %while3A_122 = arith.constant 1 : i32
      %while3A_123 = scf.for %while3A_441 = %while3A_119 to %while3A_115 step %while3A_122 iter_args(%while3A_442 = %while3A_121) -> (i32)  : i32 {
        %dma_wait3A = arith.constant 0 : i32
        %dma_wait3A_443 = arith.constant 0 : i32
        %dma_wait3A_444 = tpu.memref_slice %arg11[%dma_wait3A, %dma_wait3A_443] : memref<200x128xf32, #tpu.memory_space<vmem>> -> memref<8x128xf32, #tpu.memory_space<vmem>>
        %dma_wait3A_445 = arith.constant 0 : i32
        %dma_wait3A_446 = tpu.memref_slice %arg9[%dma_wait3A_445] : memref<25600xi32, #tpu.memory_space<vmem>> -> memref<8xi32, #tpu.memory_space<vmem>>
        %dma_wait3A_447 = arith.constant 0 : i32
        %dma_wait3A_448 = arith.constant 0 : i32
        %dma_wait3A_449 = tpu.memref_slice %arg6[%dma_wait3A_447, %dma_wait3A_448] : memref<100000x128xf32, #tpu.memory_space<hbm>> -> memref<100000x128xf32, #tpu.memory_space<hbm>>
        tpu.wait_indirect_dma semaphore(%arg14 : memref<!tpu.dma_semaphore, #tpu.memory_space<semaphore_mem>>) src(%dma_wait3A_449 : memref<100000x128xf32, #tpu.memory_space<hbm>>) dst(%dma_wait3A_444 : memref<8x128xf32, #tpu.memory_space<vmem>>)
        %while3A_450 = arith.constant 0 : i32
        scf.yield %while3A_450 : i32
      }
      %get3A_124 = arith.index_cast %mul3A_102 : i32 to index
      %get3A_125 = tpu.vector_load %arg10[%get3A_124] {strides = array<i32>} : memref<144xi32, #tpu.memory_space<vmem>>, vector<16xi32>,
      %get3A_126 = vector.shape_cast %get3A_125 : vector<16xi32> to vector<16xi32>
      %slice3A_127 = vector.extract_strided_slice %get3A_126 {offsets = [0], sizes = [1], strides = [1]} : vector<16xi32> to vector<1xi32>
      %squeeze3A_128 = vector.extract %slice3A_127[0] : i32 from vector<1xi32>
      %shift_right_arithmetic3A = arith.constant 1 : i32
      %shift_right_arithmetic3A_129 = arith.shrsi %squeeze3A_128, %shift_right_arithmetic3A : i32
      %broadcast_in_dim3A = arith.constant 0.000000e+00 : f32
      %broadcast_in_dim3A_130 = vector.broadcast %broadcast_in_dim3A : f32 to vector<16xf32>
      %broadcast_in_dim3A_131 = arith.constant 0.000000e+00 : f32
      %broadcast_in_dim3A_132 = vector.broadcast %broadcast_in_dim3A_131 : f32 to vector<16xf32>
      %broadcast_in_dim3A_133 = arith.constant 0.000000e+00 : f32
      %broadcast_in_dim3A_134 = vector.broadcast %broadcast_in_dim3A_133 : f32 to vector<16xf32>
      %broadcast_in_dim3A_135 = arith.constant 0.000000e+00 : f32
      %broadcast_in_dim3A_136 = vector.broadcast %broadcast_in_dim3A_135 : f32 to vector<16xf32>
      %broadcast_in_dim3A_137 = arith.constant 0.000000e+00 : f32
      %broadcast_in_dim3A_138 = vector.broadcast %broadcast_in_dim3A_137 : f32 to vector<16xf32>
      %broadcast_in_dim3A_139 = arith.constant 0.000000e+00 : f32
      %broadcast_in_dim3A_140 = vector.broadcast %broadcast_in_dim3A_139 : f32 to vector<16xf32>
      %broadcast_in_dim3A_141 = arith.constant 0.000000e+00 : f32
      %broadcast_in_dim3A_142 = vector.broadcast %broadcast_in_dim3A_141 : f32 to vector<16xf32>
      %broadcast_in_dim3A_143 = arith.constant 0.000000e+00 : f32
      %broadcast_in_dim3A_144 = vector.broadcast %broadcast_in_dim3A_143 : f32 to vector<16xf32>
      %while3A_145 = arith.constant 0 : i32
      %while3A_146 = arith.subi %shift_right_arithmetic3A_129, %while3A_145 : i32
      %while3A_147 = arith.addi %while3A_145, %while3A_146 : i32
      %while3A_148 = arith.constant 1 : i32
      %while3A_149 = arith.divsi %while3A_146, %while3A_148 : i32
      %while3A_150 = arith.muli %while3A_149, %while3A_148 : i32
      %while3A_151 = arith.addi %while3A_145, %while3A_150 : i32
      %while3A_152 = arith.constant 1 : i32
      %while3A_153:8 = scf.for %while3A_441 = %while3A_145 to %while3A_151 step %while3A_152 iter_args(%while3A_442 = %broadcast_in_dim3A_130, %while3A_443 = %broadcast_in_dim3A_132, %while3A_444 = %broadcast_in_dim3A_134, %while3A_445 = %broadcast_in_dim3A_136, %while3A_446 = %broadcast_in_dim3A_138, %while3A_447 = %broadcast_in_dim3A_140, %while3A_448 = %broadcast_in_dim3A_142, %while3A_449 = %broadcast_in_dim3A_144) -> (vector<16xf32>, vector<16xf32>, vector<16xf32>, vector<16xf32>, vector<16xf32>, vector<16xf32>, vector<16xf32>, vector<16xf32>)  : i32 {
        %mul3A_450 = arith.constant 2 : i32
        %mul3A_451 = arith.muli %mul3A_450, %while3A_441 : i32
        %add3A_452 = arith.constant 1 : i32
        %add3A_453 = arith.addi %mul3A_451, %add3A_452 : i32
        %mul3A_454 = arith.constant 2 : i32
        %mul3A_455 = arith.muli %mul3A_454, %while3A_441 : i32
        %get3A_456 = arith.index_cast %mul3A_455 : i32 to index
        %get3A_457 = arith.constant 0 : index
        %get3A_458 = tpu.vector_load %arg11[%get3A_456, %get3A_457] {strides = array<i32>} : memref<200x128xf32, #tpu.memory_space<vmem>>, vector<1x16xf32>,
        %get3A_459 = vector.shape_cast %get3A_458 : vector<1x16xf32> to vector<16xf32>
        %add3A_460 = arith.addf %while3A_442, %get3A_459 : vector<16xf32>
        %get3A_461 = arith.index_cast %mul3A_455 : i32 to index
        %get3A_462 = arith.constant 16 : index
        %get3A_463 = tpu.vector_load %arg11[%get3A_461, %get3A_462] {strides = array<i32>} : memref<200x128xf32, #tpu.memory_space<vmem>>, vector<1x16xf32>,
        %get3A_464 = vector.shape_cast %get3A_463 : vector<1x16xf32> to vector<16xf32>
        %add3A_465 = arith.addf %while3A_443, %get3A_464 : vector<16xf32>
        %get3A_466 = arith.index_cast %mul3A_455 : i32 to index
        %get3A_467 = arith.constant 32 : index
        %get3A_468 = tpu.vector_load %arg11[%get3A_466, %get3A_467] {strides = array<i32>} : memref<200x128xf32, #tpu.memory_space<vmem>>, vector<1x16xf32>,
        %get3A_469 = vector.shape_cast %get3A_468 : vector<1x16xf32> to vector<16xf32>
        %add3A_470 = arith.addf %while3A_444, %get3A_469 : vector<16xf32>
        %get3A_471 = arith.index_cast %mul3A_455 : i32 to index
        %get3A_472 = arith.constant 48 : index
        %get3A_473 = tpu.vector_load %arg11[%get3A_471, %get3A_472] {strides = array<i32>} : memref<200x128xf32, #tpu.memory_space<vmem>>, vector<1x16xf32>,
        %get3A_474 = vector.shape_cast %get3A_473 : vector<1x16xf32> to vector<16xf32>
        %add3A_475 = arith.addf %while3A_445, %get3A_474 : vector<16xf32>
        %get3A_476 = arith.index_cast %mul3A_455 : i32 to index
        %get3A_477 = arith.constant 64 : index
        %get3A_478 = tpu.vector_load %arg11[%get3A_476, %get3A_477] {strides = array<i32>} : memref<200x128xf32, #tpu.memory_space<vmem>>, vector<1x16xf32>,
        %get3A_479 = vector.shape_cast %get3A_478 : vector<1x16xf32> to vector<16xf32>
        %add3A_480 = arith.addf %while3A_446, %get3A_479 : vector<16xf32>
        %get3A_481 = arith.index_cast %mul3A_455 : i32 to index
        %get3A_482 = arith.constant 80 : index
        %get3A_483 = tpu.vector_load %arg11[%get3A_481, %get3A_482] {strides = array<i32>} : memref<200x128xf32, #tpu.memory_space<vmem>>, vector<1x16xf32>,
        %get3A_484 = vector.shape_cast %get3A_483 : vector<1x16xf32> to vector<16xf32>
        %add3A_485 = arith.addf %while3A_447, %get3A_484 : vector<16xf32>
        %get3A_486 = arith.index_cast %mul3A_455 : i32 to index
        %get3A_487 = arith.constant 96 : index
        %get3A_488 = tpu.vector_load %arg11[%get3A_486, %get3A_487] {strides = array<i32>} : memref<200x128xf32, #tpu.memory_space<vmem>>, vector<1x16xf32>,
        %get3A_489 = vector.shape_cast %get3A_488 : vector<1x16xf32> to vector<16xf32>
        %add3A_490 = arith.addf %while3A_448, %get3A_489 : vector<16xf32>
        %get3A_491 = arith.index_cast %mul3A_455 : i32 to index
        %get3A_492 = arith.constant 112 : index
        %get3A_493 = tpu.vector_load %arg11[%get3A_491, %get3A_492] {strides = array<i32>} : memref<200x128xf32, #tpu.memory_space<vmem>>, vector<1x16xf32>,
        %get3A_494 = vector.shape_cast %get3A_493 : vector<1x16xf32> to vector<16xf32>
        %add3A_495 = arith.addf %while3A_449, %get3A_494 : vector<16xf32>
        %get3A_496 = arith.index_cast %add3A_453 : i32 to index
        %get3A_497 = arith.constant 0 : index
        %get3A_498 = tpu.vector_load %arg11[%get3A_496, %get3A_497] {strides = array<i32>} : memref<200x128xf32, #tpu.memory_space<vmem>>, vector<1x16xf32>,
        %get3A_499 = vector.shape_cast %get3A_498 : vector<1x16xf32> to vector<16xf32>
        %add3A_500 = arith.addf %add3A_460, %get3A_499 : vector<16xf32>
        %get3A_501 = arith.index_cast %add3A_453 : i32 to index
        %get3A_502 = arith.constant 16 : index
        %get3A_503 = tpu.vector_load %arg11[%get3A_501, %get3A_502] {strides = array<i32>} : memref<200x128xf32, #tpu.memory_space<vmem>>, vector<1x16xf32>,
        %get3A_504 = vector.shape_cast %get3A_503 : vector<1x16xf32> to vector<16xf32>
        %add3A_505 = arith.addf %add3A_465, %get3A_504 : vector<16xf32>
        %get3A_506 = arith.index_cast %add3A_453 : i32 to index
        %get3A_507 = arith.constant 32 : index
        %get3A_508 = tpu.vector_load %arg11[%get3A_506, %get3A_507] {strides = array<i32>} : memref<200x128xf32, #tpu.memory_space<vmem>>, vector<1x16xf32>,
        %get3A_509 = vector.shape_cast %get3A_508 : vector<1x16xf32> to vector<16xf32>
        %add3A_510 = arith.addf %add3A_470, %get3A_509 : vector<16xf32>
        %get3A_511 = arith.index_cast %add3A_453 : i32 to index
        %get3A_512 = arith.constant 48 : index
        %get3A_513 = tpu.vector_load %arg11[%get3A_511, %get3A_512] {strides = array<i32>} : memref<200x128xf32, #tpu.memory_space<vmem>>, vector<1x16xf32>,
        %get3A_514 = vector.shape_cast %get3A_513 : vector<1x16xf32> to vector<16xf32>
        %add3A_515 = arith.addf %add3A_475, %get3A_514 : vector<16xf32>
        %get3A_516 = arith.index_cast %add3A_453 : i32 to index
        %get3A_517 = arith.constant 64 : index
        %get3A_518 = tpu.vector_load %arg11[%get3A_516, %get3A_517] {strides = array<i32>} : memref<200x128xf32, #tpu.memory_space<vmem>>, vector<1x16xf32>,
        %get3A_519 = vector.shape_cast %get3A_518 : vector<1x16xf32> to vector<16xf32>
        %add3A_520 = arith.addf %add3A_480, %get3A_519 : vector<16xf32>
        %get3A_521 = arith.index_cast %add3A_453 : i32 to index
        %get3A_522 = arith.constant 80 : index
        %get3A_523 = tpu.vector_load %arg11[%get3A_521, %get3A_522] {strides = array<i32>} : memref<200x128xf32, #tpu.memory_space<vmem>>, vector<1x16xf32>,
        %get3A_524 = vector.shape_cast %get3A_523 : vector<1x16xf32> to vector<16xf32>
        %add3A_525 = arith.addf %add3A_485, %get3A_524 : vector<16xf32>
        %get3A_526 = arith.index_cast %add3A_453 : i32 to index
        %get3A_527 = arith.constant 96 : index
        %get3A_528 = tpu.vector_load %arg11[%get3A_526, %get3A_527] {strides = array<i32>} : memref<200x128xf32, #tpu.memory_space<vmem>>, vector<1x16xf32>,
        %get3A_529 = vector.shape_cast %get3A_528 : vector<1x16xf32> to vector<16xf32>
        %add3A_530 = arith.addf %add3A_490, %get3A_529 : vector<16xf32>
        %get3A_531 = arith.index_cast %add3A_453 : i32 to index
        %get3A_532 = arith.constant 112 : index
        %get3A_533 = tpu.vector_load %arg11[%get3A_531, %get3A_532] {strides = array<i32>} : memref<200x128xf32, #tpu.memory_space<vmem>>, vector<1x16xf32>,
        %get3A_534 = vector.shape_cast %get3A_533 : vector<1x16xf32> to vector<16xf32>
        %add3A_535 = arith.addf %add3A_495, %get3A_534 : vector<16xf32>
        scf.yield %add3A_500, %add3A_505, %add3A_510, %add3A_515, %add3A_520, %add3A_525, %add3A_530, %add3A_535 : vector<16xf32>, vector<16xf32>, vector<16xf32>, vector<16xf32>, vector<16xf32>, vector<16xf32>, vector<16xf32>, vector<16xf32>
      }
      %while3A_154 = arith.constant 1 : i32
      %while3A_155:8 = scf.for %while3A_441 = %while3A_151 to %while3A_147 step %while3A_154 iter_args(%while3A_442 = %while3A_153#0, %while3A_443 = %while3A_153#1, %while3A_444 = %while3A_153#2, %while3A_445 = %while3A_153#3, %while3A_446 = %while3A_153#4, %while3A_447 = %while3A_153#5, %while3A_448 = %while3A_153#6, %while3A_449 = %while3A_153#7) -> (vector<16xf32>, vector<16xf32>, vector<16xf32>, vector<16xf32>, vector<16xf32>, vector<16xf32>, vector<16xf32>, vector<16xf32>)  : i32 {
        %mul3A_450 = arith.constant 2 : i32
        %mul3A_451 = arith.muli %mul3A_450, %while3A_441 : i32
        %add3A_452 = arith.constant 1 : i32
        %add3A_453 = arith.addi %mul3A_451, %add3A_452 : i32
        %mul3A_454 = arith.constant 2 : i32
        %mul3A_455 = arith.muli %mul3A_454, %while3A_441 : i32
        %get3A_456 = arith.index_cast %mul3A_455 : i32 to index
        %get3A_457 = arith.constant 0 : index
        %get3A_458 = tpu.vector_load %arg11[%get3A_456, %get3A_457] {strides = array<i32>} : memref<200x128xf32, #tpu.memory_space<vmem>>, vector<1x16xf32>,
        %get3A_459 = vector.shape_cast %get3A_458 : vector<1x16xf32> to vector<16xf32>
        %add3A_460 = arith.addf %while3A_442, %get3A_459 : vector<16xf32>
        %get3A_461 = arith.index_cast %mul3A_455 : i32 to index
        %get3A_462 = arith.constant 16 : index
        %get3A_463 = tpu.vector_load %arg11[%get3A_461, %get3A_462] {strides = array<i32>} : memref<200x128xf32, #tpu.memory_space<vmem>>, vector<1x16xf32>,
        %get3A_464 = vector.shape_cast %get3A_463 : vector<1x16xf32> to vector<16xf32>
        %add3A_465 = arith.addf %while3A_443, %get3A_464 : vector<16xf32>
        %get3A_466 = arith.index_cast %mul3A_455 : i32 to index
        %get3A_467 = arith.constant 32 : index
        %get3A_468 = tpu.vector_load %arg11[%get3A_466, %get3A_467] {strides = array<i32>} : memref<200x128xf32, #tpu.memory_space<vmem>>, vector<1x16xf32>,
        %get3A_469 = vector.shape_cast %get3A_468 : vector<1x16xf32> to vector<16xf32>
        %add3A_470 = arith.addf %while3A_444, %get3A_469 : vector<16xf32>
        %get3A_471 = arith.index_cast %mul3A_455 : i32 to index
        %get3A_472 = arith.constant 48 : index
        %get3A_473 = tpu.vector_load %arg11[%get3A_471, %get3A_472] {strides = array<i32>} : memref<200x128xf32, #tpu.memory_space<vmem>>, vector<1x16xf32>,
        %get3A_474 = vector.shape_cast %get3A_473 : vector<1x16xf32> to vector<16xf32>
        %add3A_475 = arith.addf %while3A_445, %get3A_474 : vector<16xf32>
        %get3A_476 = arith.index_cast %mul3A_455 : i32 to index
        %get3A_477 = arith.constant 64 : index
        %get3A_478 = tpu.vector_load %arg11[%get3A_476, %get3A_477] {strides = array<i32>} : memref<200x128xf32, #tpu.memory_space<vmem>>, vector<1x16xf32>,
        %get3A_479 = vector.shape_cast %get3A_478 : vector<1x16xf32> to vector<16xf32>
        %add3A_480 = arith.addf %while3A_446, %get3A_479 : vector<16xf32>
        %get3A_481 = arith.index_cast %mul3A_455 : i32 to index
        %get3A_482 = arith.constant 80 : index
        %get3A_483 = tpu.vector_load %arg11[%get3A_481, %get3A_482] {strides = array<i32>} : memref<200x128xf32, #tpu.memory_space<vmem>>, vector<1x16xf32>,
        %get3A_484 = vector.shape_cast %get3A_483 : vector<1x16xf32> to vector<16xf32>
        %add3A_485 = arith.addf %while3A_447, %get3A_484 : vector<16xf32>
        %get3A_486 = arith.index_cast %mul3A_455 : i32 to index
        %get3A_487 = arith.constant 96 : index
        %get3A_488 = tpu.vector_load %arg11[%get3A_486, %get3A_487] {strides = array<i32>} : memref<200x128xf32, #tpu.memory_space<vmem>>, vector<1x16xf32>,
        %get3A_489 = vector.shape_cast %get3A_488 : vector<1x16xf32> to vector<16xf32>
        %add3A_490 = arith.addf %while3A_448, %get3A_489 : vector<16xf32>
        %get3A_491 = arith.index_cast %mul3A_455 : i32 to index
        %get3A_492 = arith.constant 112 : index
        %get3A_493 = tpu.vector_load %arg11[%get3A_491, %get3A_492] {strides = array<i32>} : memref<200x128xf32, #tpu.memory_space<vmem>>, vector<1x16xf32>,
        %get3A_494 = vector.shape_cast %get3A_493 : vector<1x16xf32> to vector<16xf32>
        %add3A_495 = arith.addf %while3A_449, %get3A_494 : vector<16xf32>
        %get3A_496 = arith.index_cast %add3A_453 : i32 to index
        %get3A_497 = arith.constant 0 : index
        %get3A_498 = tpu.vector_load %arg11[%get3A_496, %get3A_497] {strides = array<i32>} : memref<200x128xf32, #tpu.memory_space<vmem>>, vector<1x16xf32>,
        %get3A_499 = vector.shape_cast %get3A_498 : vector<1x16xf32> to vector<16xf32>
        %add3A_500 = arith.addf %add3A_460, %get3A_499 : vector<16xf32>
        %get3A_501 = arith.index_cast %add3A_453 : i32 to index
        %get3A_502 = arith.constant 16 : index
        %get3A_503 = tpu.vector_load %arg11[%get3A_501, %get3A_502] {strides = array<i32>} : memref<200x128xf32, #tpu.memory_space<vmem>>, vector<1x16xf32>,
        %get3A_504 = vector.shape_cast %get3A_503 : vector<1x16xf32> to vector<16xf32>
        %add3A_505 = arith.addf %add3A_465, %get3A_504 : vector<16xf32>
        %get3A_506 = arith.index_cast %add3A_453 : i32 to index
        %get3A_507 = arith.constant 32 : index
        %get3A_508 = tpu.vector_load %arg11[%get3A_506, %get3A_507] {strides = array<i32>} : memref<200x128xf32, #tpu.memory_space<vmem>>, vector<1x16xf32>,
        %get3A_509 = vector.shape_cast %get3A_508 : vector<1x16xf32> to vector<16xf32>
        %add3A_510 = arith.addf %add3A_470, %get3A_509 : vector<16xf32>
        %get3A_511 = arith.index_cast %add3A_453 : i32 to index
        %get3A_512 = arith.constant 48 : index
        %get3A_513 = tpu.vector_load %arg11[%get3A_511, %get3A_512] {strides = array<i32>} : memref<200x128xf32, #tpu.memory_space<vmem>>, vector<1x16xf32>,
        %get3A_514 = vector.shape_cast %get3A_513 : vector<1x16xf32> to vector<16xf32>
        %add3A_515 = arith.addf %add3A_475, %get3A_514 : vector<16xf32>
        %get3A_516 = arith.index_cast %add3A_453 : i32 to index
        %get3A_517 = arith.constant 64 : index
        %get3A_518 = tpu.vector_load %arg11[%get3A_516, %get3A_517] {strides = array<i32>} : memref<200x128xf32, #tpu.memory_space<vmem>>, vector<1x16xf32>,
        %get3A_519 = vector.shape_cast %get3A_518 : vector<1x16xf32> to vector<16xf32>
        %add3A_520 = arith.addf %add3A_480, %get3A_519 : vector<16xf32>
        %get3A_521 = arith.index_cast %add3A_453 : i32 to index
        %get3A_522 = arith.constant 80 : index
        %get3A_523 = tpu.vector_load %arg11[%get3A_521, %get3A_522] {strides = array<i32>} : memref<200x128xf32, #tpu.memory_space<vmem>>, vector<1x16xf32>,
        %get3A_524 = vector.shape_cast %get3A_523 : vector<1x16xf32> to vector<16xf32>
        %add3A_525 = arith.addf %add3A_485, %get3A_524 : vector<16xf32>
        %get3A_526 = arith.index_cast %add3A_453 : i32 to index
        %get3A_527 = arith.constant 96 : index
        %get3A_528 = tpu.vector_load %arg11[%get3A_526, %get3A_527] {strides = array<i32>} : memref<200x128xf32, #tpu.memory_space<vmem>>, vector<1x16xf32>,
        %get3A_529 = vector.shape_cast %get3A_528 : vector<1x16xf32> to vector<16xf32>
        %add3A_530 = arith.addf %add3A_490, %get3A_529 : vector<16xf32>
        %get3A_531 = arith.index_cast %add3A_453 : i32 to index
        %get3A_532 = arith.constant 112 : index
        %get3A_533 = tpu.vector_load %arg11[%get3A_531, %get3A_532] {strides = array<i32>} : memref<200x128xf32, #tpu.memory_space<vmem>>, vector<1x16xf32>,
        %get3A_534 = vector.shape_cast %get3A_533 : vector<1x16xf32> to vector<16xf32>
        %add3A_535 = arith.addf %add3A_495, %get3A_534 : vector<16xf32>
        scf.yield %add3A_500, %add3A_505, %add3A_510, %add3A_515, %add3A_520, %add3A_525, %add3A_530, %add3A_535 : vector<16xf32>, vector<16xf32>, vector<16xf32>, vector<16xf32>, vector<16xf32>, vector<16xf32>, vector<16xf32>, vector<16xf32>
      }
      %and3A = arith.constant 1 : i32
      %and3A_156 = arith.andi %squeeze3A_128, %and3A : i32
      %convert_element_type3A = arith.sitofp %and3A_156 : i32 to f32
      %broadcast_in_dim3A_157 = vector.broadcast %convert_element_type3A : f32 to vector<16xf32>
      %sub3A = arith.constant 1 : i32
      %sub3A_158 = arith.subi %squeeze3A_128, %sub3A : i32
      %and3A_159 = arith.constant -2 : i32
      %and3A_160 = arith.andi %sub3A_158, %and3A_159 : i32
      %get3A_161 = arith.index_cast %and3A_160 : i32 to index
      %get3A_162 = arith.constant 0 : index
      %get3A_163 = tpu.vector_load %arg11[%get3A_161, %get3A_162] {strides = array<i32>} : memref<200x128xf32, #tpu.memory_space<vmem>>, vector<1x16xf32>,
      %get3A_164 = vector.shape_cast %get3A_163 : vector<1x16xf32> to vector<16xf32>
      %mul3A_165 = arith.mulf %get3A_164, %broadcast_in_dim3A_157 : vector<16xf32>
      %add3A_166 = arith.addf %while3A_155#0, %mul3A_165 : vector<16xf32>
      %get3A_167 = arith.index_cast %and3A_160 : i32 to index
      %get3A_168 = arith.constant 16 : index
      %get3A_169 = tpu.vector_load %arg11[%get3A_167, %get3A_168] {strides = array<i32>} : memref<200x128xf32, #tpu.memory_space<vmem>>, vector<1x16xf32>,
      %get3A_170 = vector.shape_cast %get3A_169 : vector<1x16xf32> to vector<16xf32>
      %mul3A_171 = arith.mulf %get3A_170, %broadcast_in_dim3A_157 : vector<16xf32>
      %add3A_172 = arith.addf %while3A_155#1, %mul3A_171 : vector<16xf32>
      %get3A_173 = arith.index_cast %and3A_160 : i32 to index
      %get3A_174 = arith.constant 32 : index
      %get3A_175 = tpu.vector_load %arg11[%get3A_173, %get3A_174] {strides = array<i32>} : memref<200x128xf32, #tpu.memory_space<vmem>>, vector<1x16xf32>,
      %get3A_176 = vector.shape_cast %get3A_175 : vector<1x16xf32> to vector<16xf32>
      %mul3A_177 = arith.mulf %get3A_176, %broadcast_in_dim3A_157 : vector<16xf32>
      %add3A_178 = arith.addf %while3A_155#2, %mul3A_177 : vector<16xf32>
      %get3A_179 = arith.index_cast %and3A_160 : i32 to index
      %get3A_180 = arith.constant 48 : index
      %get3A_181 = tpu.vector_load %arg11[%get3A_179, %get3A_180] {strides = array<i32>} : memref<200x128xf32, #tpu.memory_space<vmem>>, vector<1x16xf32>,
      %get3A_182 = vector.shape_cast %get3A_181 : vector<1x16xf32> to vector<16xf32>
      %mul3A_183 = arith.mulf %get3A_182, %broadcast_in_dim3A_157 : vector<16xf32>
      %add3A_184 = arith.addf %while3A_155#3, %mul3A_183 : vector<16xf32>
      %get3A_185 = arith.index_cast %and3A_160 : i32 to index
      %get3A_186 = arith.constant 64 : index
      %get3A_187 = tpu.vector_load %arg11[%get3A_185, %get3A_186] {strides = array<i32>} : memref<200x128xf32, #tpu.memory_space<vmem>>, vector<1x16xf32>,
      %get3A_188 = vector.shape_cast %get3A_187 : vector<1x16xf32> to vector<16xf32>
      %mul3A_189 = arith.mulf %get3A_188, %broadcast_in_dim3A_157 : vector<16xf32>
      %add3A_190 = arith.addf %while3A_155#4, %mul3A_189 : vector<16xf32>
      %get3A_191 = arith.index_cast %and3A_160 : i32 to index
      %get3A_192 = arith.constant 80 : index
      %get3A_193 = tpu.vector_load %arg11[%get3A_191, %get3A_192] {strides = array<i32>} : memref<200x128xf32, #tpu.memory_space<vmem>>, vector<1x16xf32>,
      %get3A_194 = vector.shape_cast %get3A_193 : vector<1x16xf32> to vector<16xf32>
      %mul3A_195 = arith.mulf %get3A_194, %broadcast_in_dim3A_157 : vector<16xf32>
      %add3A_196 = arith.addf %while3A_155#5, %mul3A_195 : vector<16xf32>
      %get3A_197 = arith.index_cast %and3A_160 : i32 to index
      %get3A_198 = arith.constant 96 : index
      %get3A_199 = tpu.vector_load %arg11[%get3A_197, %get3A_198] {strides = array<i32>} : memref<200x128xf32, #tpu.memory_space<vmem>>, vector<1x16xf32>,
      %get3A_200 = vector.shape_cast %get3A_199 : vector<1x16xf32> to vector<16xf32>
      %mul3A_201 = arith.mulf %get3A_200, %broadcast_in_dim3A_157 : vector<16xf32>
      %add3A_202 = arith.addf %while3A_155#6, %mul3A_201 : vector<16xf32>
      %get3A_203 = arith.index_cast %and3A_160 : i32 to index
      %get3A_204 = arith.constant 112 : index
      %get3A_205 = tpu.vector_load %arg11[%get3A_203, %get3A_204] {strides = array<i32>} : memref<200x128xf32, #tpu.memory_space<vmem>>, vector<1x16xf32>,
      %get3A_206 = vector.shape_cast %get3A_205 : vector<1x16xf32> to vector<16xf32>
      %mul3A_207 = arith.mulf %get3A_206, %broadcast_in_dim3A_157 : vector<16xf32>
      %add3A_208 = arith.addf %while3A_155#7, %mul3A_207 : vector<16xf32>
      %convert_element_type3A_209 = arith.sitofp %squeeze3A_128 : i32 to f32
      %broadcast_in_dim3A_210 = vector.broadcast %convert_element_type3A_209 : f32 to vector<16xf32>
      %div3A = arith.constant 1.000000e+00 : f32
      %div3A_211 = vector.broadcast %div3A : f32 to vector<16xf32>
      %div3A_212 = arith.divf %div3A_211, %broadcast_in_dim3A_210 : vector<16xf32>
      %mul3A_213 = arith.mulf %add3A_166, %div3A_212 : vector<16xf32>
      %swap3A = arith.index_cast %mul3A_102 : i32 to index
      %swap3A_214 = arith.constant 0 : index
      %swap3A_215 = tpu.vector_load %arg13[%swap3A, %swap3A_214] {strides = array<i32>} : memref<128x128xf32, #tpu.memory_space<vmem>>, vector<1x16xf32>,
      %swap3A_216 = vector.shape_cast %swap3A_215 : vector<1x16xf32> to vector<16xf32>
      %swap3A_217 = vector.shape_cast %mul3A_213 : vector<16xf32> to vector<1x16xf32>
      tpu.vector_store %arg13[%swap3A, %swap3A_214], %swap3A_217 {strides = array<i32>} : memref<128x128xf32, #tpu.memory_space<vmem>>, vector<1x16xf32>,
      %mul3A_218 = arith.mulf %add3A_172, %div3A_212 : vector<16xf32>
      %swap3A_219 = arith.index_cast %mul3A_102 : i32 to index
      %swap3A_220 = arith.constant 16 : index
      %swap3A_221 = tpu.vector_load %arg13[%swap3A_219, %swap3A_220] {strides = array<i32>} : memref<128x128xf32, #tpu.memory_space<vmem>>, vector<1x16xf32>,
      %swap3A_222 = vector.shape_cast %swap3A_221 : vector<1x16xf32> to vector<16xf32>
      %swap3A_223 = vector.shape_cast %mul3A_218 : vector<16xf32> to vector<1x16xf32>
      tpu.vector_store %arg13[%swap3A_219, %swap3A_220], %swap3A_223 {strides = array<i32>} : memref<128x128xf32, #tpu.memory_space<vmem>>, vector<1x16xf32>,
      %mul3A_224 = arith.mulf %add3A_178, %div3A_212 : vector<16xf32>
      %swap3A_225 = arith.index_cast %mul3A_102 : i32 to index
      %swap3A_226 = arith.constant 32 : index
      %swap3A_227 = tpu.vector_load %arg13[%swap3A_225, %swap3A_226] {strides = array<i32>} : memref<128x128xf32, #tpu.memory_space<vmem>>, vector<1x16xf32>,
      %swap3A_228 = vector.shape_cast %swap3A_227 : vector<1x16xf32> to vector<16xf32>
      %swap3A_229 = vector.shape_cast %mul3A_224 : vector<16xf32> to vector<1x16xf32>
      tpu.vector_store %arg13[%swap3A_225, %swap3A_226], %swap3A_229 {strides = array<i32>} : memref<128x128xf32, #tpu.memory_space<vmem>>, vector<1x16xf32>,
      %mul3A_230 = arith.mulf %add3A_184, %div3A_212 : vector<16xf32>
      %swap3A_231 = arith.index_cast %mul3A_102 : i32 to index
      %swap3A_232 = arith.constant 48 : index
      %swap3A_233 = tpu.vector_load %arg13[%swap3A_231, %swap3A_232] {strides = array<i32>} : memref<128x128xf32, #tpu.memory_space<vmem>>, vector<1x16xf32>,
      %swap3A_234 = vector.shape_cast %swap3A_233 : vector<1x16xf32> to vector<16xf32>
      %swap3A_235 = vector.shape_cast %mul3A_230 : vector<16xf32> to vector<1x16xf32>
      tpu.vector_store %arg13[%swap3A_231, %swap3A_232], %swap3A_235 {strides = array<i32>} : memref<128x128xf32, #tpu.memory_space<vmem>>, vector<1x16xf32>,
      %mul3A_236 = arith.mulf %add3A_190, %div3A_212 : vector<16xf32>
      %swap3A_237 = arith.index_cast %mul3A_102 : i32 to index
      %swap3A_238 = arith.constant 64 : index
      %swap3A_239 = tpu.vector_load %arg13[%swap3A_237, %swap3A_238] {strides = array<i32>} : memref<128x128xf32, #tpu.memory_space<vmem>>, vector<1x16xf32>,
      %swap3A_240 = vector.shape_cast %swap3A_239 : vector<1x16xf32> to vector<16xf32>
      %swap3A_241 = vector.shape_cast %mul3A_236 : vector<16xf32> to vector<1x16xf32>
      tpu.vector_store %arg13[%swap3A_237, %swap3A_238], %swap3A_241 {strides = array<i32>} : memref<128x128xf32, #tpu.memory_space<vmem>>, vector<1x16xf32>,
      %mul3A_242 = arith.mulf %add3A_196, %div3A_212 : vector<16xf32>
      %swap3A_243 = arith.index_cast %mul3A_102 : i32 to index
      %swap3A_244 = arith.constant 80 : index
      %swap3A_245 = tpu.vector_load %arg13[%swap3A_243, %swap3A_244] {strides = array<i32>} : memref<128x128xf32, #tpu.memory_space<vmem>>, vector<1x16xf32>,
      %swap3A_246 = vector.shape_cast %swap3A_245 : vector<1x16xf32> to vector<16xf32>
      %swap3A_247 = vector.shape_cast %mul3A_242 : vector<16xf32> to vector<1x16xf32>
      tpu.vector_store %arg13[%swap3A_243, %swap3A_244], %swap3A_247 {strides = array<i32>} : memref<128x128xf32, #tpu.memory_space<vmem>>, vector<1x16xf32>,
      %mul3A_248 = arith.mulf %add3A_202, %div3A_212 : vector<16xf32>
      %swap3A_249 = arith.index_cast %mul3A_102 : i32 to index
      %swap3A_250 = arith.constant 96 : index
      %swap3A_251 = tpu.vector_load %arg13[%swap3A_249, %swap3A_250] {strides = array<i32>} : memref<128x128xf32, #tpu.memory_space<vmem>>, vector<1x16xf32>,
      %swap3A_252 = vector.shape_cast %swap3A_251 : vector<1x16xf32> to vector<16xf32>
      %swap3A_253 = vector.shape_cast %mul3A_248 : vector<16xf32> to vector<1x16xf32>
      tpu.vector_store %arg13[%swap3A_249, %swap3A_250], %swap3A_253 {strides = array<i32>} : memref<128x128xf32, #tpu.memory_space<vmem>>, vector<1x16xf32>,
      %mul3A_254 = arith.mulf %add3A_208, %div3A_212 : vector<16xf32>
      %swap3A_255 = arith.index_cast %mul3A_102 : i32 to index
      %swap3A_256 = arith.constant 112 : index
      %swap3A_257 = tpu.vector_load %arg13[%swap3A_255, %swap3A_256] {strides = array<i32>} : memref<128x128xf32, #tpu.memory_space<vmem>>, vector<1x16xf32>,
      %swap3A_258 = vector.shape_cast %swap3A_257 : vector<1x16xf32> to vector<16xf32>
      %swap3A_259 = vector.shape_cast %mul3A_254 : vector<16xf32> to vector<1x16xf32>
      tpu.vector_store %arg13[%swap3A_255, %swap3A_256], %swap3A_259 {strides = array<i32>} : memref<128x128xf32, #tpu.memory_space<vmem>>, vector<1x16xf32>,
      %add3A_260 = arith.constant 2 : i32
      %add3A_261 = arith.addi %mul3A_102, %add3A_260 : i32
      %lt3A = arith.constant 128 : i32
      %lt3A_262 = arith.cmpi slt, %add3A_261, %lt3A : i32
      %convert_element_type3A_263 = arith.extui %lt3A_262 : i1 to i32
      %cond3A = arith.constant 0 : i32
      %cond3A_264 = arith.cmpi ne, %convert_element_type3A_263, %cond3A : i32
      scf.if %cond3A_264 {
        %add3A_441 = arith.constant 2 : i32
        %add3A_442 = arith.addi %mul3A_102, %add3A_441 : i32
        %add3A_443 = arith.constant 2 : i32
        %add3A_444 = arith.addi %mul3A_102, %add3A_443 : i32
        %get3A_445 = arith.index_cast %add3A_444 : i32 to index
        %get3A_446 = tpu.vector_load %arg10[%get3A_445] {strides = array<i32>} : memref<144xi32, #tpu.memory_space<vmem>>, vector<16xi32>,
        %get3A_447 = vector.shape_cast %get3A_446 : vector<16xi32> to vector<16xi32>
        %slice3A_448 = vector.extract_strided_slice %get3A_447 {offsets = [0], sizes = [1], strides = [1]} : vector<16xi32> to vector<1xi32>
        %squeeze3A_449 = vector.extract %slice3A_448[0] : i32 from vector<1xi32>
        %add3A_450 = arith.constant 7 : i32
        %add3A_451 = arith.addi %squeeze3A_449, %add3A_450 : i32
        %shift_right_logical3A_452 = arith.constant 3 : i32
        %shift_right_logical3A_453 = arith.shrui %add3A_451, %shift_right_logical3A_452 : i32
        %while3A_454 = arith.constant 0 : i32
        %while3A_455 = arith.constant 0 : i32
        %while3A_456 = arith.subi %shift_right_logical3A_453, %while3A_454 : i32
        %while3A_457 = arith.addi %while3A_454, %while3A_456 : i32
        %while3A_458 = arith.constant 1 : i32
        %while3A_459 = arith.divsi %while3A_456, %while3A_458 : i32
        %while3A_460 = arith.muli %while3A_459, %while3A_458 : i32
        %while3A_461 = arith.addi %while3A_454, %while3A_460 : i32
        %while3A_462 = arith.constant 1 : i32
        %while3A_463 = scf.for %while3A_466 = %while3A_454 to %while3A_461 step %while3A_462 iter_args(%while3A_467 = %while3A_455) -> (i32)  : i32 {
          %mul3A_468 = arith.constant 200 : i32
          %mul3A_469 = arith.muli %mul3A_468, %add3A_442 : i32
          %mul3A_470 = arith.constant 8 : i32
          %mul3A_471 = arith.muli %mul3A_470, %while3A_466 : i32
          %add3A_472 = arith.addi %mul3A_469, %mul3A_471 : i32
          %mul3A_473 = arith.constant 8 : i32
          %mul3A_474 = arith.muli %while3A_466, %mul3A_473 : i32
          %dma_start3A = arith.constant 0 : i32
          %dma_start3A_475 = tpu.memref_slice %arg11[%mul3A_474, %dma_start3A] : memref<200x128xf32, #tpu.memory_space<vmem>> -> memref<8x128xf32, #tpu.memory_space<vmem>>
          %dma_start3A_476 = tpu.memref_slice %arg9[%add3A_472] : memref<25600xi32, #tpu.memory_space<vmem>> -> memref<8xi32, #tpu.memory_space<vmem>>
          %dma_start3A_477 = arith.constant 0 : i32
          %dma_start3A_478 = arith.constant 0 : i32
          %dma_start3A_479 = tpu.memref_slice %arg6[%dma_start3A_477, %dma_start3A_478] : memref<100000x128xf32, #tpu.memory_space<hbm>> -> memref<100000x128xf32, #tpu.memory_space<hbm>>
          tpu.enqueue_indirect_dma source(%dma_start3A_479 : memref<100000x128xf32, #tpu.memory_space<hbm>>) target(%dma_start3A_475 : memref<8x128xf32, #tpu.memory_space<vmem>>) offsets(%dma_start3A_476 : memref<8xi32, #tpu.memory_space<vmem>>) semaphore(%arg14 : memref<!tpu.dma_semaphore, #tpu.memory_space<semaphore_mem>>)
          %while3A_480 = arith.constant 0 : i32
          scf.yield %while3A_480 : i32
        }
        %while3A_464 = arith.constant 1 : i32
        %while3A_465 = scf.for %while3A_466 = %while3A_461 to %while3A_457 step %while3A_464 iter_args(%while3A_467 = %while3A_463) -> (i32)  : i32 {
          %mul3A_468 = arith.constant 200 : i32
          %mul3A_469 = arith.muli %mul3A_468, %add3A_442 : i32
          %mul3A_470 = arith.constant 8 : i32
          %mul3A_471 = arith.muli %mul3A_470, %while3A_466 : i32
          %add3A_472 = arith.addi %mul3A_469, %mul3A_471 : i32
          %mul3A_473 = arith.constant 8 : i32
          %mul3A_474 = arith.muli %while3A_466, %mul3A_473 : i32
          %dma_start3A = arith.constant 0 : i32
          %dma_start3A_475 = tpu.memref_slice %arg11[%mul3A_474, %dma_start3A] : memref<200x128xf32, #tpu.memory_space<vmem>> -> memref<8x128xf32, #tpu.memory_space<vmem>>
          %dma_start3A_476 = tpu.memref_slice %arg9[%add3A_472] : memref<25600xi32, #tpu.memory_space<vmem>> -> memref<8xi32, #tpu.memory_space<vmem>>
          %dma_start3A_477 = arith.constant 0 : i32
          %dma_start3A_478 = arith.constant 0 : i32
          %dma_start3A_479 = tpu.memref_slice %arg6[%dma_start3A_477, %dma_start3A_478] : memref<100000x128xf32, #tpu.memory_space<hbm>> -> memref<100000x128xf32, #tpu.memory_space<hbm>>
          tpu.enqueue_indirect_dma source(%dma_start3A_479 : memref<100000x128xf32, #tpu.memory_space<hbm>>) target(%dma_start3A_475 : memref<8x128xf32, #tpu.memory_space<vmem>>) offsets(%dma_start3A_476 : memref<8xi32, #tpu.memory_space<vmem>>) semaphore(%arg14 : memref<!tpu.dma_semaphore, #tpu.memory_space<semaphore_mem>>)
          %while3A_480 = arith.constant 0 : i32
          scf.yield %while3A_480 : i32
        }
      } else {
      }
      %add3A_265 = arith.constant 1 : i32
      %add3A_266 = arith.addi %mul3A_102, %add3A_265 : i32
      %get3A_267 = arith.index_cast %add3A_266 : i32 to index
      %get3A_268 = tpu.vector_load %arg10[%get3A_267] {strides = array<i32>} : memref<144xi32, #tpu.memory_space<vmem>>, vector<16xi32>,
      %get3A_269 = vector.shape_cast %get3A_268 : vector<16xi32> to vector<16xi32>
      %slice3A_270 = vector.extract_strided_slice %get3A_269 {offsets = [0], sizes = [1], strides = [1]} : vector<16xi32> to vector<1xi32>
      %squeeze3A_271 = vector.extract %slice3A_270[0] : i32 from vector<1xi32>
      %add3A_272 = arith.constant 7 : i32
      %add3A_273 = arith.addi %squeeze3A_271, %add3A_272 : i32
      %shift_right_logical3A_274 = arith.constant 3 : i32
      %shift_right_logical3A_275 = arith.shrui %add3A_273, %shift_right_logical3A_274 : i32
      %while3A_276 = arith.constant 0 : i32
      %while3A_277 = arith.constant 0 : i32
      %while3A_278 = arith.subi %shift_right_logical3A_275, %while3A_276 : i32
      %while3A_279 = arith.addi %while3A_276, %while3A_278 : i32
      %while3A_280 = arith.constant 1 : i32
      %while3A_281 = arith.divsi %while3A_278, %while3A_280 : i32
      %while3A_282 = arith.muli %while3A_281, %while3A_280 : i32
      %while3A_283 = arith.addi %while3A_276, %while3A_282 : i32
      %while3A_284 = arith.constant 1 : i32
      %while3A_285 = scf.for %while3A_441 = %while3A_276 to %while3A_283 step %while3A_284 iter_args(%while3A_442 = %while3A_277) -> (i32)  : i32 {
        %dma_wait3A = arith.constant 0 : i32
        %dma_wait3A_443 = arith.constant 0 : i32
        %dma_wait3A_444 = tpu.memref_slice %arg12[%dma_wait3A, %dma_wait3A_443] : memref<200x128xf32, #tpu.memory_space<vmem>> -> memref<8x128xf32, #tpu.memory_space<vmem>>
        %dma_wait3A_445 = arith.constant 0 : i32
        %dma_wait3A_446 = tpu.memref_slice %arg9[%dma_wait3A_445] : memref<25600xi32, #tpu.memory_space<vmem>> -> memref<8xi32, #tpu.memory_space<vmem>>
        %dma_wait3A_447 = arith.constant 0 : i32
        %dma_wait3A_448 = arith.constant 0 : i32
        %dma_wait3A_449 = tpu.memref_slice %arg6[%dma_wait3A_447, %dma_wait3A_448] : memref<100000x128xf32, #tpu.memory_space<hbm>> -> memref<100000x128xf32, #tpu.memory_space<hbm>>
        tpu.wait_indirect_dma semaphore(%arg15 : memref<!tpu.dma_semaphore, #tpu.memory_space<semaphore_mem>>) src(%dma_wait3A_449 : memref<100000x128xf32, #tpu.memory_space<hbm>>) dst(%dma_wait3A_444 : memref<8x128xf32, #tpu.memory_space<vmem>>)
        %while3A_450 = arith.constant 0 : i32
        scf.yield %while3A_450 : i32
      }
      %while3A_286 = arith.constant 1 : i32
      %while3A_287 = scf.for %while3A_441 = %while3A_283 to %while3A_279 step %while3A_286 iter_args(%while3A_442 = %while3A_285) -> (i32)  : i32 {
        %dma_wait3A = arith.constant 0 : i32
        %dma_wait3A_443 = arith.constant 0 : i32
        %dma_wait3A_444 = tpu.memref_slice %arg12[%dma_wait3A, %dma_wait3A_443] : memref<200x128xf32, #tpu.memory_space<vmem>> -> memref<8x128xf32, #tpu.memory_space<vmem>>
        %dma_wait3A_445 = arith.constant 0 : i32
        %dma_wait3A_446 = tpu.memref_slice %arg9[%dma_wait3A_445] : memref<25600xi32, #tpu.memory_space<vmem>> -> memref<8xi32, #tpu.memory_space<vmem>>
        %dma_wait3A_447 = arith.constant 0 : i32
        %dma_wait3A_448 = arith.constant 0 : i32
        %dma_wait3A_449 = tpu.memref_slice %arg6[%dma_wait3A_447, %dma_wait3A_448] : memref<100000x128xf32, #tpu.memory_space<hbm>> -> memref<100000x128xf32, #tpu.memory_space<hbm>>
        tpu.wait_indirect_dma semaphore(%arg15 : memref<!tpu.dma_semaphore, #tpu.memory_space<semaphore_mem>>) src(%dma_wait3A_449 : memref<100000x128xf32, #tpu.memory_space<hbm>>) dst(%dma_wait3A_444 : memref<8x128xf32, #tpu.memory_space<vmem>>)
        %while3A_450 = arith.constant 0 : i32
        scf.yield %while3A_450 : i32
      }
      %add3A_288 = arith.constant 1 : i32
      %add3A_289 = arith.addi %mul3A_102, %add3A_288 : i32
      %get3A_290 = arith.index_cast %add3A_289 : i32 to index
      %get3A_291 = tpu.vector_load %arg10[%get3A_290] {strides = array<i32>} : memref<144xi32, #tpu.memory_space<vmem>>, vector<16xi32>,
      %get3A_292 = vector.shape_cast %get3A_291 : vector<16xi32> to vector<16xi32>
      %slice3A_293 = vector.extract_strided_slice %get3A_292 {offsets = [0], sizes = [1], strides = [1]} : vector<16xi32> to vector<1xi32>
      %squeeze3A_294 = vector.extract %slice3A_293[0] : i32 from vector<1xi32>
      %shift_right_arithmetic3A_295 = arith.constant 1 : i32
      %shift_right_arithmetic3A_296 = arith.shrsi %squeeze3A_294, %shift_right_arithmetic3A_295 : i32
      %broadcast_in_dim3A_297 = arith.constant 0.000000e+00 : f32
      %broadcast_in_dim3A_298 = vector.broadcast %broadcast_in_dim3A_297 : f32 to vector<16xf32>
      %broadcast_in_dim3A_299 = arith.constant 0.000000e+00 : f32
      %broadcast_in_dim3A_300 = vector.broadcast %broadcast_in_dim3A_299 : f32 to vector<16xf32>
      %broadcast_in_dim3A_301 = arith.constant 0.000000e+00 : f32
      %broadcast_in_dim3A_302 = vector.broadcast %broadcast_in_dim3A_301 : f32 to vector<16xf32>
      %broadcast_in_dim3A_303 = arith.constant 0.000000e+00 : f32
      %broadcast_in_dim3A_304 = vector.broadcast %broadcast_in_dim3A_303 : f32 to vector<16xf32>
      %broadcast_in_dim3A_305 = arith.constant 0.000000e+00 : f32
      %broadcast_in_dim3A_306 = vector.broadcast %broadcast_in_dim3A_305 : f32 to vector<16xf32>
      %broadcast_in_dim3A_307 = arith.constant 0.000000e+00 : f32
      %broadcast_in_dim3A_308 = vector.broadcast %broadcast_in_dim3A_307 : f32 to vector<16xf32>
      %broadcast_in_dim3A_309 = arith.constant 0.000000e+00 : f32
      %broadcast_in_dim3A_310 = vector.broadcast %broadcast_in_dim3A_309 : f32 to vector<16xf32>
      %broadcast_in_dim3A_311 = arith.constant 0.000000e+00 : f32
      %broadcast_in_dim3A_312 = vector.broadcast %broadcast_in_dim3A_311 : f32 to vector<16xf32>
      %while3A_313 = arith.constant 0 : i32
      %while3A_314 = arith.subi %shift_right_arithmetic3A_296, %while3A_313 : i32
      %while3A_315 = arith.addi %while3A_313, %while3A_314 : i32
      %while3A_316 = arith.constant 1 : i32
      %while3A_317 = arith.divsi %while3A_314, %while3A_316 : i32
      %while3A_318 = arith.muli %while3A_317, %while3A_316 : i32
      %while3A_319 = arith.addi %while3A_313, %while3A_318 : i32
      %while3A_320 = arith.constant 1 : i32
      %while3A_321:8 = scf.for %while3A_441 = %while3A_313 to %while3A_319 step %while3A_320 iter_args(%while3A_442 = %broadcast_in_dim3A_298, %while3A_443 = %broadcast_in_dim3A_300, %while3A_444 = %broadcast_in_dim3A_302, %while3A_445 = %broadcast_in_dim3A_304, %while3A_446 = %broadcast_in_dim3A_306, %while3A_447 = %broadcast_in_dim3A_308, %while3A_448 = %broadcast_in_dim3A_310, %while3A_449 = %broadcast_in_dim3A_312) -> (vector<16xf32>, vector<16xf32>, vector<16xf32>, vector<16xf32>, vector<16xf32>, vector<16xf32>, vector<16xf32>, vector<16xf32>)  : i32 {
        %mul3A_450 = arith.constant 2 : i32
        %mul3A_451 = arith.muli %mul3A_450, %while3A_441 : i32
        %add3A_452 = arith.constant 1 : i32
        %add3A_453 = arith.addi %mul3A_451, %add3A_452 : i32
        %mul3A_454 = arith.constant 2 : i32
        %mul3A_455 = arith.muli %mul3A_454, %while3A_441 : i32
        %get3A_456 = arith.index_cast %mul3A_455 : i32 to index
        %get3A_457 = arith.constant 0 : index
        %get3A_458 = tpu.vector_load %arg12[%get3A_456, %get3A_457] {strides = array<i32>} : memref<200x128xf32, #tpu.memory_space<vmem>>, vector<1x16xf32>,
        %get3A_459 = vector.shape_cast %get3A_458 : vector<1x16xf32> to vector<16xf32>
        %add3A_460 = arith.addf %while3A_442, %get3A_459 : vector<16xf32>
        %get3A_461 = arith.index_cast %mul3A_455 : i32 to index
        %get3A_462 = arith.constant 16 : index
        %get3A_463 = tpu.vector_load %arg12[%get3A_461, %get3A_462] {strides = array<i32>} : memref<200x128xf32, #tpu.memory_space<vmem>>, vector<1x16xf32>,
        %get3A_464 = vector.shape_cast %get3A_463 : vector<1x16xf32> to vector<16xf32>
        %add3A_465 = arith.addf %while3A_443, %get3A_464 : vector<16xf32>
        %get3A_466 = arith.index_cast %mul3A_455 : i32 to index
        %get3A_467 = arith.constant 32 : index
        %get3A_468 = tpu.vector_load %arg12[%get3A_466, %get3A_467] {strides = array<i32>} : memref<200x128xf32, #tpu.memory_space<vmem>>, vector<1x16xf32>,
        %get3A_469 = vector.shape_cast %get3A_468 : vector<1x16xf32> to vector<16xf32>
        %add3A_470 = arith.addf %while3A_444, %get3A_469 : vector<16xf32>
        %get3A_471 = arith.index_cast %mul3A_455 : i32 to index
        %get3A_472 = arith.constant 48 : index
        %get3A_473 = tpu.vector_load %arg12[%get3A_471, %get3A_472] {strides = array<i32>} : memref<200x128xf32, #tpu.memory_space<vmem>>, vector<1x16xf32>,
        %get3A_474 = vector.shape_cast %get3A_473 : vector<1x16xf32> to vector<16xf32>
        %add3A_475 = arith.addf %while3A_445, %get3A_474 : vector<16xf32>
        %get3A_476 = arith.index_cast %mul3A_455 : i32 to index
        %get3A_477 = arith.constant 64 : index
        %get3A_478 = tpu.vector_load %arg12[%get3A_476, %get3A_477] {strides = array<i32>} : memref<200x128xf32, #tpu.memory_space<vmem>>, vector<1x16xf32>,
        %get3A_479 = vector.shape_cast %get3A_478 : vector<1x16xf32> to vector<16xf32>
        %add3A_480 = arith.addf %while3A_446, %get3A_479 : vector<16xf32>
        %get3A_481 = arith.index_cast %mul3A_455 : i32 to index
        %get3A_482 = arith.constant 80 : index
        %get3A_483 = tpu.vector_load %arg12[%get3A_481, %get3A_482] {strides = array<i32>} : memref<200x128xf32, #tpu.memory_space<vmem>>, vector<1x16xf32>,
        %get3A_484 = vector.shape_cast %get3A_483 : vector<1x16xf32> to vector<16xf32>
        %add3A_485 = arith.addf %while3A_447, %get3A_484 : vector<16xf32>
        %get3A_486 = arith.index_cast %mul3A_455 : i32 to index
        %get3A_487 = arith.constant 96 : index
        %get3A_488 = tpu.vector_load %arg12[%get3A_486, %get3A_487] {strides = array<i32>} : memref<200x128xf32, #tpu.memory_space<vmem>>, vector<1x16xf32>,
        %get3A_489 = vector.shape_cast %get3A_488 : vector<1x16xf32> to vector<16xf32>
        %add3A_490 = arith.addf %while3A_448, %get3A_489 : vector<16xf32>
        %get3A_491 = arith.index_cast %mul3A_455 : i32 to index
        %get3A_492 = arith.constant 112 : index
        %get3A_493 = tpu.vector_load %arg12[%get3A_491, %get3A_492] {strides = array<i32>} : memref<200x128xf32, #tpu.memory_space<vmem>>, vector<1x16xf32>,
        %get3A_494 = vector.shape_cast %get3A_493 : vector<1x16xf32> to vector<16xf32>
        %add3A_495 = arith.addf %while3A_449, %get3A_494 : vector<16xf32>
        %get3A_496 = arith.index_cast %add3A_453 : i32 to index
        %get3A_497 = arith.constant 0 : index
        %get3A_498 = tpu.vector_load %arg12[%get3A_496, %get3A_497] {strides = array<i32>} : memref<200x128xf32, #tpu.memory_space<vmem>>, vector<1x16xf32>,
        %get3A_499 = vector.shape_cast %get3A_498 : vector<1x16xf32> to vector<16xf32>
        %add3A_500 = arith.addf %add3A_460, %get3A_499 : vector<16xf32>
        %get3A_501 = arith.index_cast %add3A_453 : i32 to index
        %get3A_502 = arith.constant 16 : index
        %get3A_503 = tpu.vector_load %arg12[%get3A_501, %get3A_502] {strides = array<i32>} : memref<200x128xf32, #tpu.memory_space<vmem>>, vector<1x16xf32>,
        %get3A_504 = vector.shape_cast %get3A_503 : vector<1x16xf32> to vector<16xf32>
        %add3A_505 = arith.addf %add3A_465, %get3A_504 : vector<16xf32>
        %get3A_506 = arith.index_cast %add3A_453 : i32 to index
        %get3A_507 = arith.constant 32 : index
        %get3A_508 = tpu.vector_load %arg12[%get3A_506, %get3A_507] {strides = array<i32>} : memref<200x128xf32, #tpu.memory_space<vmem>>, vector<1x16xf32>,
        %get3A_509 = vector.shape_cast %get3A_508 : vector<1x16xf32> to vector<16xf32>
        %add3A_510 = arith.addf %add3A_470, %get3A_509 : vector<16xf32>
        %get3A_511 = arith.index_cast %add3A_453 : i32 to index
        %get3A_512 = arith.constant 48 : index
        %get3A_513 = tpu.vector_load %arg12[%get3A_511, %get3A_512] {strides = array<i32>} : memref<200x128xf32, #tpu.memory_space<vmem>>, vector<1x16xf32>,
        %get3A_514 = vector.shape_cast %get3A_513 : vector<1x16xf32> to vector<16xf32>
        %add3A_515 = arith.addf %add3A_475, %get3A_514 : vector<16xf32>
        %get3A_516 = arith.index_cast %add3A_453 : i32 to index
        %get3A_517 = arith.constant 64 : index
        %get3A_518 = tpu.vector_load %arg12[%get3A_516, %get3A_517] {strides = array<i32>} : memref<200x128xf32, #tpu.memory_space<vmem>>, vector<1x16xf32>,
        %get3A_519 = vector.shape_cast %get3A_518 : vector<1x16xf32> to vector<16xf32>
        %add3A_520 = arith.addf %add3A_480, %get3A_519 : vector<16xf32>
        %get3A_521 = arith.index_cast %add3A_453 : i32 to index
        %get3A_522 = arith.constant 80 : index
        %get3A_523 = tpu.vector_load %arg12[%get3A_521, %get3A_522] {strides = array<i32>} : memref<200x128xf32, #tpu.memory_space<vmem>>, vector<1x16xf32>,
        %get3A_524 = vector.shape_cast %get3A_523 : vector<1x16xf32> to vector<16xf32>
        %add3A_525 = arith.addf %add3A_485, %get3A_524 : vector<16xf32>
        %get3A_526 = arith.index_cast %add3A_453 : i32 to index
        %get3A_527 = arith.constant 96 : index
        %get3A_528 = tpu.vector_load %arg12[%get3A_526, %get3A_527] {strides = array<i32>} : memref<200x128xf32, #tpu.memory_space<vmem>>, vector<1x16xf32>,
        %get3A_529 = vector.shape_cast %get3A_528 : vector<1x16xf32> to vector<16xf32>
        %add3A_530 = arith.addf %add3A_490, %get3A_529 : vector<16xf32>
        %get3A_531 = arith.index_cast %add3A_453 : i32 to index
        %get3A_532 = arith.constant 112 : index
        %get3A_533 = tpu.vector_load %arg12[%get3A_531, %get3A_532] {strides = array<i32>} : memref<200x128xf32, #tpu.memory_space<vmem>>, vector<1x16xf32>,
        %get3A_534 = vector.shape_cast %get3A_533 : vector<1x16xf32> to vector<16xf32>
        %add3A_535 = arith.addf %add3A_495, %get3A_534 : vector<16xf32>
        scf.yield %add3A_500, %add3A_505, %add3A_510, %add3A_515, %add3A_520, %add3A_525, %add3A_530, %add3A_535 : vector<16xf32>, vector<16xf32>, vector<16xf32>, vector<16xf32>, vector<16xf32>, vector<16xf32>, vector<16xf32>, vector<16xf32>
      }
      %while3A_322 = arith.constant 1 : i32
      %while3A_323:8 = scf.for %while3A_441 = %while3A_319 to %while3A_315 step %while3A_322 iter_args(%while3A_442 = %while3A_321#0, %while3A_443 = %while3A_321#1, %while3A_444 = %while3A_321#2, %while3A_445 = %while3A_321#3, %while3A_446 = %while3A_321#4, %while3A_447 = %while3A_321#5, %while3A_448 = %while3A_321#6, %while3A_449 = %while3A_321#7) -> (vector<16xf32>, vector<16xf32>, vector<16xf32>, vector<16xf32>, vector<16xf32>, vector<16xf32>, vector<16xf32>, vector<16xf32>)  : i32 {
        %mul3A_450 = arith.constant 2 : i32
        %mul3A_451 = arith.muli %mul3A_450, %while3A_441 : i32
        %add3A_452 = arith.constant 1 : i32
        %add3A_453 = arith.addi %mul3A_451, %add3A_452 : i32
        %mul3A_454 = arith.constant 2 : i32
        %mul3A_455 = arith.muli %mul3A_454, %while3A_441 : i32
        %get3A_456 = arith.index_cast %mul3A_455 : i32 to index
        %get3A_457 = arith.constant 0 : index
        %get3A_458 = tpu.vector_load %arg12[%get3A_456, %get3A_457] {strides = array<i32>} : memref<200x128xf32, #tpu.memory_space<vmem>>, vector<1x16xf32>,
        %get3A_459 = vector.shape_cast %get3A_458 : vector<1x16xf32> to vector<16xf32>
        %add3A_460 = arith.addf %while3A_442, %get3A_459 : vector<16xf32>
        %get3A_461 = arith.index_cast %mul3A_455 : i32 to index
        %get3A_462 = arith.constant 16 : index
        %get3A_463 = tpu.vector_load %arg12[%get3A_461, %get3A_462] {strides = array<i32>} : memref<200x128xf32, #tpu.memory_space<vmem>>, vector<1x16xf32>,
        %get3A_464 = vector.shape_cast %get3A_463 : vector<1x16xf32> to vector<16xf32>
        %add3A_465 = arith.addf %while3A_443, %get3A_464 : vector<16xf32>
        %get3A_466 = arith.index_cast %mul3A_455 : i32 to index
        %get3A_467 = arith.constant 32 : index
        %get3A_468 = tpu.vector_load %arg12[%get3A_466, %get3A_467] {strides = array<i32>} : memref<200x128xf32, #tpu.memory_space<vmem>>, vector<1x16xf32>,
        %get3A_469 = vector.shape_cast %get3A_468 : vector<1x16xf32> to vector<16xf32>
        %add3A_470 = arith.addf %while3A_444, %get3A_469 : vector<16xf32>
        %get3A_471 = arith.index_cast %mul3A_455 : i32 to index
        %get3A_472 = arith.constant 48 : index
        %get3A_473 = tpu.vector_load %arg12[%get3A_471, %get3A_472] {strides = array<i32>} : memref<200x128xf32, #tpu.memory_space<vmem>>, vector<1x16xf32>,
        %get3A_474 = vector.shape_cast %get3A_473 : vector<1x16xf32> to vector<16xf32>
        %add3A_475 = arith.addf %while3A_445, %get3A_474 : vector<16xf32>
        %get3A_476 = arith.index_cast %mul3A_455 : i32 to index
        %get3A_477 = arith.constant 64 : index
        %get3A_478 = tpu.vector_load %arg12[%get3A_476, %get3A_477] {strides = array<i32>} : memref<200x128xf32, #tpu.memory_space<vmem>>, vector<1x16xf32>,
        %get3A_479 = vector.shape_cast %get3A_478 : vector<1x16xf32> to vector<16xf32>
        %add3A_480 = arith.addf %while3A_446, %get3A_479 : vector<16xf32>
        %get3A_481 = arith.index_cast %mul3A_455 : i32 to index
        %get3A_482 = arith.constant 80 : index
        %get3A_483 = tpu.vector_load %arg12[%get3A_481, %get3A_482] {strides = array<i32>} : memref<200x128xf32, #tpu.memory_space<vmem>>, vector<1x16xf32>,
        %get3A_484 = vector.shape_cast %get3A_483 : vector<1x16xf32> to vector<16xf32>
        %add3A_485 = arith.addf %while3A_447, %get3A_484 : vector<16xf32>
        %get3A_486 = arith.index_cast %mul3A_455 : i32 to index
        %get3A_487 = arith.constant 96 : index
        %get3A_488 = tpu.vector_load %arg12[%get3A_486, %get3A_487] {strides = array<i32>} : memref<200x128xf32, #tpu.memory_space<vmem>>, vector<1x16xf32>,
        %get3A_489 = vector.shape_cast %get3A_488 : vector<1x16xf32> to vector<16xf32>
        %add3A_490 = arith.addf %while3A_448, %get3A_489 : vector<16xf32>
        %get3A_491 = arith.index_cast %mul3A_455 : i32 to index
        %get3A_492 = arith.constant 112 : index
        %get3A_493 = tpu.vector_load %arg12[%get3A_491, %get3A_492] {strides = array<i32>} : memref<200x128xf32, #tpu.memory_space<vmem>>, vector<1x16xf32>,
        %get3A_494 = vector.shape_cast %get3A_493 : vector<1x16xf32> to vector<16xf32>
        %add3A_495 = arith.addf %while3A_449, %get3A_494 : vector<16xf32>
        %get3A_496 = arith.index_cast %add3A_453 : i32 to index
        %get3A_497 = arith.constant 0 : index
        %get3A_498 = tpu.vector_load %arg12[%get3A_496, %get3A_497] {strides = array<i32>} : memref<200x128xf32, #tpu.memory_space<vmem>>, vector<1x16xf32>,
        %get3A_499 = vector.shape_cast %get3A_498 : vector<1x16xf32> to vector<16xf32>
        %add3A_500 = arith.addf %add3A_460, %get3A_499 : vector<16xf32>
        %get3A_501 = arith.index_cast %add3A_453 : i32 to index
        %get3A_502 = arith.constant 16 : index
        %get3A_503 = tpu.vector_load %arg12[%get3A_501, %get3A_502] {strides = array<i32>} : memref<200x128xf32, #tpu.memory_space<vmem>>, vector<1x16xf32>,
        %get3A_504 = vector.shape_cast %get3A_503 : vector<1x16xf32> to vector<16xf32>
        %add3A_505 = arith.addf %add3A_465, %get3A_504 : vector<16xf32>
        %get3A_506 = arith.index_cast %add3A_453 : i32 to index
        %get3A_507 = arith.constant 32 : index
        %get3A_508 = tpu.vector_load %arg12[%get3A_506, %get3A_507] {strides = array<i32>} : memref<200x128xf32, #tpu.memory_space<vmem>>, vector<1x16xf32>,
        %get3A_509 = vector.shape_cast %get3A_508 : vector<1x16xf32> to vector<16xf32>
        %add3A_510 = arith.addf %add3A_470, %get3A_509 : vector<16xf32>
        %get3A_511 = arith.index_cast %add3A_453 : i32 to index
        %get3A_512 = arith.constant 48 : index
        %get3A_513 = tpu.vector_load %arg12[%get3A_511, %get3A_512] {strides = array<i32>} : memref<200x128xf32, #tpu.memory_space<vmem>>, vector<1x16xf32>,
        %get3A_514 = vector.shape_cast %get3A_513 : vector<1x16xf32> to vector<16xf32>
        %add3A_515 = arith.addf %add3A_475, %get3A_514 : vector<16xf32>
        %get3A_516 = arith.index_cast %add3A_453 : i32 to index
        %get3A_517 = arith.constant 64 : index
        %get3A_518 = tpu.vector_load %arg12[%get3A_516, %get3A_517] {strides = array<i32>} : memref<200x128xf32, #tpu.memory_space<vmem>>, vector<1x16xf32>,
        %get3A_519 = vector.shape_cast %get3A_518 : vector<1x16xf32> to vector<16xf32>
        %add3A_520 = arith.addf %add3A_480, %get3A_519 : vector<16xf32>
        %get3A_521 = arith.index_cast %add3A_453 : i32 to index
        %get3A_522 = arith.constant 80 : index
        %get3A_523 = tpu.vector_load %arg12[%get3A_521, %get3A_522] {strides = array<i32>} : memref<200x128xf32, #tpu.memory_space<vmem>>, vector<1x16xf32>,
        %get3A_524 = vector.shape_cast %get3A_523 : vector<1x16xf32> to vector<16xf32>
        %add3A_525 = arith.addf %add3A_485, %get3A_524 : vector<16xf32>
        %get3A_526 = arith.index_cast %add3A_453 : i32 to index
        %get3A_527 = arith.constant 96 : index
        %get3A_528 = tpu.vector_load %arg12[%get3A_526, %get3A_527] {strides = array<i32>} : memref<200x128xf32, #tpu.memory_space<vmem>>, vector<1x16xf32>,
        %get3A_529 = vector.shape_cast %get3A_528 : vector<1x16xf32> to vector<16xf32>
        %add3A_530 = arith.addf %add3A_490, %get3A_529 : vector<16xf32>
        %get3A_531 = arith.index_cast %add3A_453 : i32 to index
        %get3A_532 = arith.constant 112 : index
        %get3A_533 = tpu.vector_load %arg12[%get3A_531, %get3A_532] {strides = array<i32>} : memref<200x128xf32, #tpu.memory_space<vmem>>, vector<1x16xf32>,
        %get3A_534 = vector.shape_cast %get3A_533 : vector<1x16xf32> to vector<16xf32>
        %add3A_535 = arith.addf %add3A_495, %get3A_534 : vector<16xf32>
        scf.yield %add3A_500, %add3A_505, %add3A_510, %add3A_515, %add3A_520, %add3A_525, %add3A_530, %add3A_535 : vector<16xf32>, vector<16xf32>, vector<16xf32>, vector<16xf32>, vector<16xf32>, vector<16xf32>, vector<16xf32>, vector<16xf32>
      }
      %and3A_324 = arith.constant 1 : i32
      %and3A_325 = arith.andi %squeeze3A_294, %and3A_324 : i32
      %convert_element_type3A_326 = arith.sitofp %and3A_325 : i32 to f32
      %broadcast_in_dim3A_327 = vector.broadcast %convert_element_type3A_326 : f32 to vector<16xf32>
      %sub3A_328 = arith.constant 1 : i32
      %sub3A_329 = arith.subi %squeeze3A_294, %sub3A_328 : i32
      %and3A_330 = arith.constant -2 : i32
      %and3A_331 = arith.andi %sub3A_329, %and3A_330 : i32
      %get3A_332 = arith.index_cast %and3A_331 : i32 to index
      %get3A_333 = arith.constant 0 : index
      %get3A_334 = tpu.vector_load %arg12[%get3A_332, %get3A_333] {strides = array<i32>} : memref<200x128xf32, #tpu.memory_space<vmem>>, vector<1x16xf32>,
      %get3A_335 = vector.shape_cast %get3A_334 : vector<1x16xf32> to vector<16xf32>
      %mul3A_336 = arith.mulf %get3A_335, %broadcast_in_dim3A_327 : vector<16xf32>
      %add3A_337 = arith.addf %while3A_323#0, %mul3A_336 : vector<16xf32>
      %get3A_338 = arith.index_cast %and3A_331 : i32 to index
      %get3A_339 = arith.constant 16 : index
      %get3A_340 = tpu.vector_load %arg12[%get3A_338, %get3A_339] {strides = array<i32>} : memref<200x128xf32, #tpu.memory_space<vmem>>, vector<1x16xf32>,
      %get3A_341 = vector.shape_cast %get3A_340 : vector<1x16xf32> to vector<16xf32>
      %mul3A_342 = arith.mulf %get3A_341, %broadcast_in_dim3A_327 : vector<16xf32>
      %add3A_343 = arith.addf %while3A_323#1, %mul3A_342 : vector<16xf32>
      %get3A_344 = arith.index_cast %and3A_331 : i32 to index
      %get3A_345 = arith.constant 32 : index
      %get3A_346 = tpu.vector_load %arg12[%get3A_344, %get3A_345] {strides = array<i32>} : memref<200x128xf32, #tpu.memory_space<vmem>>, vector<1x16xf32>,
      %get3A_347 = vector.shape_cast %get3A_346 : vector<1x16xf32> to vector<16xf32>
      %mul3A_348 = arith.mulf %get3A_347, %broadcast_in_dim3A_327 : vector<16xf32>
      %add3A_349 = arith.addf %while3A_323#2, %mul3A_348 : vector<16xf32>
      %get3A_350 = arith.index_cast %and3A_331 : i32 to index
      %get3A_351 = arith.constant 48 : index
      %get3A_352 = tpu.vector_load %arg12[%get3A_350, %get3A_351] {strides = array<i32>} : memref<200x128xf32, #tpu.memory_space<vmem>>, vector<1x16xf32>,
      %get3A_353 = vector.shape_cast %get3A_352 : vector<1x16xf32> to vector<16xf32>
      %mul3A_354 = arith.mulf %get3A_353, %broadcast_in_dim3A_327 : vector<16xf32>
      %add3A_355 = arith.addf %while3A_323#3, %mul3A_354 : vector<16xf32>
      %get3A_356 = arith.index_cast %and3A_331 : i32 to index
      %get3A_357 = arith.constant 64 : index
      %get3A_358 = tpu.vector_load %arg12[%get3A_356, %get3A_357] {strides = array<i32>} : memref<200x128xf32, #tpu.memory_space<vmem>>, vector<1x16xf32>,
      %get3A_359 = vector.shape_cast %get3A_358 : vector<1x16xf32> to vector<16xf32>
      %mul3A_360 = arith.mulf %get3A_359, %broadcast_in_dim3A_327 : vector<16xf32>
      %add3A_361 = arith.addf %while3A_323#4, %mul3A_360 : vector<16xf32>
      %get3A_362 = arith.index_cast %and3A_331 : i32 to index
      %get3A_363 = arith.constant 80 : index
      %get3A_364 = tpu.vector_load %arg12[%get3A_362, %get3A_363] {strides = array<i32>} : memref<200x128xf32, #tpu.memory_space<vmem>>, vector<1x16xf32>,
      %get3A_365 = vector.shape_cast %get3A_364 : vector<1x16xf32> to vector<16xf32>
      %mul3A_366 = arith.mulf %get3A_365, %broadcast_in_dim3A_327 : vector<16xf32>
      %add3A_367 = arith.addf %while3A_323#5, %mul3A_366 : vector<16xf32>
      %get3A_368 = arith.index_cast %and3A_331 : i32 to index
      %get3A_369 = arith.constant 96 : index
      %get3A_370 = tpu.vector_load %arg12[%get3A_368, %get3A_369] {strides = array<i32>} : memref<200x128xf32, #tpu.memory_space<vmem>>, vector<1x16xf32>,
      %get3A_371 = vector.shape_cast %get3A_370 : vector<1x16xf32> to vector<16xf32>
      %mul3A_372 = arith.mulf %get3A_371, %broadcast_in_dim3A_327 : vector<16xf32>
      %add3A_373 = arith.addf %while3A_323#6, %mul3A_372 : vector<16xf32>
      %get3A_374 = arith.index_cast %and3A_331 : i32 to index
      %get3A_375 = arith.constant 112 : index
      %get3A_376 = tpu.vector_load %arg12[%get3A_374, %get3A_375] {strides = array<i32>} : memref<200x128xf32, #tpu.memory_space<vmem>>, vector<1x16xf32>,
      %get3A_377 = vector.shape_cast %get3A_376 : vector<1x16xf32> to vector<16xf32>
      %mul3A_378 = arith.mulf %get3A_377, %broadcast_in_dim3A_327 : vector<16xf32>
      %add3A_379 = arith.addf %while3A_323#7, %mul3A_378 : vector<16xf32>
      %convert_element_type3A_380 = arith.sitofp %squeeze3A_294 : i32 to f32
      %broadcast_in_dim3A_381 = vector.broadcast %convert_element_type3A_380 : f32 to vector<16xf32>
      %div3A_382 = arith.constant 1.000000e+00 : f32
      %div3A_383 = vector.broadcast %div3A_382 : f32 to vector<16xf32>
      %div3A_384 = arith.divf %div3A_383, %broadcast_in_dim3A_381 : vector<16xf32>
      %mul3A_385 = arith.mulf %add3A_337, %div3A_384 : vector<16xf32>
      %swap3A_386 = arith.index_cast %add3A_289 : i32 to index
      %swap3A_387 = arith.constant 0 : index
      %swap3A_388 = tpu.vector_load %arg13[%swap3A_386, %swap3A_387] {strides = array<i32>} : memref<128x128xf32, #tpu.memory_space<vmem>>, vector<1x16xf32>,
      %swap3A_389 = vector.shape_cast %swap3A_388 : vector<1x16xf32> to vector<16xf32>
      %swap3A_390 = vector.shape_cast %mul3A_385 : vector<16xf32> to vector<1x16xf32>
      tpu.vector_store %arg13[%swap3A_386, %swap3A_387], %swap3A_390 {strides = array<i32>} : memref<128x128xf32, #tpu.memory_space<vmem>>, vector<1x16xf32>,
      %mul3A_391 = arith.mulf %add3A_343, %div3A_384 : vector<16xf32>
      %swap3A_392 = arith.index_cast %add3A_289 : i32 to index
      %swap3A_393 = arith.constant 16 : index
      %swap3A_394 = tpu.vector_load %arg13[%swap3A_392, %swap3A_393] {strides = array<i32>} : memref<128x128xf32, #tpu.memory_space<vmem>>, vector<1x16xf32>,
      %swap3A_395 = vector.shape_cast %swap3A_394 : vector<1x16xf32> to vector<16xf32>
      %swap3A_396 = vector.shape_cast %mul3A_391 : vector<16xf32> to vector<1x16xf32>
      tpu.vector_store %arg13[%swap3A_392, %swap3A_393], %swap3A_396 {strides = array<i32>} : memref<128x128xf32, #tpu.memory_space<vmem>>, vector<1x16xf32>,
      %mul3A_397 = arith.mulf %add3A_349, %div3A_384 : vector<16xf32>
      %swap3A_398 = arith.index_cast %add3A_289 : i32 to index
      %swap3A_399 = arith.constant 32 : index
      %swap3A_400 = tpu.vector_load %arg13[%swap3A_398, %swap3A_399] {strides = array<i32>} : memref<128x128xf32, #tpu.memory_space<vmem>>, vector<1x16xf32>,
      %swap3A_401 = vector.shape_cast %swap3A_400 : vector<1x16xf32> to vector<16xf32>
      %swap3A_402 = vector.shape_cast %mul3A_397 : vector<16xf32> to vector<1x16xf32>
      tpu.vector_store %arg13[%swap3A_398, %swap3A_399], %swap3A_402 {strides = array<i32>} : memref<128x128xf32, #tpu.memory_space<vmem>>, vector<1x16xf32>,
      %mul3A_403 = arith.mulf %add3A_355, %div3A_384 : vector<16xf32>
      %swap3A_404 = arith.index_cast %add3A_289 : i32 to index
      %swap3A_405 = arith.constant 48 : index
      %swap3A_406 = tpu.vector_load %arg13[%swap3A_404, %swap3A_405] {strides = array<i32>} : memref<128x128xf32, #tpu.memory_space<vmem>>, vector<1x16xf32>,
      %swap3A_407 = vector.shape_cast %swap3A_406 : vector<1x16xf32> to vector<16xf32>
      %swap3A_408 = vector.shape_cast %mul3A_403 : vector<16xf32> to vector<1x16xf32>
      tpu.vector_store %arg13[%swap3A_404, %swap3A_405], %swap3A_408 {strides = array<i32>} : memref<128x128xf32, #tpu.memory_space<vmem>>, vector<1x16xf32>,
      %mul3A_409 = arith.mulf %add3A_361, %div3A_384 : vector<16xf32>
      %swap3A_410 = arith.index_cast %add3A_289 : i32 to index
      %swap3A_411 = arith.constant 64 : index
      %swap3A_412 = tpu.vector_load %arg13[%swap3A_410, %swap3A_411] {strides = array<i32>} : memref<128x128xf32, #tpu.memory_space<vmem>>, vector<1x16xf32>,
      %swap3A_413 = vector.shape_cast %swap3A_412 : vector<1x16xf32> to vector<16xf32>
      %swap3A_414 = vector.shape_cast %mul3A_409 : vector<16xf32> to vector<1x16xf32>
      tpu.vector_store %arg13[%swap3A_410, %swap3A_411], %swap3A_414 {strides = array<i32>} : memref<128x128xf32, #tpu.memory_space<vmem>>, vector<1x16xf32>,
      %mul3A_415 = arith.mulf %add3A_367, %div3A_384 : vector<16xf32>
      %swap3A_416 = arith.index_cast %add3A_289 : i32 to index
      %swap3A_417 = arith.constant 80 : index
      %swap3A_418 = tpu.vector_load %arg13[%swap3A_416, %swap3A_417] {strides = array<i32>} : memref<128x128xf32, #tpu.memory_space<vmem>>, vector<1x16xf32>,
      %swap3A_419 = vector.shape_cast %swap3A_418 : vector<1x16xf32> to vector<16xf32>
      %swap3A_420 = vector.shape_cast %mul3A_415 : vector<16xf32> to vector<1x16xf32>
      tpu.vector_store %arg13[%swap3A_416, %swap3A_417], %swap3A_420 {strides = array<i32>} : memref<128x128xf32, #tpu.memory_space<vmem>>, vector<1x16xf32>,
      %mul3A_421 = arith.mulf %add3A_373, %div3A_384 : vector<16xf32>
      %swap3A_422 = arith.index_cast %add3A_289 : i32 to index
      %swap3A_423 = arith.constant 96 : index
      %swap3A_424 = tpu.vector_load %arg13[%swap3A_422, %swap3A_423] {strides = array<i32>} : memref<128x128xf32, #tpu.memory_space<vmem>>, vector<1x16xf32>,
      %swap3A_425 = vector.shape_cast %swap3A_424 : vector<1x16xf32> to vector<16xf32>
      %swap3A_426 = vector.shape_cast %mul3A_421 : vector<16xf32> to vector<1x16xf32>
      tpu.vector_store %arg13[%swap3A_422, %swap3A_423], %swap3A_426 {strides = array<i32>} : memref<128x128xf32, #tpu.memory_space<vmem>>, vector<1x16xf32>,
      %mul3A_427 = arith.mulf %add3A_379, %div3A_384 : vector<16xf32>
      %swap3A_428 = arith.index_cast %add3A_289 : i32 to index
      %swap3A_429 = arith.constant 112 : index
      %swap3A_430 = tpu.vector_load %arg13[%swap3A_428, %swap3A_429] {strides = array<i32>} : memref<128x128xf32, #tpu.memory_space<vmem>>, vector<1x16xf32>,
      %swap3A_431 = vector.shape_cast %swap3A_430 : vector<1x16xf32> to vector<16xf32>
      %swap3A_432 = vector.shape_cast %mul3A_427 : vector<16xf32> to vector<1x16xf32>
      tpu.vector_store %arg13[%swap3A_428, %swap3A_429], %swap3A_432 {strides = array<i32>} : memref<128x128xf32, #tpu.memory_space<vmem>>, vector<1x16xf32>,
      %add3A_433 = arith.constant 3 : i32
      %add3A_434 = arith.addi %mul3A_102, %add3A_433 : i32
      %lt3A_435 = arith.constant 128 : i32
      %lt3A_436 = arith.cmpi slt, %add3A_434, %lt3A_435 : i32
      %convert_element_type3A_437 = arith.extui %lt3A_436 : i1 to i32
      %cond3A_438 = arith.constant 0 : i32
      %cond3A_439 = arith.cmpi ne, %convert_element_type3A_437, %cond3A_438 : i32
      scf.if %cond3A_439 {
        %add3A_441 = arith.constant 3 : i32
        %add3A_442 = arith.addi %mul3A_102, %add3A_441 : i32
        %add3A_443 = arith.constant 3 : i32
        %add3A_444 = arith.addi %mul3A_102, %add3A_443 : i32
        %get3A_445 = arith.index_cast %add3A_444 : i32 to index
        %get3A_446 = tpu.vector_load %arg10[%get3A_445] {strides = array<i32>} : memref<144xi32, #tpu.memory_space<vmem>>, vector<16xi32>,
        %get3A_447 = vector.shape_cast %get3A_446 : vector<16xi32> to vector<16xi32>
        %slice3A_448 = vector.extract_strided_slice %get3A_447 {offsets = [0], sizes = [1], strides = [1]} : vector<16xi32> to vector<1xi32>
        %squeeze3A_449 = vector.extract %slice3A_448[0] : i32 from vector<1xi32>
        %add3A_450 = arith.constant 7 : i32
        %add3A_451 = arith.addi %squeeze3A_449, %add3A_450 : i32
        %shift_right_logical3A_452 = arith.constant 3 : i32
        %shift_right_logical3A_453 = arith.shrui %add3A_451, %shift_right_logical3A_452 : i32
        %while3A_454 = arith.constant 0 : i32
        %while3A_455 = arith.constant 0 : i32
        %while3A_456 = arith.subi %shift_right_logical3A_453, %while3A_454 : i32
        %while3A_457 = arith.addi %while3A_454, %while3A_456 : i32
        %while3A_458 = arith.constant 1 : i32
        %while3A_459 = arith.divsi %while3A_456, %while3A_458 : i32
        %while3A_460 = arith.muli %while3A_459, %while3A_458 : i32
        %while3A_461 = arith.addi %while3A_454, %while3A_460 : i32
        %while3A_462 = arith.constant 1 : i32
        %while3A_463 = scf.for %while3A_466 = %while3A_454 to %while3A_461 step %while3A_462 iter_args(%while3A_467 = %while3A_455) -> (i32)  : i32 {
          %mul3A_468 = arith.constant 200 : i32
          %mul3A_469 = arith.muli %mul3A_468, %add3A_442 : i32
          %mul3A_470 = arith.constant 8 : i32
          %mul3A_471 = arith.muli %mul3A_470, %while3A_466 : i32
          %add3A_472 = arith.addi %mul3A_469, %mul3A_471 : i32
          %mul3A_473 = arith.constant 8 : i32
          %mul3A_474 = arith.muli %while3A_466, %mul3A_473 : i32
          %dma_start3A = arith.constant 0 : i32
          %dma_start3A_475 = tpu.memref_slice %arg12[%mul3A_474, %dma_start3A] : memref<200x128xf32, #tpu.memory_space<vmem>> -> memref<8x128xf32, #tpu.memory_space<vmem>>
          %dma_start3A_476 = tpu.memref_slice %arg9[%add3A_472] : memref<25600xi32, #tpu.memory_space<vmem>> -> memref<8xi32, #tpu.memory_space<vmem>>
          %dma_start3A_477 = arith.constant 0 : i32
          %dma_start3A_478 = arith.constant 0 : i32
          %dma_start3A_479 = tpu.memref_slice %arg6[%dma_start3A_477, %dma_start3A_478] : memref<100000x128xf32, #tpu.memory_space<hbm>> -> memref<100000x128xf32, #tpu.memory_space<hbm>>
          tpu.enqueue_indirect_dma source(%dma_start3A_479 : memref<100000x128xf32, #tpu.memory_space<hbm>>) target(%dma_start3A_475 : memref<8x128xf32, #tpu.memory_space<vmem>>) offsets(%dma_start3A_476 : memref<8xi32, #tpu.memory_space<vmem>>) semaphore(%arg15 : memref<!tpu.dma_semaphore, #tpu.memory_space<semaphore_mem>>)
          %while3A_480 = arith.constant 0 : i32
          scf.yield %while3A_480 : i32
        }
        %while3A_464 = arith.constant 1 : i32
        %while3A_465 = scf.for %while3A_466 = %while3A_461 to %while3A_457 step %while3A_464 iter_args(%while3A_467 = %while3A_463) -> (i32)  : i32 {
          %mul3A_468 = arith.constant 200 : i32
          %mul3A_469 = arith.muli %mul3A_468, %add3A_442 : i32
          %mul3A_470 = arith.constant 8 : i32
          %mul3A_471 = arith.muli %mul3A_470, %while3A_466 : i32
          %add3A_472 = arith.addi %mul3A_469, %mul3A_471 : i32
          %mul3A_473 = arith.constant 8 : i32
          %mul3A_474 = arith.muli %while3A_466, %mul3A_473 : i32
          %dma_start3A = arith.constant 0 : i32
          %dma_start3A_475 = tpu.memref_slice %arg12[%mul3A_474, %dma_start3A] : memref<200x128xf32, #tpu.memory_space<vmem>> -> memref<8x128xf32, #tpu.memory_space<vmem>>
          %dma_start3A_476 = tpu.memref_slice %arg9[%add3A_472] : memref<25600xi32, #tpu.memory_space<vmem>> -> memref<8xi32, #tpu.memory_space<vmem>>
          %dma_start3A_477 = arith.constant 0 : i32
          %dma_start3A_478 = arith.constant 0 : i32
          %dma_start3A_479 = tpu.memref_slice %arg6[%dma_start3A_477, %dma_start3A_478] : memref<100000x128xf32, #tpu.memory_space<hbm>> -> memref<100000x128xf32, #tpu.memory_space<hbm>>
          tpu.enqueue_indirect_dma source(%dma_start3A_479 : memref<100000x128xf32, #tpu.memory_space<hbm>>) target(%dma_start3A_475 : memref<8x128xf32, #tpu.memory_space<vmem>>) offsets(%dma_start3A_476 : memref<8xi32, #tpu.memory_space<vmem>>) semaphore(%arg15 : memref<!tpu.dma_semaphore, #tpu.memory_space<semaphore_mem>>)
          %while3A_480 = arith.constant 0 : i32
          scf.yield %while3A_480 : i32
        }
      } else {
      }
      %scan3A_440 = arith.constant 0 : i32
      scf.yield %scan3A_440 : i32
    }
    %scan3A_98 = arith.constant 64 : i32
    "tpu.region"() ({
      %run_scoped3A = tpu.sem_alloc : memref<!tpu.dma_semaphore, #tpu.memory_space<semaphore_mem>>
      %dma_start3A = arith.constant 0 : i32
      %dma_start3A_99 = tpu.memref_slice %arg8[%mul3A_2, %dma_start3A] : memref<4096x128xf32, #tpu.memory_space<hbm>> -> memref<128x128xf32, #tpu.memory_space<hbm>>
      %dma_start3A_100 = arith.constant 0 : i32
      %dma_start3A_101 = tpu.memref_slice %arg8[%mul3A_2, %dma_start3A_100] : memref<4096x128xf32, #tpu.memory_space<hbm>> -> memref<128x128xf32, #tpu.memory_space<hbm>>
      tpu.enqueue_dma source(%arg13 : memref<128x128xf32, #tpu.memory_space<vmem>>) target(%dma_start3A_101 : memref<128x128xf32, #tpu.memory_space<hbm>>) target_semaphore(%run_scoped3A : memref<!tpu.dma_semaphore, #tpu.memory_space<semaphore_mem>>)
      %dma_wait3A = arith.constant 0 : i32
      %dma_wait3A_102 = tpu.memref_slice %arg8[%mul3A_2, %dma_wait3A] : memref<4096x128xf32, #tpu.memory_space<hbm>> -> memref<128x128xf32, #tpu.memory_space<hbm>>
      %dma_wait3A_103 = arith.constant 0 : i32
      %dma_wait3A_104 = tpu.memref_slice %arg8[%mul3A_2, %dma_wait3A_103] : memref<4096x128xf32, #tpu.memory_space<hbm>> -> memref<128x128xf32, #tpu.memory_space<hbm>>
      tpu.wait_dma2 semaphore(%run_scoped3A : memref<!tpu.dma_semaphore, #tpu.memory_space<semaphore_mem>>) src(%arg13 : memref<128x128xf32, #tpu.memory_space<vmem>>) dst(%dma_wait3A_104 : memref<128x128xf32, #tpu.memory_space<hbm>>)
      tpu.yield
    }) : () -> ()
    return
  }
}

module attributes {stable_mosaic.version = 14 : i64} {
  func.func @_mlp_body(%arg0: i32, %arg1: memref<512x128xf32, #tpu.memory_space<vmem>>, %arg2: memref<512x128xf32, #tpu.memory_space<vmem>>, %arg3: memref<512x2048xf32, #tpu.memory_space<vmem>>, %arg4: memref<1x2048xf32, #tpu.memory_space<vmem>>, %arg5: memref<2048x2048xf32, #tpu.memory_space<vmem>>, %arg6: memref<1x2048xf32, #tpu.memory_space<vmem>>, %arg7: memref<2048x128xf32, #tpu.memory_space<vmem>>, %arg8: memref<1x128xf32, #tpu.memory_space<vmem>>, %arg9: memref<512x128xf32, #tpu.memory_space<vmem>>) attributes {dimension_semantics = [#tpu.dimension_semantics<arbitrary>], iteration_bounds = array<i64: 8>, scalar_prefetch = 0 : i64, scratch_operands = 0 : i64, tpu.core_type = #tpu.core_type<tc>, window_params = [{transform_indices = @transform_0, window_bounds = array<i64: 512, 128>}, {transform_indices = @transform_1, window_bounds = array<i64: 512, 128>}, {pipeline_mode = #tpu.pipeline_mode<synchronous>, transform_indices = @transform_2, window_bounds = array<i64: 512, 2048>}, {pipeline_mode = #tpu.pipeline_mode<synchronous>, transform_indices = @transform_3, window_bounds = array<i64: 1, 2048>}, {pipeline_mode = #tpu.pipeline_mode<synchronous>, transform_indices = @transform_4, window_bounds = array<i64: 2048, 2048>}, {pipeline_mode = #tpu.pipeline_mode<synchronous>, transform_indices = @transform_5, window_bounds = array<i64: 1, 2048>}, {pipeline_mode = #tpu.pipeline_mode<synchronous>, transform_indices = @transform_6, window_bounds = array<i64: 2048, 128>}, {pipeline_mode = #tpu.pipeline_mode<synchronous>, transform_indices = @transform_7, window_bounds = array<i64: 1, 128>}, {transform_indices = @transform_8, window_bounds = array<i64: 512, 128>}]} {
    %get3A = arith.constant 0 : index
    %get3A_0 = arith.constant 0 : index
    %get3A_1 = vector.load %arg1[%get3A, %get3A_0] : memref<512x128xf32, #tpu.memory_space<vmem>>, vector<512x128xf32>
    %get3A_2 = arith.constant 0 : index
    %get3A_3 = arith.constant 0 : index
    %get3A_4 = vector.load %arg2[%get3A_2, %get3A_3] : memref<512x128xf32, #tpu.memory_space<vmem>>, vector<512x128xf32>
    %sub3A = arith.subf %get3A_1, %get3A_4 : vector<512x128xf32>
    %abs3A = math.absf %sub3A : vector<512x128xf32>
    %mul3A = arith.mulf %get3A_1, %get3A_4 : vector<512x128xf32>
    %concatenate3A = tpu.concatenate %get3A_1, %get3A_4, %abs3A, %mul3A in 1 : vector<512x128xf32>, vector<512x128xf32>, vector<512x128xf32>, vector<512x128xf32> -> vector<512x512xf32>
    %get3A_5 = arith.constant 0 : index
    %get3A_6 = arith.constant 0 : index
    %get3A_7 = vector.load %arg3[%get3A_5, %get3A_6] : memref<512x2048xf32, #tpu.memory_space<vmem>>, vector<512x2048xf32>
    %dot_general3A = arith.constant dense<0.000000e+00> : vector<512x2048xf32>
    %dot_general3A_8 = tpu.matmul %concatenate3A, %get3A_7, %dot_general3A {dimension_numbers = #tpu.dot_dimension_numbers<[1], [0], [0], [1], [0, 0, 1, 1], [], []>, transpose_lhs_hint = false} : vector<512x512xf32>, vector<512x2048xf32>, vector<512x2048xf32> -> vector<512x2048xf32>
    %get3A_9 = arith.constant 0 : index
    %get3A_10 = arith.constant 0 : index
    %get3A_11 = vector.load %arg4[%get3A_9, %get3A_10] : memref<1x2048xf32, #tpu.memory_space<vmem>>, vector<1x2048xf32>
    %add3A = vector.broadcast %get3A_11 : vector<1x2048xf32> to vector<512x2048xf32>
    %add3A_12 = arith.addf %dot_general3A_8, %add3A : vector<512x2048xf32>
    %get3A_13 = arith.constant 0 : index
    %get3A_14 = arith.constant 0 : index
    %get3A_15 = vector.load %arg5[%get3A_13, %get3A_14] : memref<2048x2048xf32, #tpu.memory_space<vmem>>, vector<2048x2048xf32>
    %dot_general3A_16 = arith.constant dense<0.000000e+00> : vector<512x2048xf32>
    %dot_general3A_17 = tpu.matmul %add3A_12, %get3A_15, %dot_general3A_16 {dimension_numbers = #tpu.dot_dimension_numbers<[1], [0], [0], [1], [0, 0, 1, 1], [], []>, transpose_lhs_hint = false} : vector<512x2048xf32>, vector<2048x2048xf32>, vector<512x2048xf32> -> vector<512x2048xf32>
    %get3A_18 = arith.constant 0 : index
    %get3A_19 = arith.constant 0 : index
    %get3A_20 = vector.load %arg6[%get3A_18, %get3A_19] : memref<1x2048xf32, #tpu.memory_space<vmem>>, vector<1x2048xf32>
    %add3A_21 = vector.broadcast %get3A_20 : vector<1x2048xf32> to vector<512x2048xf32>
    %add3A_22 = arith.addf %dot_general3A_17, %add3A_21 : vector<512x2048xf32>
    %get3A_23 = arith.constant 0 : index
    %get3A_24 = arith.constant 0 : index
    %get3A_25 = vector.load %arg7[%get3A_23, %get3A_24] : memref<2048x128xf32, #tpu.memory_space<vmem>>, vector<2048x128xf32>
    %dot_general3A_26 = arith.constant dense<0.000000e+00> : vector<512x128xf32>
    %dot_general3A_27 = tpu.matmul %add3A_22, %get3A_25, %dot_general3A_26 {dimension_numbers = #tpu.dot_dimension_numbers<[1], [0], [0], [1], [0, 0, 1, 1], [], []>, transpose_lhs_hint = false} : vector<512x2048xf32>, vector<2048x128xf32>, vector<512x128xf32> -> vector<512x128xf32>
    %get3A_28 = arith.constant 0 : index
    %get3A_29 = arith.constant 0 : index
    %get3A_30 = vector.load %arg8[%get3A_28, %get3A_29] : memref<1x128xf32, #tpu.memory_space<vmem>>, vector<1x128xf32>
    %add3A_31 = vector.broadcast %get3A_30 : vector<1x128xf32> to vector<512x128xf32>
    %add3A_32 = arith.addf %dot_general3A_27, %add3A_31 : vector<512x128xf32>
    %swap3A = arith.constant 0 : index
    %swap3A_33 = arith.constant 0 : index
    %swap3A_34 = vector.load %arg9[%swap3A, %swap3A_33] : memref<512x128xf32, #tpu.memory_space<vmem>>, vector<512x128xf32>
    tpu.vector_store %arg9[%swap3A, %swap3A_33], %add3A_32 {strides = array<i32>} : memref<512x128xf32, #tpu.memory_space<vmem>>, vector<512x128xf32>,
    return
  }
  func.func @transform_0(%arg0: i32) -> (i32, i32) {
    %c0_i32 = arith.constant 0 : i32
    %c0_i32_0 = arith.constant 0 : i32
    return %arg0, %c0_i32 : i32, i32
  }
  func.func @transform_1(%arg0: i32) -> (i32, i32) {
    %c0_i32 = arith.constant 0 : i32
    %c0_i32_0 = arith.constant 0 : i32
    return %arg0, %c0_i32 : i32, i32
  }
  func.func @transform_2(%arg0: i32) -> (i32, i32) {
    %c0_i32 = arith.constant 0 : i32
    %c0_i32_0 = arith.constant 0 : i32
    %c0_i32_1 = arith.constant 0 : i32
    return %c0_i32, %c0_i32_0 : i32, i32
  }
  func.func @transform_3(%arg0: i32) -> (i32, i32) {
    %c0_i32 = arith.constant 0 : i32
    %c0_i32_0 = arith.constant 0 : i32
    %c0_i32_1 = arith.constant 0 : i32
    return %c0_i32, %c0_i32_0 : i32, i32
  }
  func.func @transform_4(%arg0: i32) -> (i32, i32) {
    %c0_i32 = arith.constant 0 : i32
    %c0_i32_0 = arith.constant 0 : i32
    %c0_i32_1 = arith.constant 0 : i32
    return %c0_i32, %c0_i32_0 : i32, i32
  }
  func.func @transform_5(%arg0: i32) -> (i32, i32) {
    %c0_i32 = arith.constant 0 : i32
    %c0_i32_0 = arith.constant 0 : i32
    %c0_i32_1 = arith.constant 0 : i32
    return %c0_i32, %c0_i32_0 : i32, i32
  }
  func.func @transform_6(%arg0: i32) -> (i32, i32) {
    %c0_i32 = arith.constant 0 : i32
    %c0_i32_0 = arith.constant 0 : i32
    %c0_i32_1 = arith.constant 0 : i32
    return %c0_i32, %c0_i32_0 : i32, i32
  }
  func.func @transform_7(%arg0: i32) -> (i32, i32) {
    %c0_i32 = arith.constant 0 : i32
    %c0_i32_0 = arith.constant 0 : i32
    %c0_i32_1 = arith.constant 0 : i32
    return %c0_i32, %c0_i32_0 : i32, i32
  }
  func.func @transform_8(%arg0: i32) -> (i32, i32) {
    %c0_i32 = arith.constant 0 : i32
    %c0_i32_0 = arith.constant 0 : i32
    return %arg0, %c0_i32 : i32, i32
  }
}

</mosaic_0001>

<sc_bundles>
// kernel: kernel.4.cloned.1.call-start
scs
__scs_entry_jumppad:
0x0: {  	(pc) =	sbr.rel $0x88, $3  }
0x1: {  	(tag) =	ssettag $0x0;
	lr =	simm.s32 $0x1  }
0x2: {  	[smem:$0x3F96] =	sst lr;
	_ =	strace $0xD0000000  }
0x3: {  	_ = 	snop  }
0x4: {  	_ = 	snop  }
0x5: {  	_ = 	snop  }
0x6: {  	_ = 	snop  }
0x7: {  	_ = 	snop  }
__scs_overlays_trampoline_lowered:
0x8: {  	[smem:$0x3FA5] =	sst s0  }
0x9: {  	[smem:$0x3FA6] =	sst s1  }
0xa: {  	[smem:$0x3FA7] =	sst s2  }
0xb: {  	[smem:$0x3FA8] =	sst s3  }
0xc: {  	[smem:$0x3FA9] =	sst s4  }
0xd: {  	[smem:$0x3FAA] =	sst s5  }
0xe: {  	[smem:$0x3FAB] =	sst s6  }
0xf: {  	[smem:$0x3FAC] =	sst s7  }
0x10: {  	[smem:$0x3FAD] =	sst s8  }
0x11: {  	[smem:$0x3FAE] =	sst s9;
	s0 =	simm.s32 @!p0 $0x0  }
0x12: {  	s1 =	sld [smem:$0x3F94];
	s0 =	simm.s32 @p0 $0x1  }
0x13: {  	[smem:$0x3FAF] =	sst s0;
	s0 =	simm.s32 @!p1 $0x0  }
0x14: {  	s2 =	sld [smem:$0x3F93];
	s0 =	simm.s32 @p1 $0x1  }
0x15: {  	[smem:$0x3FB0] =	sst s0;
	s0 =	simm.s32 @!p2 $0x0  }
0x16: {  	s3 =	sld [smem:$0x3FDB];
	s0 =	simm.s32 @p2 $0x1  }
0x17: {  	s4 =	simm.s32 $0x1BF5;
	[smem:$0x3FB2] =	sst s0  }
0x18: {  	s0 =	sld [smem:$0x3F95];
	_ =	swait.ge [sflag:s4], $0x0  }
0x19: {  	s7 =	sld [smem:$0x3F96]  }
0x1a: {  	s8 =	sadd.s32 $0xFFFFE003, lr  }
0x1b: {  	s9 =	sadd.s32 $0xFFFFFEF7, lr;
	s5 =	simm.s32 $0xFFFFFFFF;
	p2 =	slt.u32 s8, $0xFFFFF086  }
0x1c: {  	p1 =	slt.u32 s9, $0xF7A;
	s5 =	simm.s32 @!p2 $0x0  }
0x1d: {  	s5 =	simm.s32 @p1 $0x1;
	p0 =	seq.s32 s7, s2  }
0x1e: {  	s7 =	smul.u32 @!p0 $0xF7A, s2;
	p2 =	seq.s32 @!p0 s5, $0x0  }
0x1f: {  	s9 =	smul.u32 $0xF7A, s1;
	s8 =	simm.s32 @!p0 $0x1BF5;
	p2 =	por !p2, p0  }
0x20: {  	[sflag:s8] =	ssyncset.s32 @!p0 $0xFFFFF086;
	s6 =	sadd.s32 @!p0 s3, s7;
	s7 =	simm.s32 @!p0 $0x108  }
0x21: {  	s3 =	sadd.s32 s3, s9;
	s6 =	sadd.s32 @!p0 $0x88, s6;
	s7 =	simm.s32 @p2 $0x1082  }
0x22: {  	[simem:s7], [sflag:s8] =	dma.local @!p0 [hbm:s6], $0xF7A  }
0x23: {  	s9 =	sor.u32 $0xD0000000, s2;
	s6 =	simm.s32 $0x108;
	_ =	swait.ge @!p0 [sflag:s8], $0x0  }
0x24: {  	s3 =	sadd.s32 $0x88, s3;
	s6 =	simm.s32 @!p1 $0x1082;
	[sflag:s4] =	ssyncset.s32 $0xFFFFF086  }
0x25: {  	[simem:s6], [sflag:s4] =	dma.local [hbm:s3], $0xF7A  }
0x26: {  	[smem:$0x3F96] =	sst s1;
	(tag) =	ssettag s2;
	_ =	strace s9  }
0x27: {  	s1 =	sld [smem:$0x3FA6]  }
0x28: {  	s2 =	sld [smem:$0x3FA7]  }
0x29: {  	s4 =	sld [smem:$0x3FA9]  }
0x2a: {  	p0 =	seq.s32 s5, $0x0;
	s5 =	sld [smem:$0x3FAA]  }
0x2b: {  	s6 =	sld [smem:$0x3FAB]  }
0x2c: {  	s7 =	sld [smem:$0x3FAC]  }
0x2d: {  	s3 =	simm.s32 $0x108;
	s8 =	sld [smem:$0x3FAD]  }
0x2e: {  	s3 =	simm.s32 @!p0 $0x1082;
	s9 =	sld [smem:$0x3FAE]  }
0x2f: {  	lr =	sadd.s32 s0, s3;
	s0 =	sld [smem:$0x3FA5]  }
0x30: {  	s3 =	sld [smem:$0x3FA8]  }
0x31: {  	[smem:$0x3FB1] =	sst s10  }
0x32: {  	s10 =	sld [smem:$0x3FAF];
	_ =	sdelay $0x3  }
0x33: {  	p0 =	seq.s32 s10, $0x1;
	s10 =	sld [smem:$0x3FB1];
	_ =	sdelay $0x3  }
0x34: {  	[smem:$0x3FB1] =	sst s10  }
0x35: {  	s10 =	sld [smem:$0x3FB0];
	_ =	sdelay $0x3  }
0x36: {  	p1 =	seq.s32 s10, $0x1;
	s10 =	sld [smem:$0x3FB1];
	_ =	sdelay $0x3  }
0x37: {  	[smem:$0x3FB1] =	sst s10  }
0x38: {  	s10 =	sld [smem:$0x3FB2]  }
0x39: {  	_ = 	snop;
	(pc) =	sbr.ind lr, $3  }
0x3a: {  	_ = 	snop  }
0x3b: {  	_ = 	snop  }
0x3c: {  	p2 =	seq.s32 s10, $0x1;
	s10 =	sld [smem:$0x3FB1]  }
0x3d: {  	_ =	shalt  }
0x3e: {  	_ =	shalt  }
0x3f: {  	_ =	shalt  }
0x40: {  	_ =	shalt  }
0x41: {  	_ =	shalt  }
0x42: {  	_ =	shalt  }
0x43: {  	_ =	shalt  }
0x44: {  	_ =	shalt  }
0x45: {  	_ =	shalt  }
0x46: {  	_ =	shalt  }
0x47: {  	_ =	shalt  }
0x48: {  	_ =	shalt  }
0x49: {  	_ =	shalt  }
0x4a: {  	_ =	shalt  }
0x4b: {  	_ =	shalt  }
0x4c: {  	_ =	shalt  }
0x4d: {  	_ =	shalt  }
0x4e: {  	_ =	shalt  }
0x4f: {  	_ =	shalt  }
0x50: {  	_ =	shalt  }
0x51: {  	_ =	shalt  }
0x52: {  	_ =	shalt  }
0x53: {  	_ =	shalt  }
0x54: {  	_ =	shalt  }
0x55: {  	_ =	shalt  }
0x56: {  	_ =	shalt  }
0x57: {  	_ =	shalt  }
0x58: {  	_ =	shalt  }
0x59: {  	_ =	shalt  }
0x5a: {  	_ =	shalt  }
0x5b: {  	_ =	shalt  }
0x5c: {  	_ =	shalt  }
0x5d: {  	_ =	shalt  }
0x5e: {  	_ =	shalt  }
0x5f: {  	_ =	shalt  }
0x60: {  	_ =	shalt  }
0x61: {  	_ =	shalt  }
0x62: {  	_ =	shalt  }
0x63: {  	_ =	shalt  }
0x64: {  	_ =	shalt  }
0x65: {  	_ =	shalt  }
0x66: {  	_ =	shalt  }
0x67: {  	_ =	shalt  }
0x68: {  	_ =	shalt  }
0x69: {  	_ =	shalt  }
0x6a: {  	_ =	shalt  }
0x6b: {  	_ =	shalt  }
0x6c: {  	_ =	shalt  }
0x6d: {  	_ =	shalt  }
0x6e: {  	_ =	shalt  }
0x6f: {  	_ =	shalt  }
0x70: {  	_ =	shalt  }
0x71: {  	_ =	shalt  }
0x72: {  	_ =	shalt  }
0x73: {  	_ =	shalt  }
0x74: {  	_ =	shalt  }
0x75: {  	_ =	shalt  }
0x76: {  	_ =	shalt  }
0x77: {  	_ =	shalt  }
0x78: {  	_ =	shalt  }
0x79: {  	_ =	shalt  }
0x7a: {  	_ =	shalt  }
0x7b: {  	_ =	shalt  }
0x7c: {  	_ =	shalt  }
0x7d: {  	_ =	shalt  }
0x7e: {  	_ =	shalt  }
0x7f: {  	_ =	shalt  }
0x80: {  	_ =	shalt  }
0x81: {  	_ =	shalt  }
0x82: {  	_ =	shalt  }
0x83: {  	_ =	shalt  }
0x84: {  	_ =	shalt  }
0x85: {  	_ =	shalt  }
0x86: {  	_ =	shalt  }
0x87: {  	_ =	shalt  }
.Lfunc_end0:
.L_simem_size_0:
called_computation_lowered:
.L_overlay_start_0:
0x88: {  	s2 =	sld [smem:$0x3FD9]  }
0x89: {  	s3 =	sld [smem:$0x3FFE];
	_ =	sdelay $0x1  }
0x8a: {  	s1 =	srdreg.scid  }
0x8b: {  	s0 =	sand.u32 $0x1, s1  }
0x8c: {  	s17 =	sshll.u32 s0, $0xA;
	s2 =	sadd.s32 s3, s2  }
0x8d: {  	s2 =	sadd.s32 s2, s17  }
0x8e: {  	[smem:$0x3FBD] =	sst s2  }
0x8f: {  	_ = 	snop  }
0x90: {  	s2 =	sld [smem:$0x3FC8]  }
0x91: {  	s18 =	sld [smem:$0x3FC6]  }
0x92: {  	s4 =	sld [smem:$0x3FC5];
	(tm) =	ssettm $0x1  }
0x93: {  	s5 =	sld [smem:$0x3FFB];
	_ =	sdelay $0x3  }
0x94: {  	_ =	strace s5  }
0x95: {  	s5 =	sld [smem:$0x3FFC];
	_ =	sdelay $0x3  }
0x96: {  	_ =	strace s5  }
0x97: {  	s5 =	sld [smem:$0x3FFD];
	_ =	sdelay $0x3  }
0x98: {  	_ =	strace s5  }
0x99: {  	_ =	strace $0x8FFFFFFF  }
0x9a: {  	s19 =	sld [smem:$0x3FDB];
	_ =	sdelay $0x1  }
0x9b: {  	s6 =	simm.s32 $_scs_section_size  }
0x9c: {  	s7 =	simm.s32 $_size__tile_overlayer_lowered;
	s8 =	simm.s32 $_tile_overlayer_lowered  }
0x9d: {  	s22 =	simm.s32 $0x1BFF;
	s21 =	sshll.u32 s8, $0x1;
	s5 =	sadd.s32 s6, s19  }
0x9e: {  	s9 =	simm.s32 $0x0;
	s20 =	sshll.u32 s7, $0x1;
	s7 =	sadd.s32 s21, s5  }
0x9f: {  	[timem:s9], [sflag:s22] =	dma.local [hbm:s7], s20  }
0xa0: {  	_ =	swait.ge [sflag:s22], s20  }
0xa1: {  	s6 =	ssub.s32 $0x0, s20;
	[sflag:s22] =	ssyncset.done $0x0  }
0xa2: {  	[sflag:s22] =	ssyncadd.s32 s6;
	_ =	sdelay $0x1  }
0xa3: {  	s23 =	simm.s32 $0x1B8B  }
0xa4: {  	_ =	swait.ge [sflag:s23], $0x1  }
0xa5: {  	[sflag:s23] =	ssyncset.done $0x0  }
0xa6: {  	s25 =	simm.s32 $0x1B8E;
	s24 =	sld [smem:$0x3FFE];
	[sflag:s23] =	ssyncadd.s32 $0xFFFFFFFF  }
0xa7: {  	s26 =	simm.s32 $execute0_lowered;
	[smem:$0x3FD2] =	sst s25  }
0xa8: {  	s7 =	sshll.u32 s26, $0x1;
	_ =	strace $0x80000046;
	[dreg:$0x1] =	wrdreg $0xFFFFFFFF  }
0xa9: {  	s28 =	simm.s32 $_size_execute0_lowered;
	s5 =	sadd.s32 s5, s7;
	[dreg:$0x0] =	wrdreg $0x0  }
0xaa: {  	s7 =	sshll.u32 s28, $0x1;
	[dreg:$0x2] =	wrdreg s5  }
0xab: {  	[dreg:$0x3] =	wrdreg s7  }
0xac: {  	[dreg:$0x4] =	wrdreg $0xC0  }
0xad: {  	_ =	task [dreg:s9], $0x5FFFF  }
0xae: {  	[dreg:$0x1] =	wrdreg $0xFFFFFFFF  }
0xaf: {  	[dreg:$0x0] =	wrdreg $0x60  }
0xb0: {  	[dreg:$0x2] =	wrdreg s24  }
0xb1: {  	[dreg:$0x3] =	wrdreg s2  }
0xb2: {  	[dreg:$0x4] =	wrdreg s18  }
0xb3: {  	[dreg:$0x5] =	wrdreg s4  }
0xb4: {  	[dreg:$0x6] =	wrdreg $0x9  }
0xb5: {  	_ =	task.clear_ibuf [dreg:s9], $0x7FFFF;
	_ =	strace $0x90000046  }
0xb6: {  	s29 =	simm.s32 $0x9;
	_ =	strace $0x80000048  }
0xb7: {  	_ =	swait.ge [sflag:s29], $0x1  }
0xb8: {  	[sflag:s29] =	ssyncadd.s32 $0xFFFFFFFF  }
0xb9: {  	_ =	strace $0x90000048  }
0xba: {  	_ =	sfence  }
0xbb: {  	s30 =	sld [smem:$0x0];
	_ =	sdelay $0x2  }
0xbc: {  	s31 =	sshll.u32 s1, $0xD;
	s1 =	sshrl.u32 s1, $0x2  }
0xbd: {  	s3 =	sand.u32 $0x4000, s31;
	s1 =	sadd.s32 s1, s30  }
0xbe: {  	s0 =	sor.u32 s3, s0;
	s1 =	sshll.u32 s1, $0x11  }
0xbf: {  	s0 =	sor.u32 s1, s0  }
0xc0: {  	s0 =	sadd.s32 $0x8F2B, s0  }
0xc1: {  	[sflag:s0] =	ssyncadd.remote.s32 $0x1  }
0xc2: {  	_ =	sfence.sel $0xFFFF  }
0xc3: {  	[dreg:$0x0] =	wrdreg $0xFFFFFFFF;
	(pc) =	sbr.abs _section_cstart, $3  }
0xc4: {  	[dreg:$0x1] =	wrdreg $0xFFFFFFFF  }
0xc5: {  	_ =	task.clear_ibuf [dreg:s9], $0x2FFFF;
	_ =	strace $0x9FFFFFFF  }
0xc6: {  	(tm) =	ssettm $0x7FFFFFFF  }
0xc7: {  	_ =	shalt  }
tec
execute0_lowered:
.L_overlay_start_1:
0x0: {  	(tag) =	ssettag $0x1  }
0x1: {  	s4 =	rddreg [dreg:$0x0]  }
0x2: {  	s5 =	rddreg [dreg:$0x1]  }
0x3: {  	s8 =	rddreg [dreg:$0x2];
	s1 =	srdreg.scid  }
0x4: {  	s0 =	stileid.u32;
	s2 =	rddreg [dreg:$0x3]  }
0x5: {  	s3 =	simm.s32 $0x0;
	s13 =	simm.s32 $0x12D00;
	s14 =	simm.s32 $0x8  }
0x6: {  	s15 =	simm.s32 $0x2;
	s16 =	simm.s32 $0x1;
	s17 =	simm.s32 $0x0  }
0x7: {  	s6 =	sand.u32 $0x1, s1;
	s7 =	sshll.u32 s0, $0x1;
	[smem:$0x7FF] =	sst s3  }
0x8: {  	s1 =	rddreg [dreg:$0x4];
	s7 =	sor.u32 s6, s7;
	_ =	strace $0x80000047  }
0x9: {  	s6 =	ssub.s32 $0x2, s6;
	s9 =	smul.u32 $0xC80, s7;
	s10 =	sshll.u32 s7, $0xB  }
.Ltmp0:
0xa: {  	s31 =	sshrl.u32 s6, $0x1;
	s11 =	sshll.u32 s7, $0x4;
	(pc) =	sbr.rel .LBB2_1-.Ltmp0, $4  }
0xb: {  	s10 =	sadd.s32 s10, s4;
	s12 =	ssub.s32 s6, s31;
	s5 =	sadd.s32 s5, s11  }
0xc: {  	s8 =	sadd.s32 s8, s11;
	s11 =	simm.s32 $0x3;
	s9 =	sadd.s32 s9, s4  }
0xd: {  	s6 =	sadd.s32 $0x33800, s10;
	s4 =	sadd.s32 $0x1800, s9;
	s7 =	sadd.s32 $0x1A800, s9  }
0xe: {  	s9 =	sadd.s32 $0x43800, s10;
	s10 =	smax.u32 s12, $0x1;
	s12 =	simm.s32 $0x6400  }
.LBB2_67:
0xf: {  	s17 =	sadd.s32 $0x1, s17  }
0x10: {  	p0 =	sne.s32 s17, s10  }
.Ltmp1:
0x11: {  	_ = 	snop;
	(pc) =	sbr.rel @!p0 .LBB2_68-.Ltmp1, $4  }
0x12: {  	[hbm4b:s9+s3] =	stream.linear.scatter [tilespmem:s13], [sflag:$0x3], $0x4000, $0x38;
	[tilespmem:$0x16D00] =	vst v63  }
0x13: {  	_ =	swait.ge [sflag:s11], $0x4000  }
0x14: {  	[sflag:s11] =	ssyncset.done $0x0  }
0x15: {  	[sflag:s11] =	ssyncadd.s32 $0xFFFFC000  }
.LBB2_1:
0x16: {  	[tilespmem:s3], [sflag:$0x3] =	stream.linear.gather [hbm4b:s4+s3], $0x6400, $0x38;
	[tilespmem:$0x16D00] =	vst v63  }
0x17: {  	_ =	swait.ge [sflag:s11], $0x6400  }
0x18: {  	[sflag:s11] =	ssyncset.done $0x0  }
0x19: {  	[sflag:s11] =	ssyncadd.s32 $0xFFFF9C00  }
0x1a: {  	[tilespmem:s12], [sflag:$0x3] =	stream.linear.gather [hbm4b:s5+s3], $0x80, $0x38;
	[tilespmem:$0x16D00] =	vst v63  }
0x1b: {  	_ =	swait.ge [sflag:s11], $0x80  }
0x1c: {  	[sflag:s11] =	ssyncset.done $0x0  }
0x1d: {  	[sflag:s11] =	ssyncadd.s32 $0xFFFFFF80  }
0x1e: {  	v0 =	vld [tilespmem:$0x6400];
	_ =	sdelay $0x4  }
0x1f: {  	(v2sf) =	vpush v0, $0x0;
	_ =	sdelay $0xe  }
0x20: {  	s18 =	spop (v2sf)  }
0x21: {  	s18 =	sadd.s32 $0x7, s18  }
0x22: {  	s19 =	sshrl.u32 s18, $0x3  }
0x23: {  	p0 =	seq.s32 s19, $0x0  }
.Ltmp2:
0x24: {  	_ = 	snop;
	(pc) =	sbr.rel @p0 .LBB2_4-.Ltmp2, $2  }
0x25: {  	_ =	sdelay $0x2  }
0x26: {  	s18 =	simm.s32 $0x6500  }
0x27: {  	p0 =	sne.s32 s19, $0x1  }
.Ltmp3:
0x28: {  	_ = 	snop;
	(pc) =	sbr.rel @!p0 .LBB2_4-.Ltmp3, $3  }
0x29: {  	_ =	sdelay $0x1  }
0x2a: {  	[tilespmem:s18], [sflag:$0x1] =	stream.indirect.gather [hbm4b:s2+s14], $0x80, s3, s14, $0xb8;
	[tilespmem:$0x16D00] =	vst v63  }
0x2b: {  	s19 =	sadd.s32 $0xFFFFFFFF, s19;
	s20 =	simm.s32 $0x0  }
.LBB2_3:
0x2c: {  	p0 =	sne.s32 s19, $0x1  }
.Ltmp4:
0x2d: {  	_ = 	snop;
	(pc) =	sbr.rel @p0 .LBB2_3-.Ltmp4, $4  }
0x2e: {  	_ = 	snop  }
0x2f: {  	s20 =	sadd.s32 $0x8, s20;
	s18 =	sadd.s32 $0x400, s18  }
0x30: {  	s19 =	sadd.s32 $0xFFFFFFFF, s19  }
0x31: {  	[tilespmem:s18], [sflag:$0x1] =	stream.indirect.gather [hbm4b:s2+s14], $0x80, s20, s14, $0xb8;
	[tilespmem:$0x16D00] =	vst v63  }
.LBB2_4:
0x32: {  	v0 =	vld [tilespmem:$0x6401];
	_ =	sdelay $0x4  }
0x33: {  	(v2sf) =	vpush v0, $0x0;
	_ =	sdelay $0xe  }
0x34: {  	s18 =	spop (v2sf)  }
0x35: {  	s18 =	sadd.s32 $0x7, s18  }
0x36: {  	s20 =	sshrl.u32 s18, $0x3  }
0x37: {  	p0 =	seq.s32 s20, $0x0  }
.Ltmp5:
0x38: {  	_ = 	snop;
	(pc) =	sbr.rel @p0 .LBB2_7-.Ltmp5, $1  }
0x39: {  	_ =	sdelay $0x3  }
0x3a: {  	p0 =	sne.s32 s20, $0x1  }
.Ltmp6:
0x3b: {  	_ = 	snop;
	(pc) =	sbr.rel @!p0 .LBB2_7-.Ltmp6, $3  }
0x3c: {  	_ =	sdelay $0x1  }
0x3d: {  	s18 =	simm.s32 $0xC8;
	s19 =	simm.s32 $0xC900;
	s20 =	sadd.s32 $0xFFFFFFFF, s20  }
0x3e: {  	[tilespmem:s19], [sflag:$0x2] =	stream.indirect.gather [hbm4b:s2+s14], $0x80, s18, s14, $0xb8;
	[tilespmem:$0x16D00] =	vst v63  }
.LBB2_6:
0x3f: {  	p0 =	sne.s32 s20, $0x1  }
.Ltmp7:
0x40: {  	_ = 	snop;
	(pc) =	sbr.rel @p0 .LBB2_6-.Ltmp7, $4  }
0x41: {  	_ = 	snop  }
0x42: {  	s18 =	sadd.s32 $0x8, s18;
	s19 =	sadd.s32 $0x400, s19  }
0x43: {  	s20 =	sadd.s32 $0xFFFFFFFF, s20  }
0x44: {  	[tilespmem:s19], [sflag:$0x2] =	stream.indirect.gather [hbm4b:s2+s14], $0x80, s18, s14, $0xb8;
	[tilespmem:$0x16D00] =	vst v63  }
.LBB2_7:
.Ltmp8:
0x45: {  	(pc) =	sbr.rel .LBB2_8-.Ltmp8, $2  }
0x46: {  	_ =	sdelay $0x2  }
0x47: {  	s18 =	simm.s32 $0x0;
	s19 =	simm.s32 $0x190;
	s20 =	simm.s32 $0x258  }
.LBB2_33:
0x48: {  	s18 =	sadd.s32 $0x1, s18;
	s19 =	sadd.s32 $0x190, s19;
	s20 =	sadd.s32 $0x190, s20  }
.LBB2_8:
0x49: {  	s21 =	sshll.u32 s18, $0x1  }
0x4a: {  	v0 =	vld [tilespmem:s21+$0x6400];
	_ =	sdelay $0x4  }
0x4b: {  	(v2sf) =	vpush v0, $0x0;
	_ =	sdelay $0xe  }
0x4c: {  	s22 =	spop (v2sf)  }
0x4d: {  	s23 =	sadd.s32 $0x7, s22  }
0x4e: {  	s23 =	sshrl.u32 s23, $0x3  }
0x4f: {  	p0 =	seq.s32 s23, $0x0  }
.Ltmp9:
0x50: {  	_ = 	snop;
	(pc) =	sbr.rel @p0 .LBB2_12-.Ltmp9, $1  }
0x51: {  	_ =	sdelay $0x3  }
0x52: {  	p0 =	sne.s32 s23, $0x1  }
.Ltmp10:
0x53: {  	_ = 	snop;
	(pc) =	sbr.rel @!p0 .LBB2_11-.Ltmp10, $3  }
0x54: {  	_ =	sdelay $0x1  }
0x55: {  	_ =	swait.ge [sflag:s16], $0x400  }
0x56: {  	s23 =	sadd.s32 $0xFFFFFFFF, s23;
	[sflag:s16] =	ssyncset.done $0x0  }
.LBB2_10:
0x57: {  	p0 =	sne.s32 s23, $0x1;
	s23 =	sadd.s32 $0xFFFFFFFF, s23;
	[sflag:s16] =	ssyncadd.s32 $0xFFFFFC00  }
.Ltmp11:
0x58: {  	(pc) =	sbr.rel @p0 .LBB2_10-.Ltmp11, $3  }
0x59: {  	_ =	sdelay $0x1  }
0x5a: {  	_ =	swait.ge [sflag:s16], $0x400  }
0x5b: {  	[sflag:s16] =	ssyncset.done $0x0  }
.LBB2_11:
0x5c: {  	[sflag:s16] =	ssyncadd.s32 $0xFFFFFC00  }
.LBB2_12:
0x5d: {  	s24 =	sshra.s32 s22, $0x1  }
0x5e: {  	p0 =	slt.s32 s24, $0x1  }
.Ltmp12:
0x5f: {  	_ = 	snop;
	(pc) =	sbr.rel @p0 .LBB2_13-.Ltmp12, $2  }
0x60: {  	_ =	sdelay $0x2  }
0x61: {  	v0 =	vimm.f32 $0.0e+00;
	s23 =	simm.s32 $0x6580  }
0x62: {  	v3 =	vld [tilespmem:s23+$0x0]  }
0x63: {  	v5 =	vld [tilespmem:s23+$0x10]  }
0x64: {  	v4 =	vld [tilespmem:s23+$0x20]  }
0x65: {  	v6 =	vld [tilespmem:s23+$0x30]  }
0x66: {  	v1 =	vld [tilespmem:s23+$0x40]  }
0x67: {  	v2 =	vld [tilespmem:s23+$0x50]  }
0x68: {  	v7 =	vld [tilespmem:s23+$0xFFFFFF80]  }
0x69: {  	v8 =	vld [tilespmem:s23+$0xFFFFFF90]  }
0x6a: {  	v16 =	vld [tilespmem:s23+$0xFFFFFFA0];
	p0 =	sne.s32 s24, $0x1  }
.Ltmp13:
0x6b: {  	v17 =	vld [tilespmem:s23+$0xFFFFFFB0];
	(pc) =	sbr.rel @!p0 .LBB2_16-.Ltmp13, $4  }
0x6c: {  	v12 =	vld [tilespmem:s23+$0xFFFFFFC0]  }
0x6d: {  	v13 =	vld [tilespmem:s23+$0xFFFFFFD0];
	v11 =	vimm.f32 $0.0e+00  }
0x6e: {  	v14 =	vld [tilespmem:s23+$0xFFFFFFE0];
	v9 =	vimm.f32 $0.0e+00;
	v10 =	vimm.f32 $0.0e+00;
	v18 =	vadd.f32 v7, v0  }
0x6f: {  	v15 =	vld [tilespmem:s23+$0xFFFFFFF0];
	s24 =	sadd.s32 $0xFFFFFFFF, s24;
	v19 =	vadd.f32 v8, v0;
	v7 =	vimm.f32 $0.0e+00;
	v8 =	vimm.f32 $0.0e+00  }
.LBB2_15:
0x70: {  	p0 =	sne.s32 s24, $0x1;
	v0 =	vadd.f32 v16, v0;
	v11 =	vadd.f32 v17, v11;
	v16 =	vld [tilespmem:s23+$0x60]  }
0x71: {  	v18 =	vadd.f32 v3, v18;
	v19 =	vadd.f32 v5, v19;
	v17 =	vld [tilespmem:s23+$0x70];
	s23 =	sadd.s32 $0x100, s23  }
0x72: {  	v3 =	vld [tilespmem:s23+$0x0];
	v0 =	vadd.f32 v4, v0;
	v11 =	vadd.f32 v6, v11  }
0x73: {  	v7 =	vadd.f32 v12, v7;
	v8 =	vadd.f32 v13, v8;
	v5 =	vld [tilespmem:s23+$0x10]  }
0x74: {  	v9 =	vadd.f32 v14, v9;
	v4 =	vld [tilespmem:s23+$0x20];
	v10 =	vadd.f32 v15, v10  }
0x75: {  	v7 =	vadd.f32 v1, v7;
	v8 =	vadd.f32 v2, v8;
	v6 =	vld [tilespmem:s23+$0x30]  }
0x76: {  	v9 =	vadd.f32 v16, v9;
	v1 =	vld [tilespmem:s23+$0x40];
	v10 =	vadd.f32 v17, v10  }
0x77: {  	v2 =	vld [tilespmem:s23+$0x50]  }
0x78: {  	v15 =	vld [tilespmem:s23+$0xFFFFFF80]  }
0x79: {  	v20 =	vld [tilespmem:s23+$0xFFFFFF90]  }
0x7a: {  	v16 =	vld [tilespmem:s23+$0xFFFFFFA0]  }
.Ltmp14:
0x7b: {  	v17 =	vld [tilespmem:s23+$0xFFFFFFB0];
	(pc) =	sbr.rel @p0 .LBB2_15-.Ltmp14, $4  }
0x7c: {  	v12 =	vld [tilespmem:s23+$0xFFFFFFC0]  }
0x7d: {  	v13 =	vld [tilespmem:s23+$0xFFFFFFD0]  }
0x7e: {  	v14 =	vld [tilespmem:s23+$0xFFFFFFE0]  }
0x7f: {  	s24 =	sadd.s32 $0xFFFFFFFF, s24;
	v18 =	vadd.f32 v15, v18;
	v19 =	vadd.f32 v20, v19;
	v15 =	vld [tilespmem:s23+$0xFFFFFFF0]  }
.LBB2_16:
0x80: {  	v16 =	vadd.f32 v16, v0;
	v17 =	vadd.f32 v17, v11;
	v20 =	vld [tilespmem:s23+$0x60]  }
0x81: {  	v63 =	vld [tilespmem:s23+$0x70];
	v0 =	vadd.f32 v3, v18;
	v5 =	vadd.f32 v5, v19  }
.Ltmp15:
0x82: {  	v11 =	vadd.f32 v4, v16;
	v3 =	vadd.f32 v6, v17;
	(pc) =	sbr.rel .LBB2_17-.Ltmp15, $4  }
0x83: {  	v4 =	vadd.f32 v12, v7;
	v7 =	vadd.f32 v13, v8  }
0x84: {  	v8 =	vadd.f32 v14, v9;
	v9 =	vadd.f32 v15, v10  }
0x85: {  	v6 =	vadd.f32 v1, v4;
	v4 =	vadd.f32 v2, v7  }
0x86: {  	v2 =	vadd.f32 v20, v8;
	v1 =	vadd.f32 v63, v9  }
.LBB2_13:
0x87: {  	v5 =	vimm.f32 $0.0e+00  }
0x88: {  	v11 =	vimm.f32 $0.0e+00;
	v3 =	vimm.f32 $0.0e+00;
	v6 =	vimm.f32 $0.0e+00  }
0x89: {  	v4 =	vimm.f32 $0.0e+00;
	v2 =	vimm.f32 $0.0e+00;
	v1 =	vimm.f32 $0.0e+00  }
.LBB2_17:
0x8a: {  	s23 =	scvt.s32.f32 s22  }
0x8b: {  	s24 =	sshll.u32 s22, $0x7  }
0x8c: {  	s24 =	sadd.s32 $0xFFFFFF80, s24;
	v7 =	vmov s23  }
0x8d: {  	s28 =	sand.u32 $0xFFFFFF00, s24;
	(erf) = vrcp.f32 v7  }
0x8e: {  	v53 =	vld [tilespmem:s28+$0x6500]  }
0x8f: {  	v8 =	vld [tilespmem:s28+$0x6510]  }
0x90: {  	s29 =	sand.u32 $0x1, s22;
	v9 =	vld [tilespmem:s28+$0x6520]  }
0x91: {  	s30 =	scvt.s32.f32 s29;
	v10 =	vld [tilespmem:s28+$0x6530]  }
0x92: {  	v12 =	vld [tilespmem:s28+$0x6540]  }
0x93: {  	v13 =	vld [tilespmem:s28+$0x6550];
	v7 =	vmul.f32 s30, v53  }
0x94: {  	v55 =	vld [tilespmem:s28+$0x6570];
	v8 =	vmul.f32 s30, v8  }
0x95: {  	v14 =	vld [tilespmem:s28+$0x6560];
	v54 =	vmul.f32 s30, v9;
	v0 =	vadd.f32 v7, v0  }
0x96: {  	v56 =	vmul.f32 s30, v10;
	v5 =	vadd.f32 v8, v5;
	v57 =	vpop (erf)  }
0x97: {  	s31 =	sshll.u32 s18, $0x8;
	v58 =	vmul.f32 s30, v12;
	v7 =	vadd.f32 v54, v11;
	v0 =	vmul.f32 v0, v57  }
0x98: {  	s22 =	sand.u32 $0x3FFFFF00, s31;
	v59 =	vmul.f32 s30, v13;
	v3 =	vadd.f32 v56, v3;
	v5 =	vmul.f32 v5, v57  }
0x99: {  	v61 =	vmul.f32 s30, v55;
	v6 =	vadd.f32 v58, v6;
	v7 =	vmul.f32 v7, v57;
	[tilespmem:s22+$0x12D00] =	vst v0  }
0x9a: {  	v60 =	vmul.f32 s30, v14;
	v4 =	vadd.f32 v59, v4;
	v3 =	vmul.f32 v3, v57;
	[tilespmem:s22+$0x12D10] =	vst v5  }
0x9b: {  	v1 =	vadd.f32 v61, v1;
	v62 =	vmul.f32 v6, v57;
	[tilespmem:s22+$0x12D20] =	vst v7  }
0x9c: {  	v63 =	vmul.f32 v4, v57;
	v0 =	vadd.f32 v60, v2;
	[tilespmem:s22+$0x12D30] =	vst v3  }
0x9d: {  	v1 =	vmul.f32 v1, v57;
	[tilespmem:s22+$0x12D40] =	vst v62  }
0x9e: {  	[tilespmem:s22+$0x12D50] =	vst v63;
	v0 =	vmul.f32 v0, v57  }
0x9f: {  	[tilespmem:s22+$0x12D70] =	vst v1  }
0xa0: {  	p0 =	seq.s32 s18, $0x3F;
	s23 =	sadd.s32 $0x2, s21;
	[tilespmem:s22+$0x12D60] =	vst v0  }
0xa1: {  	v0 =	vld @!p0 [tilespmem:s23+$0x6400];
	_ =	sdelay $0x4  }
0xa2: {  	(v2sf) =	vpush @!p0 v0, $0x0;
	_ =	sdelay $0xe  }
0xa3: {  	s23 =	spop @!p0 (v2sf)  }
0xa4: {  	s23 =	sadd.s32 @!p0 $0x7, s23  }
0xa5: {  	s24 =	sshrl.u32 @!p0 s23, $0x3  }
0xa6: {  	p1 =	seq.s32 @!p0 s24, $0x0  }
0xa7: {  	p1 =	por p0, p1  }
.Ltmp16:
0xa8: {  	_ = 	snop;
	(pc) =	sbr.rel @p1 .LBB2_20-.Ltmp16, $2  }
0xa9: {  	_ =	sdelay $0x2  }
0xaa: {  	s23 =	simm.s32 @!p0 $0x6500  }
0xab: {  	p1 =	sne.s32 s24, $0x1  }
.Ltmp17:
0xac: {  	_ = 	snop;
	(pc) =	sbr.rel @!p1 .LBB2_20-.Ltmp17, $3  }
0xad: {  	_ =	sdelay $0x1  }
0xae: {  	[tilespmem:s23], [sflag:$0x1] =	stream.indirect.gather [hbm4b:s2+s14], $0x80, s19, s14, $0xb8;
	[tilespmem:$0x16D00] =	vst v63  }
0xaf: {  	s24 =	sadd.s32 $0xFFFFFFFF, s24;
	s25 =	smov.u32 s19  }
.LBB2_19:
0xb0: {  	p1 =	sne.s32 s24, $0x1  }
.Ltmp18:
0xb1: {  	_ = 	snop;
	(pc) =	sbr.rel @p1 .LBB2_19-.Ltmp18, $4  }
0xb2: {  	_ = 	snop  }
0xb3: {  	s25 =	sadd.s32 $0x8, s25;
	s23 =	sadd.s32 $0x400, s23  }
0xb4: {  	s24 =	sadd.s32 $0xFFFFFFFF, s24  }
0xb5: {  	[tilespmem:s23], [sflag:$0x1] =	stream.indirect.gather [hbm4b:s2+s14], $0x80, s25, s14, $0xb8;
	[tilespmem:$0x16D00] =	vst v63  }
.LBB2_20:
0xb6: {  	v0 =	vld [tilespmem:s21+$0x6401];
	_ =	sdelay $0x4  }
0xb7: {  	(v2sf) =	vpush v0, $0x0;
	_ =	sdelay $0xe  }
0xb8: {  	s23 =	spop (v2sf)  }
0xb9: {  	s24 =	sadd.s32 $0x7, s23  }
0xba: {  	s24 =	sshrl.u32 s24, $0x3  }
0xbb: {  	p1 =	seq.s32 s24, $0x0  }
.Ltmp19:
0xbc: {  	_ = 	snop;
	(pc) =	sbr.rel @p1 .LBB2_24-.Ltmp19, $1  }
0xbd: {  	_ =	sdelay $0x3  }
0xbe: {  	p1 =	sne.s32 s24, $0x1  }
.Ltmp20:
0xbf: {  	_ = 	snop;
	(pc) =	sbr.rel @!p1 .LBB2_23-.Ltmp20, $3  }
0xc0: {  	_ =	sdelay $0x1  }
0xc1: {  	_ =	swait.ge [sflag:s15], $0x400  }
0xc2: {  	s24 =	sadd.s32 $0xFFFFFFFF, s24;
	[sflag:s15] =	ssyncset.done $0x0  }
.LBB2_22:
0xc3: {  	p1 =	sne.s32 s24, $0x1;
	s24 =	sadd.s32 $0xFFFFFFFF, s24;
	[sflag:s15] =	ssyncadd.s32 $0xFFFFFC00  }
.Ltmp21:
0xc4: {  	(pc) =	sbr.rel @p1 .LBB2_22-.Ltmp21, $3  }
0xc5: {  	_ =	sdelay $0x1  }
0xc6: {  	_ =	swait.ge [sflag:s15], $0x400  }
0xc7: {  	[sflag:s15] =	ssyncset.done $0x0  }
.LBB2_23:
0xc8: {  	[sflag:s15] =	ssyncadd.s32 $0xFFFFFC00  }
.LBB2_24:
0xc9: {  	s25 =	sshra.s32 s23, $0x1  }
0xca: {  	p1 =	slt.s32 s25, $0x1  }
.Ltmp22:
0xcb: {  	_ = 	snop;
	(pc) =	sbr.rel @p1 .LBB2_25-.Ltmp22, $2  }
0xcc: {  	_ =	sdelay $0x2  }
0xcd: {  	v0 =	vimm.f32 $0.0e+00;
	s24 =	simm.s32 $0xC980  }
0xce: {  	v3 =	vld [tilespmem:s24+$0x0]  }
0xcf: {  	v5 =	vld [tilespmem:s24+$0x10]  }
0xd0: {  	v4 =	vld [tilespmem:s24+$0x20]  }
0xd1: {  	v6 =	vld [tilespmem:s24+$0x30]  }
0xd2: {  	v1 =	vld [tilespmem:s24+$0x40]  }
0xd3: {  	v2 =	vld [tilespmem:s24+$0x50]  }
0xd4: {  	v7 =	vld [tilespmem:s24+$0xFFFFFF80]  }
0xd5: {  	v8 =	vld [tilespmem:s24+$0xFFFFFF90]  }
0xd6: {  	v16 =	vld [tilespmem:s24+$0xFFFFFFA0];
	p1 =	sne.s32 s25, $0x1  }
.Ltmp23:
0xd7: {  	v17 =	vld [tilespmem:s24+$0xFFFFFFB0];
	(pc) =	sbr.rel @!p1 .LBB2_28-.Ltmp23, $4  }
0xd8: {  	v12 =	vld [tilespmem:s24+$0xFFFFFFC0]  }
0xd9: {  	v13 =	vld [tilespmem:s24+$0xFFFFFFD0];
	v11 =	vimm.f32 $0.0e+00  }
0xda: {  	v14 =	vld [tilespmem:s24+$0xFFFFFFE0];
	v9 =	vimm.f32 $0.0e+00;
	v10 =	vimm.f32 $0.0e+00;
	v18 =	vadd.f32 v7, v0  }
0xdb: {  	v15 =	vld [tilespmem:s24+$0xFFFFFFF0];
	s25 =	sadd.s32 $0xFFFFFFFF, s25;
	v19 =	vadd.f32 v8, v0;
	v7 =	vimm.f32 $0.0e+00;
	v8 =	vimm.f32 $0.0e+00  }
.LBB2_27:
0xdc: {  	p1 =	sne.s32 s25, $0x1;
	v0 =	vadd.f32 v16, v0;
	v11 =	vadd.f32 v17, v11;
	v16 =	vld [tilespmem:s24+$0x60]  }
0xdd: {  	v18 =	vadd.f32 v3, v18;
	v19 =	vadd.f32 v5, v19;
	v17 =	vld [tilespmem:s24+$0x70];
	s24 =	sadd.s32 $0x100, s24  }
0xde: {  	v3 =	vld [tilespmem:s24+$0x0];
	v0 =	vadd.f32 v4, v0;
	v11 =	vadd.f32 v6, v11  }
0xdf: {  	v7 =	vadd.f32 v12, v7;
	v8 =	vadd.f32 v13, v8;
	v5 =	vld [tilespmem:s24+$0x10]  }
0xe0: {  	v9 =	vadd.f32 v14, v9;
	v4 =	vld [tilespmem:s24+$0x20];
	v10 =	vadd.f32 v15, v10  }
0xe1: {  	v7 =	vadd.f32 v1, v7;
	v8 =	vadd.f32 v2, v8;
	v6 =	vld [tilespmem:s24+$0x30]  }
0xe2: {  	v9 =	vadd.f32 v16, v9;
	v1 =	vld [tilespmem:s24+$0x40];
	v10 =	vadd.f32 v17, v10  }
0xe3: {  	v2 =	vld [tilespmem:s24+$0x50]  }
0xe4: {  	v15 =	vld [tilespmem:s24+$0xFFFFFF80]  }
0xe5: {  	v20 =	vld [tilespmem:s24+$0xFFFFFF90]  }
0xe6: {  	v16 =	vld [tilespmem:s24+$0xFFFFFFA0]  }
.Ltmp24:
0xe7: {  	v17 =	vld [tilespmem:s24+$0xFFFFFFB0];
	(pc) =	sbr.rel @p1 .LBB2_27-.Ltmp24, $4  }
0xe8: {  	v12 =	vld [tilespmem:s24+$0xFFFFFFC0]  }
0xe9: {  	v13 =	vld [tilespmem:s24+$0xFFFFFFD0]  }
0xea: {  	v14 =	vld [tilespmem:s24+$0xFFFFFFE0]  }
0xeb: {  	s25 =	sadd.s32 $0xFFFFFFFF, s25;
	v18 =	vadd.f32 v15, v18;
	v19 =	vadd.f32 v20, v19;
	v15 =	vld [tilespmem:s24+$0xFFFFFFF0]  }
.LBB2_28:
0xec: {  	v16 =	vadd.f32 v16, v0;
	v11 =	vadd.f32 v17, v11;
	v62 =	vld [tilespmem:s24+$0x60]  }
0xed: {  	v63 =	vld [tilespmem:s24+$0x70];
	v0 =	vadd.f32 v3, v18;
	v5 =	vadd.f32 v5, v19  }
.Ltmp25:
0xee: {  	v4 =	vadd.f32 v4, v16;
	v3 =	vadd.f32 v6, v11;
	(pc) =	sbr.rel .LBB2_29-.Ltmp25, $4  }
0xef: {  	v6 =	vadd.f32 v12, v7;
	v8 =	vadd.f32 v13, v8  }
0xf0: {  	v9 =	vadd.f32 v14, v9;
	v10 =	vadd.f32 v15, v10  }
0xf1: {  	v7 =	vadd.f32 v1, v6;
	v6 =	vadd.f32 v2, v8  }
0xf2: {  	v2 =	vadd.f32 v62, v9;
	v1 =	vadd.f32 v63, v10  }
.LBB2_25:
0xf3: {  	v5 =	vimm.f32 $0.0e+00  }
0xf4: {  	v4 =	vimm.f32 $0.0e+00;
	v3 =	vimm.f32 $0.0e+00;
	v7 =	vimm.f32 $0.0e+00  }
0xf5: {  	v6 =	vimm.f32 $0.0e+00;
	v2 =	vimm.f32 $0.0e+00;
	v1 =	vimm.f32 $0.0e+00  }
.LBB2_29:
0xf6: {  	s24 =	scvt.s32.f32 s23  }
0xf7: {  	s25 =	sshll.u32 s23, $0x7  }
0xf8: {  	s25 =	sadd.s32 $0xFFFFFF80, s25;
	v8 =	vmov s24  }
0xf9: {  	s30 =	sand.u32 $0xFFFFFF00, s25;
	(erf) = vrcp.f32 v8  }
0xfa: {  	v53 =	vld [tilespmem:s30+$0xC900]  }
0xfb: {  	v9 =	vld [tilespmem:s30+$0xC910]  }
0xfc: {  	s31 =	sand.u32 $0x1, s23;
	v10 =	vld [tilespmem:s30+$0xC920]  }
0xfd: {  	s23 =	scvt.s32.f32 s31;
	v11 =	vld [tilespmem:s30+$0xC930]  }
0xfe: {  	v12 =	vld [tilespmem:s30+$0xC940]  }
0xff: {  	v13 =	vld [tilespmem:s30+$0xC950];
	v8 =	vmul.f32 s23, v53  }
0x100: {  	v55 =	vld [tilespmem:s30+$0xC970];
	v9 =	vmul.f32 s23, v9  }
0x101: {  	v14 =	vld [tilespmem:s30+$0xC960];
	v54 =	vmul.f32 s23, v10;
	v0 =	vadd.f32 v8, v0  }
0x102: {  	v56 =	vmul.f32 s23, v11;
	v5 =	vadd.f32 v9, v5;
	v57 =	vpop (erf)  }
0x103: {  	v58 =	vmul.f32 s23, v12;
	v4 =	vadd.f32 v54, v4;
	v0 =	vmul.f32 v0, v57  }
0x104: {  	v59 =	vmul.f32 s23, v13;
	v3 =	vadd.f32 v56, v3;
	v5 =	vmul.f32 v5, v57  }
0x105: {  	v61 =	vmul.f32 s23, v55;
	v7 =	vadd.f32 v58, v7;
	v4 =	vmul.f32 v4, v57;
	[tilespmem:s22+$0x12D80] =	vst v0  }
0x106: {  	v60 =	vmul.f32 s23, v14;
	v6 =	vadd.f32 v59, v6;
	v3 =	vmul.f32 v3, v57;
	[tilespmem:s22+$0x12D90] =	vst v5  }
0x107: {  	v1 =	vadd.f32 v61, v1;
	v62 =	vmul.f32 v7, v57;
	[tilespmem:s22+$0x12DA0] =	vst v4  }
.Ltmp26:
0x108: {  	v63 =	vmul.f32 v6, v57;
	v0 =	vadd.f32 v60, v2;
	[tilespmem:s22+$0x12DB0] =	vst v3;
	(pc) =	sbr.rel @p0 .LBB2_34-.Ltmp26, $4  }
0x109: {  	v1 =	vmul.f32 v1, v57;
	[tilespmem:s22+$0x12DC0] =	vst v62  }
0x10a: {  	[tilespmem:s22+$0x12DD0] =	vst v63;
	v0 =	vmul.f32 v0, v57  }
0x10b: {  	[tilespmem:s22+$0x12DF0] =	vst v1  }
0x10c: {  	[tilespmem:s22+$0x12DE0] =	vst v0  }
0x10d: {  	s21 =	sadd.s32 $0x3, s21  }
0x10e: {  	v0 =	vld [tilespmem:s21+$0x6400];
	_ =	sdelay $0x4  }
0x10f: {  	(v2sf) =	vpush v0, $0x0;
	_ =	sdelay $0xe  }
0x110: {  	s31 =	spop (v2sf)  }
0x111: {  	s21 =	sadd.s32 $0x7, s31  }
0x112: {  	s22 =	sshrl.u32 s21, $0x3  }
0x113: {  	p0 =	seq.s32 s22, $0x0  }
.Ltmp27:
0x114: {  	_ = 	snop;
	(pc) =	sbr.rel @p0 .LBB2_33-.Ltmp27, $2  }
0x115: {  	_ =	sdelay $0x2  }
0x116: {  	s21 =	simm.s32 $0xC900  }
0x117: {  	p0 =	sne.s32 s22, $0x1  }
.Ltmp28:
0x118: {  	_ = 	snop;
	(pc) =	sbr.rel @!p0 .LBB2_33-.Ltmp28, $3  }
0x119: {  	_ =	sdelay $0x1  }
0x11a: {  	[tilespmem:s21], [sflag:$0x2] =	stream.indirect.gather [hbm4b:s2+s14], $0x80, s20, s14, $0xb8;
	[tilespmem:$0x16D00] =	vst v63  }
0x11b: {  	s22 =	sadd.s32 $0xFFFFFFFF, s22;
	s23 =	smov.u32 s20  }
.LBB2_32:
0x11c: {  	p0 =	sne.s32 s22, $0x1  }
.Ltmp29:
0x11d: {  	_ = 	snop;
	(pc) =	sbr.rel @p0 .LBB2_32-.Ltmp29, $4  }
0x11e: {  	_ = 	snop  }
0x11f: {  	s23 =	sadd.s32 $0x8, s23;
	s21 =	sadd.s32 $0x400, s21  }
0x120: {  	s22 =	sadd.s32 $0xFFFFFFFF, s22  }
0x121: {  	[tilespmem:s21], [sflag:$0x2] =	stream.indirect.gather [hbm4b:s2+s14], $0x80, s23, s14, $0xb8;
	[tilespmem:$0x16D00] =	vst v63  }
.Ltmp30:
0x122: {  	_ = 	snop;
	(pc) =	sbr.rel .LBB2_33-.Ltmp30, $1  }
0x123: {  	_ =	sdelay $0x3  }
.LBB2_34:
0x124: {  	s18 =	simm.s32 $0x0  }
0x125: {  	[hbm4b:s6+s18] =	stream.linear.scatter [tilespmem:s13], [sflag:$0x3], $0x4000, $0x38;
	[tilespmem:$0x16D00] =	vst v63  }
0x126: {  	_ =	swait.ge [sflag:s11], $0x4000  }
0x127: {  	[sflag:s11] =	ssyncset.done $0x0  }
0x128: {  	[sflag:s11] =	ssyncadd.s32 $0xFFFFC000  }
0x129: {  	[tilespmem:s18], [sflag:$0x3] =	stream.linear.gather [hbm4b:s7+s18], $0x6400, $0x38;
	[tilespmem:$0x16D00] =	vst v63  }
0x12a: {  	_ =	swait.ge [sflag:s11], $0x6400  }
0x12b: {  	[sflag:s11] =	ssyncset.done $0x0  }
0x12c: {  	[sflag:s11] =	ssyncadd.s32 $0xFFFF9C00  }
0x12d: {  	[tilespmem:s12], [sflag:$0x3] =	stream.linear.gather [hbm4b:s8+s18], $0x80, $0x38;
	[tilespmem:$0x16D00] =	vst v63  }
0x12e: {  	_ =	swait.ge [sflag:s11], $0x80  }
0x12f: {  	[sflag:s11] =	ssyncset.done $0x0  }
0x130: {  	[sflag:s11] =	ssyncadd.s32 $0xFFFFFF80  }
0x131: {  	v0 =	vld [tilespmem:$0x6400];
	_ =	sdelay $0x4  }
0x132: {  	(v2sf) =	vpush v0, $0x0;
	_ =	sdelay $0xe  }
0x133: {  	s19 =	spop (v2sf)  }
0x134: {  	s19 =	sadd.s32 $0x7, s19  }
0x135: {  	s20 =	sshrl.u32 s19, $0x3  }
0x136: {  	p0 =	seq.s32 s20, $0x0  }
.Ltmp31:
0x137: {  	_ = 	snop;
	(pc) =	sbr.rel @p0 .LBB2_37-.Ltmp31, $2  }
0x138: {  	_ =	sdelay $0x2  }
0x139: {  	s19 =	simm.s32 $0x6500  }
0x13a: {  	p0 =	sne.s32 s20, $0x1  }
.Ltmp32:
0x13b: {  	_ = 	snop;
	(pc) =	sbr.rel @!p0 .LBB2_37-.Ltmp32, $3  }
0x13c: {  	_ =	sdelay $0x1  }
0x13d: {  	[tilespmem:s19], [sflag:$0x1] =	stream.indirect.gather [hbm4b:s2+s14], $0x80, s18, s14, $0xb8;
	[tilespmem:$0x16D00] =	vst v63  }
0x13e: {  	s20 =	sadd.s32 $0xFFFFFFFF, s20  }
.LBB2_36:
0x13f: {  	p0 =	sne.s32 s20, $0x1  }
.Ltmp33:
0x140: {  	_ = 	snop;
	(pc) =	sbr.rel @p0 .LBB2_36-.Ltmp33, $4  }
0x141: {  	_ = 	snop  }
0x142: {  	s18 =	sadd.s32 $0x8, s18;
	s19 =	sadd.s32 $0x400, s19  }
0x143: {  	s20 =	sadd.s32 $0xFFFFFFFF, s20  }
0x144: {  	[tilespmem:s19], [sflag:$0x1] =	stream.indirect.gather [hbm4b:s2+s14], $0x80, s18, s14, $0xb8;
	[tilespmem:$0x16D00] =	vst v63  }
.LBB2_37:
0x145: {  	v0 =	vld [tilespmem:$0x6401];
	_ =	sdelay $0x4  }
0x146: {  	(v2sf) =	vpush v0, $0x0;
	_ =	sdelay $0xe  }
0x147: {  	s18 =	spop (v2sf)  }
0x148: {  	s18 =	sadd.s32 $0x7, s18  }
0x149: {  	s20 =	sshrl.u32 s18, $0x3  }
0x14a: {  	p0 =	seq.s32 s20, $0x0  }
.Ltmp34:
0x14b: {  	_ = 	snop;
	(pc) =	sbr.rel @p0 .LBB2_40-.Ltmp34, $1  }
0x14c: {  	_ =	sdelay $0x3  }
0x14d: {  	p0 =	sne.s32 s20, $0x1  }
.Ltmp35:
0x14e: {  	_ = 	snop;
	(pc) =	sbr.rel @!p0 .LBB2_40-.Ltmp35, $3  }
0x14f: {  	_ =	sdelay $0x1  }
0x150: {  	s18 =	simm.s32 $0xC8;
	s19 =	simm.s32 $0xC900;
	s20 =	sadd.s32 $0xFFFFFFFF, s20  }
0x151: {  	[tilespmem:s19], [sflag:$0x2] =	stream.indirect.gather [hbm4b:s2+s14], $0x80, s18, s14, $0xb8;
	[tilespmem:$0x16D00] =	vst v63  }
.LBB2_39:
0x152: {  	p0 =	sne.s32 s20, $0x1  }
.Ltmp36:
0x153: {  	_ = 	snop;
	(pc) =	sbr.rel @p0 .LBB2_39-.Ltmp36, $4  }
0x154: {  	_ = 	snop  }
0x155: {  	s18 =	sadd.s32 $0x8, s18;
	s19 =	sadd.s32 $0x400, s19  }
0x156: {  	s20 =	sadd.s32 $0xFFFFFFFF, s20  }
0x157: {  	[tilespmem:s19], [sflag:$0x2] =	stream.indirect.gather [hbm4b:s2+s14], $0x80, s18, s14, $0xb8;
	[tilespmem:$0x16D00] =	vst v63  }
.LBB2_40:
.Ltmp37:
0x158: {  	(pc) =	sbr.rel .LBB2_41-.Ltmp37, $2  }
0x159: {  	_ =	sdelay $0x2  }
0x15a: {  	s18 =	simm.s32 $0x0;
	s19 =	simm.s32 $0x190;
	s20 =	simm.s32 $0x258  }
.LBB2_66:
0x15b: {  	s18 =	sadd.s32 $0x1, s18;
	s19 =	sadd.s32 $0x190, s19;
	s20 =	sadd.s32 $0x190, s20  }
.LBB2_41:
0x15c: {  	s21 =	sshll.u32 s18, $0x1  }
0x15d: {  	v0 =	vld [tilespmem:s21+$0x6400];
	_ =	sdelay $0x4  }
0x15e: {  	(v2sf) =	vpush v0, $0x0;
	_ =	sdelay $0xe  }
0x15f: {  	s22 =	spop (v2sf)  }
0x160: {  	s23 =	sadd.s32 $0x7, s22  }
0x161: {  	s23 =	sshrl.u32 s23, $0x3  }
0x162: {  	p0 =	seq.s32 s23, $0x0  }
.Ltmp38:
0x163: {  	_ = 	snop;
	(pc) =	sbr.rel @p0 .LBB2_45-.Ltmp38, $1  }
0x164: {  	_ =	sdelay $0x3  }
0x165: {  	p0 =	sne.s32 s23, $0x1  }
.Ltmp39:
0x166: {  	_ = 	snop;
	(pc) =	sbr.rel @!p0 .LBB2_44-.Ltmp39, $3  }
0x167: {  	_ =	sdelay $0x1  }
0x168: {  	_ =	swait.ge [sflag:s16], $0x400  }
0x169: {  	s23 =	sadd.s32 $0xFFFFFFFF, s23;
	[sflag:s16] =	ssyncset.done $0x0  }
.LBB2_43:
0x16a: {  	p0 =	sne.s32 s23, $0x1;
	s23 =	sadd.s32 $0xFFFFFFFF, s23;
	[sflag:s16] =	ssyncadd.s32 $0xFFFFFC00  }
.Ltmp40:
0x16b: {  	(pc) =	sbr.rel @p0 .LBB2_43-.Ltmp40, $3  }
0x16c: {  	_ =	sdelay $0x1  }
0x16d: {  	_ =	swait.ge [sflag:s16], $0x400  }
0x16e: {  	[sflag:s16] =	ssyncset.done $0x0  }
.LBB2_44:
0x16f: {  	[sflag:s16] =	ssyncadd.s32 $0xFFFFFC00  }
.LBB2_45:
0x170: {  	s24 =	sshra.s32 s22, $0x1  }
0x171: {  	p0 =	slt.s32 s24, $0x1  }
.Ltmp41:
0x172: {  	_ = 	snop;
	(pc) =	sbr.rel @p0 .LBB2_46-.Ltmp41, $2  }
0x173: {  	_ =	sdelay $0x2  }
0x174: {  	v0 =	vimm.f32 $0.0e+00;
	s23 =	simm.s32 $0x6580  }
0x175: {  	v3 =	vld [tilespmem:s23+$0x0]  }
0x176: {  	v5 =	vld [tilespmem:s23+$0x10]  }
0x177: {  	v4 =	vld [tilespmem:s23+$0x20]  }
0x178: {  	v6 =	vld [tilespmem:s23+$0x30]  }
0x179: {  	v1 =	vld [tilespmem:s23+$0x40]  }
0x17a: {  	v2 =	vld [tilespmem:s23+$0x50]  }
0x17b: {  	v7 =	vld [tilespmem:s23+$0xFFFFFF80]  }
0x17c: {  	v8 =	vld [tilespmem:s23+$0xFFFFFF90]  }
0x17d: {  	v16 =	vld [tilespmem:s23+$0xFFFFFFA0];
	p0 =	sne.s32 s24, $0x1  }
.Ltmp42:
0x17e: {  	v17 =	vld [tilespmem:s23+$0xFFFFFFB0];
	(pc) =	sbr.rel @!p0 .LBB2_49-.Ltmp42, $4  }
0x17f: {  	v12 =	vld [tilespmem:s23+$0xFFFFFFC0]  }
0x180: {  	v13 =	vld [tilespmem:s23+$0xFFFFFFD0];
	v11 =	vimm.f32 $0.0e+00  }
0x181: {  	v14 =	vld [tilespmem:s23+$0xFFFFFFE0];
	v9 =	vimm.f32 $0.0e+00;
	v10 =	vimm.f32 $0.0e+00;
	v18 =	vadd.f32 v7, v0  }
0x182: {  	v15 =	vld [tilespmem:s23+$0xFFFFFFF0];
	s24 =	sadd.s32 $0xFFFFFFFF, s24;
	v19 =	vadd.f32 v8, v0;
	v7 =	vimm.f32 $0.0e+00;
	v8 =	vimm.f32 $0.0e+00  }
.LBB2_48:
0x183: {  	p0 =	sne.s32 s24, $0x1;
	v0 =	vadd.f32 v16, v0;
	v11 =	vadd.f32 v17, v11;
	v16 =	vld [tilespmem:s23+$0x60]  }
0x184: {  	v18 =	vadd.f32 v3, v18;
	v19 =	vadd.f32 v5, v19;
	v17 =	vld [tilespmem:s23+$0x70];
	s23 =	sadd.s32 $0x100, s23  }
0x185: {  	v3 =	vld [tilespmem:s23+$0x0];
	v0 =	vadd.f32 v4, v0;
	v11 =	vadd.f32 v6, v11  }
0x186: {  	v7 =	vadd.f32 v12, v7;
	v8 =	vadd.f32 v13, v8;
	v5 =	vld [tilespmem:s23+$0x10]  }
0x187: {  	v9 =	vadd.f32 v14, v9;
	v4 =	vld [tilespmem:s23+$0x20];
	v10 =	vadd.f32 v15, v10  }
0x188: {  	v7 =	vadd.f32 v1, v7;
	v8 =	vadd.f32 v2, v8;
	v6 =	vld [tilespmem:s23+$0x30]  }
0x189: {  	v9 =	vadd.f32 v16, v9;
	v1 =	vld [tilespmem:s23+$0x40];
	v10 =	vadd.f32 v17, v10  }
0x18a: {  	v2 =	vld [tilespmem:s23+$0x50]  }
0x18b: {  	v15 =	vld [tilespmem:s23+$0xFFFFFF80]  }
0x18c: {  	v20 =	vld [tilespmem:s23+$0xFFFFFF90]  }
0x18d: {  	v16 =	vld [tilespmem:s23+$0xFFFFFFA0]  }
.Ltmp43:
0x18e: {  	v17 =	vld [tilespmem:s23+$0xFFFFFFB0];
	(pc) =	sbr.rel @p0 .LBB2_48-.Ltmp43, $4  }
0x18f: {  	v12 =	vld [tilespmem:s23+$0xFFFFFFC0]  }
0x190: {  	v13 =	vld [tilespmem:s23+$0xFFFFFFD0]  }
0x191: {  	v14 =	vld [tilespmem:s23+$0xFFFFFFE0]  }
0x192: {  	s24 =	sadd.s32 $0xFFFFFFFF, s24;
	v18 =	vadd.f32 v15, v18;
	v19 =	vadd.f32 v20, v19;
	v15 =	vld [tilespmem:s23+$0xFFFFFFF0]  }
.LBB2_49:
0x193: {  	v16 =	vadd.f32 v16, v0;
	v17 =	vadd.f32 v17, v11;
	v20 =	vld [tilespmem:s23+$0x60]  }
0x194: {  	v63 =	vld [tilespmem:s23+$0x70];
	v0 =	vadd.f32 v3, v18;
	v5 =	vadd.f32 v5, v19  }
.Ltmp44:
0x195: {  	v11 =	vadd.f32 v4, v16;
	v3 =	vadd.f32 v6, v17;
	(pc) =	sbr.rel .LBB2_50-.Ltmp44, $4  }
0x196: {  	v4 =	vadd.f32 v12, v7;
	v7 =	vadd.f32 v13, v8  }
0x197: {  	v8 =	vadd.f32 v14, v9;
	v9 =	vadd.f32 v15, v10  }
0x198: {  	v6 =	vadd.f32 v1, v4;
	v4 =	vadd.f32 v2, v7  }
0x199: {  	v2 =	vadd.f32 v20, v8;
	v1 =	vadd.f32 v63, v9  }
.LBB2_46:
0x19a: {  	v5 =	vimm.f32 $0.0e+00  }
0x19b: {  	v11 =	vimm.f32 $0.0e+00;
	v3 =	vimm.f32 $0.0e+00;
	v6 =	vimm.f32 $0.0e+00  }
0x19c: {  	v4 =	vimm.f32 $0.0e+00;
	v2 =	vimm.f32 $0.0e+00;
	v1 =	vimm.f32 $0.0e+00  }
.LBB2_50:
0x19d: {  	s23 =	scvt.s32.f32 s22  }
0x19e: {  	s24 =	sshll.u32 s22, $0x7  }
0x19f: {  	s24 =	sadd.s32 $0xFFFFFF80, s24;
	v7 =	vmov s23  }
0x1a0: {  	s28 =	sand.u32 $0xFFFFFF00, s24;
	(erf) = vrcp.f32 v7  }
0x1a1: {  	v53 =	vld [tilespmem:s28+$0x6500]  }
0x1a2: {  	v8 =	vld [tilespmem:s28+$0x6510]  }
0x1a3: {  	s29 =	sand.u32 $0x1, s22;
	v9 =	vld [tilespmem:s28+$0x6520]  }
0x1a4: {  	s30 =	scvt.s32.f32 s29;
	v10 =	vld [tilespmem:s28+$0x6530]  }
0x1a5: {  	v12 =	vld [tilespmem:s28+$0x6540]  }
0x1a6: {  	v13 =	vld [tilespmem:s28+$0x6550];
	v7 =	vmul.f32 s30, v53  }
0x1a7: {  	v55 =	vld [tilespmem:s28+$0x6570];
	v8 =	vmul.f32 s30, v8  }
0x1a8: {  	v14 =	vld [tilespmem:s28+$0x6560];
	v54 =	vmul.f32 s30, v9;
	v0 =	vadd.f32 v7, v0  }
0x1a9: {  	v56 =	vmul.f32 s30, v10;
	v5 =	vadd.f32 v8, v5;
	v57 =	vpop (erf)  }
0x1aa: {  	s31 =	sshll.u32 s18, $0x8;
	v58 =	vmul.f32 s30, v12;
	v7 =	vadd.f32 v54, v11;
	v0 =	vmul.f32 v0, v57  }
0x1ab: {  	s22 =	sand.u32 $0x3FFFFF00, s31;
	v59 =	vmul.f32 s30, v13;
	v3 =	vadd.f32 v56, v3;
	v5 =	vmul.f32 v5, v57  }
0x1ac: {  	v61 =	vmul.f32 s30, v55;
	v6 =	vadd.f32 v58, v6;
	v7 =	vmul.f32 v7, v57;
	[tilespmem:s22+$0x12D00] =	vst v0  }
0x1ad: {  	v60 =	vmul.f32 s30, v14;
	v4 =	vadd.f32 v59, v4;
	v3 =	vmul.f32 v3, v57;
	[tilespmem:s22+$0x12D10] =	vst v5  }
0x1ae: {  	v1 =	vadd.f32 v61, v1;
	v62 =	vmul.f32 v6, v57;
	[tilespmem:s22+$0x12D20] =	vst v7  }
0x1af: {  	v63 =	vmul.f32 v4, v57;
	v0 =	vadd.f32 v60, v2;
	[tilespmem:s22+$0x12D30] =	vst v3  }
0x1b0: {  	v1 =	vmul.f32 v1, v57;
	[tilespmem:s22+$0x12D40] =	vst v62  }
0x1b1: {  	[tilespmem:s22+$0x12D50] =	vst v63;
	v0 =	vmul.f32 v0, v57  }
0x1b2: {  	[tilespmem:s22+$0x12D70] =	vst v1  }
0x1b3: {  	p0 =	seq.s32 s18, $0x3F;
	s23 =	sadd.s32 $0x2, s21;
	[tilespmem:s22+$0x12D60] =	vst v0  }
0x1b4: {  	v0 =	vld @!p0 [tilespmem:s23+$0x6400];
	_ =	sdelay $0x4  }
0x1b5: {  	(v2sf) =	vpush @!p0 v0, $0x0;
	_ =	sdelay $0xe  }
0x1b6: {  	s23 =	spop @!p0 (v2sf)  }
0x1b7: {  	s23 =	sadd.s32 @!p0 $0x7, s23  }
0x1b8: {  	s24 =	sshrl.u32 @!p0 s23, $0x3  }
0x1b9: {  	p1 =	seq.s32 @!p0 s24, $0x0  }
0x1ba: {  	p1 =	por p0, p1  }
.Ltmp45:
0x1bb: {  	_ = 	snop;
	(pc) =	sbr.rel @p1 .LBB2_53-.Ltmp45, $2  }
0x1bc: {  	_ =	sdelay $0x2  }
0x1bd: {  	s23 =	simm.s32 @!p0 $0x6500  }
0x1be: {  	p1 =	sne.s32 s24, $0x1  }
.Ltmp46:
0x1bf: {  	_ = 	snop;
	(pc) =	sbr.rel @!p1 .LBB2_53-.Ltmp46, $3  }
0x1c0: {  	_ =	sdelay $0x1  }
0x1c1: {  	[tilespmem:s23], [sflag:$0x1] =	stream.indirect.gather [hbm4b:s2+s14], $0x80, s19, s14, $0xb8;
	[tilespmem:$0x16D00] =	vst v63  }
0x1c2: {  	s24 =	sadd.s32 $0xFFFFFFFF, s24;
	s25 =	smov.u32 s19  }
.LBB2_52:
0x1c3: {  	p1 =	sne.s32 s24, $0x1  }
.Ltmp47:
0x1c4: {  	_ = 	snop;
	(pc) =	sbr.rel @p1 .LBB2_52-.Ltmp47, $4  }
0x1c5: {  	_ = 	snop  }
0x1c6: {  	s25 =	sadd.s32 $0x8, s25;
	s23 =	sadd.s32 $0x400, s23  }
0x1c7: {  	s24 =	sadd.s32 $0xFFFFFFFF, s24  }
0x1c8: {  	[tilespmem:s23], [sflag:$0x1] =	stream.indirect.gather [hbm4b:s2+s14], $0x80, s25, s14, $0xb8;
	[tilespmem:$0x16D00] =	vst v63  }
.LBB2_53:
0x1c9: {  	v0 =	vld [tilespmem:s21+$0x6401];
	_ =	sdelay $0x4  }
0x1ca: {  	(v2sf) =	vpush v0, $0x0;
	_ =	sdelay $0xe  }
0x1cb: {  	s23 =	spop (v2sf)  }
0x1cc: {  	s24 =	sadd.s32 $0x7, s23  }
0x1cd: {  	s24 =	sshrl.u32 s24, $0x3  }
0x1ce: {  	p1 =	seq.s32 s24, $0x0  }
.Ltmp48:
0x1cf: {  	_ = 	snop;
	(pc) =	sbr.rel @p1 .LBB2_57-.Ltmp48, $1  }
0x1d0: {  	_ =	sdelay $0x3  }
0x1d1: {  	p1 =	sne.s32 s24, $0x1  }
.Ltmp49:
0x1d2: {  	_ = 	snop;
	(pc) =	sbr.rel @!p1 .LBB2_56-.Ltmp49, $3  }
0x1d3: {  	_ =	sdelay $0x1  }
0x1d4: {  	_ =	swait.ge [sflag:s15], $0x400  }
0x1d5: {  	s24 =	sadd.s32 $0xFFFFFFFF, s24;
	[sflag:s15] =	ssyncset.done $0x0  }
.LBB2_55:
0x1d6: {  	p1 =	sne.s32 s24, $0x1;
	s24 =	sadd.s32 $0xFFFFFFFF, s24;
	[sflag:s15] =	ssyncadd.s32 $0xFFFFFC00  }
.Ltmp50:
0x1d7: {  	(pc) =	sbr.rel @p1 .LBB2_55-.Ltmp50, $3  }
0x1d8: {  	_ =	sdelay $0x1  }
0x1d9: {  	_ =	swait.ge [sflag:s15], $0x400  }
0x1da: {  	[sflag:s15] =	ssyncset.done $0x0  }
.LBB2_56:
0x1db: {  	[sflag:s15] =	ssyncadd.s32 $0xFFFFFC00  }
.LBB2_57:
0x1dc: {  	s25 =	sshra.s32 s23, $0x1  }
0x1dd: {  	p1 =	slt.s32 s25, $0x1  }
.Ltmp51:
0x1de: {  	_ = 	snop;
	(pc) =	sbr.rel @p1 .LBB2_58-.Ltmp51, $2  }
0x1df: {  	_ =	sdelay $0x2  }
0x1e0: {  	v0 =	vimm.f32 $0.0e+00;
	s24 =	simm.s32 $0xC980  }
0x1e1: {  	v3 =	vld [tilespmem:s24+$0x0]  }
0x1e2: {  	v5 =	vld [tilespmem:s24+$0x10]  }
0x1e3: {  	v4 =	vld [tilespmem:s24+$0x20]  }
0x1e4: {  	v6 =	vld [tilespmem:s24+$0x30]  }
0x1e5: {  	v1 =	vld [tilespmem:s24+$0x40]  }
0x1e6: {  	v2 =	vld [tilespmem:s24+$0x50]  }
0x1e7: {  	v7 =	vld [tilespmem:s24+$0xFFFFFF80]  }
0x1e8: {  	v8 =	vld [tilespmem:s24+$0xFFFFFF90]  }
0x1e9: {  	v16 =	vld [tilespmem:s24+$0xFFFFFFA0];
	p1 =	sne.s32 s25, $0x1  }
.Ltmp52:
0x1ea: {  	v17 =	vld [tilespmem:s24+$0xFFFFFFB0];
	(pc) =	sbr.rel @!p1 .LBB2_61-.Ltmp52, $4  }
0x1eb: {  	v12 =	vld [tilespmem:s24+$0xFFFFFFC0]  }
0x1ec: {  	v13 =	vld [tilespmem:s24+$0xFFFFFFD0];
	v11 =	vimm.f32 $0.0e+00  }
0x1ed: {  	v14 =	vld [tilespmem:s24+$0xFFFFFFE0];
	v9 =	vimm.f32 $0.0e+00;
	v10 =	vimm.f32 $0.0e+00;
	v18 =	vadd.f32 v7, v0  }
0x1ee: {  	v15 =	vld [tilespmem:s24+$0xFFFFFFF0];
	s25 =	sadd.s32 $0xFFFFFFFF, s25;
	v19 =	vadd.f32 v8, v0;
	v7 =	vimm.f32 $0.0e+00;
	v8 =	vimm.f32 $0.0e+00  }
.LBB2_60:
0x1ef: {  	p1 =	sne.s32 s25, $0x1;
	v0 =	vadd.f32 v16, v0;
	v11 =	vadd.f32 v17, v11;
	v16 =	vld [tilespmem:s24+$0x60]  }
0x1f0: {  	v18 =	vadd.f32 v3, v18;
	v19 =	vadd.f32 v5, v19;
	v17 =	vld [tilespmem:s24+$0x70];
	s24 =	sadd.s32 $0x100, s24  }
0x1f1: {  	v3 =	vld [tilespmem:s24+$0x0];
	v0 =	vadd.f32 v4, v0;
	v11 =	vadd.f32 v6, v11  }
0x1f2: {  	v7 =	vadd.f32 v12, v7;
	v8 =	vadd.f32 v13, v8;
	v5 =	vld [tilespmem:s24+$0x10]  }
0x1f3: {  	v9 =	vadd.f32 v14, v9;
	v4 =	vld [tilespmem:s24+$0x20];
	v10 =	vadd.f32 v15, v10  }
0x1f4: {  	v7 =	vadd.f32 v1, v7;
	v8 =	vadd.f32 v2, v8;
	v6 =	vld [tilespmem:s24+$0x30]  }
0x1f5: {  	v9 =	vadd.f32 v16, v9;
	v1 =	vld [tilespmem:s24+$0x40];
	v10 =	vadd.f32 v17, v10  }
0x1f6: {  	v2 =	vld [tilespmem:s24+$0x50]  }
0x1f7: {  	v15 =	vld [tilespmem:s24+$0xFFFFFF80]  }
0x1f8: {  	v20 =	vld [tilespmem:s24+$0xFFFFFF90]  }
0x1f9: {  	v16 =	vld [tilespmem:s24+$0xFFFFFFA0]  }
.Ltmp53:
0x1fa: {  	v17 =	vld [tilespmem:s24+$0xFFFFFFB0];
	(pc) =	sbr.rel @p1 .LBB2_60-.Ltmp53, $4  }
0x1fb: {  	v12 =	vld [tilespmem:s24+$0xFFFFFFC0]  }
0x1fc: {  	v13 =	vld [tilespmem:s24+$0xFFFFFFD0]  }
0x1fd: {  	v14 =	vld [tilespmem:s24+$0xFFFFFFE0]  }
0x1fe: {  	s25 =	sadd.s32 $0xFFFFFFFF, s25;
	v18 =	vadd.f32 v15, v18;
	v19 =	vadd.f32 v20, v19;
	v15 =	vld [tilespmem:s24+$0xFFFFFFF0]  }
.LBB2_61:
0x1ff: {  	v16 =	vadd.f32 v16, v0;
	v11 =	vadd.f32 v17, v11;
	v62 =	vld [tilespmem:s24+$0x60]  }
0x200: {  	v63 =	vld [tilespmem:s24+$0x70];
	v0 =	vadd.f32 v3, v18;
	v5 =	vadd.f32 v5, v19  }
.Ltmp54:
0x201: {  	v4 =	vadd.f32 v4, v16;
	v3 =	vadd.f32 v6, v11;
	(pc) =	sbr.rel .LBB2_62-.Ltmp54, $4  }
0x202: {  	v6 =	vadd.f32 v12, v7;
	v8 =	vadd.f32 v13, v8  }
0x203: {  	v9 =	vadd.f32 v14, v9;
	v10 =	vadd.f32 v15, v10  }
0x204: {  	v7 =	vadd.f32 v1, v6;
	v6 =	vadd.f32 v2, v8  }
0x205: {  	v2 =	vadd.f32 v62, v9;
	v1 =	vadd.f32 v63, v10  }
.LBB2_58:
0x206: {  	v5 =	vimm.f32 $0.0e+00  }
0x207: {  	v4 =	vimm.f32 $0.0e+00;
	v3 =	vimm.f32 $0.0e+00;
	v7 =	vimm.f32 $0.0e+00  }
0x208: {  	v6 =	vimm.f32 $0.0e+00;
	v2 =	vimm.f32 $0.0e+00;
	v1 =	vimm.f32 $0.0e+00  }
.LBB2_62:
0x209: {  	s24 =	scvt.s32.f32 s23  }
0x20a: {  	s25 =	sshll.u32 s23, $0x7  }
0x20b: {  	s25 =	sadd.s32 $0xFFFFFF80, s25;
	v8 =	vmov s24  }
0x20c: {  	s30 =	sand.u32 $0xFFFFFF00, s25;
	(erf) = vrcp.f32 v8  }
0x20d: {  	v53 =	vld [tilespmem:s30+$0xC900]  }
0x20e: {  	v9 =	vld [tilespmem:s30+$0xC910]  }
0x20f: {  	s31 =	sand.u32 $0x1, s23;
	v10 =	vld [tilespmem:s30+$0xC920]  }
0x210: {  	s23 =	scvt.s32.f32 s31;
	v11 =	vld [tilespmem:s30+$0xC930]  }
0x211: {  	v12 =	vld [tilespmem:s30+$0xC940]  }
0x212: {  	v13 =	vld [tilespmem:s30+$0xC950];
	v8 =	vmul.f32 s23, v53  }
0x213: {  	v55 =	vld [tilespmem:s30+$0xC970];
	v9 =	vmul.f32 s23, v9  }
0x214: {  	v14 =	vld [tilespmem:s30+$0xC960];
	v54 =	vmul.f32 s23, v10;
	v0 =	vadd.f32 v8, v0  }
0x215: {  	v56 =	vmul.f32 s23, v11;
	v5 =	vadd.f32 v9, v5;
	v57 =	vpop (erf)  }
0x216: {  	v58 =	vmul.f32 s23, v12;
	v4 =	vadd.f32 v54, v4;
	v0 =	vmul.f32 v0, v57  }
0x217: {  	v59 =	vmul.f32 s23, v13;
	v3 =	vadd.f32 v56, v3;
	v5 =	vmul.f32 v5, v57  }
0x218: {  	v61 =	vmul.f32 s23, v55;
	v7 =	vadd.f32 v58, v7;
	v4 =	vmul.f32 v4, v57;
	[tilespmem:s22+$0x12D80] =	vst v0  }
0x219: {  	v60 =	vmul.f32 s23, v14;
	v6 =	vadd.f32 v59, v6;
	v3 =	vmul.f32 v3, v57;
	[tilespmem:s22+$0x12D90] =	vst v5  }
0x21a: {  	v1 =	vadd.f32 v61, v1;
	v62 =	vmul.f32 v7, v57;
	[tilespmem:s22+$0x12DA0] =	vst v4  }
.Ltmp55:
0x21b: {  	v63 =	vmul.f32 v6, v57;
	v0 =	vadd.f32 v60, v2;
	[tilespmem:s22+$0x12DB0] =	vst v3;
	(pc) =	sbr.rel @p0 .LBB2_67-.Ltmp55, $4  }
0x21c: {  	v1 =	vmul.f32 v1, v57;
	[tilespmem:s22+$0x12DC0] =	vst v62  }
0x21d: {  	[tilespmem:s22+$0x12DD0] =	vst v63;
	v0 =	vmul.f32 v0, v57  }
0x21e: {  	[tilespmem:s22+$0x12DF0] =	vst v1  }
0x21f: {  	[tilespmem:s22+$0x12DE0] =	vst v0  }
0x220: {  	s21 =	sadd.s32 $0x3, s21  }
0x221: {  	v0 =	vld [tilespmem:s21+$0x6400];
	_ =	sdelay $0x4  }
0x222: {  	(v2sf) =	vpush v0, $0x0;
	_ =	sdelay $0xe  }
0x223: {  	s31 =	spop (v2sf)  }
0x224: {  	s21 =	sadd.s32 $0x7, s31  }
0x225: {  	s22 =	sshrl.u32 s21, $0x3  }
0x226: {  	p0 =	seq.s32 s22, $0x0  }
.Ltmp56:
0x227: {  	_ = 	snop;
	(pc) =	sbr.rel @p0 .LBB2_66-.Ltmp56, $2  }
0x228: {  	_ =	sdelay $0x2  }
0x229: {  	s21 =	simm.s32 $0xC900  }
0x22a: {  	p0 =	sne.s32 s22, $0x1  }
.Ltmp57:
0x22b: {  	_ = 	snop;
	(pc) =	sbr.rel @!p0 .LBB2_66-.Ltmp57, $3  }
0x22c: {  	_ =	sdelay $0x1  }
0x22d: {  	[tilespmem:s21], [sflag:$0x2] =	stream.indirect.gather [hbm4b:s2+s14], $0x80, s20, s14, $0xb8;
	[tilespmem:$0x16D00] =	vst v63  }
0x22e: {  	s22 =	sadd.s32 $0xFFFFFFFF, s22;
	s23 =	smov.u32 s20  }
.LBB2_65:
0x22f: {  	p0 =	sne.s32 s22, $0x1  }
.Ltmp58:
0x230: {  	_ = 	snop;
	(pc) =	sbr.rel @p0 .LBB2_65-.Ltmp58, $4  }
0x231: {  	_ = 	snop  }
0x232: {  	s23 =	sadd.s32 $0x8, s23;
	s21 =	sadd.s32 $0x400, s21  }
0x233: {  	s22 =	sadd.s32 $0xFFFFFFFF, s22  }
0x234: {  	[tilespmem:s21], [sflag:$0x2] =	stream.indirect.gather [hbm4b:s2+s14], $0x80, s23, s14, $0xb8;
	[tilespmem:$0x16D00] =	vst v63  }
.Ltmp59:
0x235: {  	_ = 	snop;
	(pc) =	sbr.rel .LBB2_66-.Ltmp59, $1  }
0x236: {  	_ =	sdelay $0x3  }
.LBB2_68:
0x237: {  	_ =	sfence.sel $0x180000  }
0x238: {  	[bflag:$0x0] =	sbarrier.arrive $0xFFFF  }
0x239: {  	p0 =	sne.s32 s0, $0x0;
	_ =	strace $0x90000047  }
0x23a: {  	s0 =	sadd.s32 @!p0 $0x100000, s1;
	[bflag:$0x2] =	sbarrier.arrive $0xFFFF  }
0x23b: {  	[sflag:s0] =	ssyncadd.tile.s32 @!p0 $0x1;
	_ =	shalt  }
.Lfunc_end2:
_tile_overlayer_lowered:
.L_overlay_start_2:
0x23c: {  	(tag) =	ssettag $0x2  }
0x23d: {  	s0 =	rddreg [dreg:$0x0];
	s2 =	stileid.u32  }
0x23e: {  	s1 =	rddreg [dreg:$0x1];
	p0 =	sne.s32 s2, $0x0  }
0x23f: {  	s3 =	rddreg [dreg:$0x2];
	[bflag:$0x3] =	sbarrier.arrive $0xFFFF;
	s2 =	simm.s32 @!p0 $0x1C03  }
0x240: {  	[timem:s3], [sflag:s2] =	dma.local @!p0 [hbm:s0], s1  }
0x241: {  	s0 =	simm.s32 @!p0 $0x3  }
0x242: {  	_ =	swait.ge @!p0 [sflag:s0], s1  }
0x243: {  	s1 =	ssub.s32 @!p0 $0x0, s1;
	[sflag:s0] =	ssyncset.done @!p0 $0x0  }
0x244: {  	[sflag:s0] =	ssyncadd.s32 @!p0 s1  }
0x245: {  	[bflag:$0x3] =	sbarrier.arrive $0xFFFF  }
0x246: {  	_ =	shalt  }

</sc_bundles>
